<compile_context>
chip_gen: v7x
topology: tpu7x:2x2x1
jax: 0.10.2.dev20260603
libtpu: 0.0.44.dev20260713+nightly
codegen_flags: <defaults>
</compile_context>

<pallas_src>
import functools

import jax
import jax.numpy as jnp
from jax import lax
from jax.experimental import pallas as pl
from jax.experimental.pallas import tpu as pltpu
from jax.experimental.pallas import tpu_sc as plsc

_NC = 2
_NS = 16
_L = 16


def _prelu(v, a):
    return jnp.maximum(v, 0.0) + a * jnp.minimum(v, 0.0)



def _ab_body(x_ref, w_ref, b_ref, a_out, b_out):
    d = x_ref.shape[1]
    xv = x_ref[...]
    w = w_ref[...]
    a_out[...] = jnp.dot(xv, w[:d], preferred_element_type=jnp.float32) + b_ref[...]
    b_out[...] = jnp.dot(xv, w[d:], preferred_element_type=jnp.float32)



def _c_body(ea_ref, w2_ref, b2_ref, a2_ref, w3_ref, c_ref):
    e = jnp.dot(ea_ref[...], w2_ref[...], preferred_element_type=jnp.float32)
    e = _prelu(e + b2_ref[...], a2_ref[0, 0])
    c_ref[...] = jnp.dot(e, w3_ref[...], preferred_element_type=jnp.float32)



def _make_sc_edge(N, E, D):
    W = _NC * _NS
    EW = E // W
    K = 40
    NCH = EW // K
    S1 = NCH // 2 + (NCH // 2) % 2
    SEGS = ((0, S1), (S1, NCH - S1))
    SEGM = max(S1, NCH - S1)
    RCH = 200
    NRC = N // RCH
    NP = ((N + 128 * _NS - 1) // (128 * _NS)) * (128 * _NS)
    CC = NP // _NS
    mesh = plsc.VectorSubcoreMesh(
        core_axis_name="c", subcore_axis_name="s",
        num_cores=_NC, num_subcores=_NS)

    @functools.partial(
        pl.kernel,
        out_type=(jax.ShapeDtypeStruct((_NC, N, D), jnp.float32),
                  jax.ShapeDtypeStruct((_NC * NP,), jnp.float32)),
        mesh=mesh,
        scratch_types=[
            pltpu.VMEM((SEGM * K,), jnp.int32),
            pltpu.VMEM((SEGM * K,), jnp.int32),
            pltpu.VMEM((K, D), jnp.float32),
            pltpu.VMEM((K, D), jnp.float32),
            pltpu.VMEM((K, D), jnp.float32),
            pltpu.VMEM((K, D), jnp.float32),
            pltpu.VMEM((K, D), jnp.float32),
            pltpu.VMEM((K, D), jnp.float32),
            pltpu.VMEM((K,), jnp.float32),
            pltpu.VMEM((_L,), jnp.float32),
            pltpu.VMEM_SHARED((N, D), jnp.float32),
            pltpu.VMEM_SHARED((NP,), jnp.float32),
            pltpu.SemaphoreType.DMA,
            pltpu.SemaphoreType.DMA,
            pltpu.SemaphoreType.DMA,
            pltpu.SemaphoreType.DMA,
        ],
    )
    def k(dst_h, src_h, a_h, b_h, c_h, q_h, ones_h, zrow_h, zcnt_h,
          acc_out, cnt_out,
          dst_all, src_all, av0, bv0, cv0, av1, bv1, cv1,
          ones_v, q_v, acc_s, cnt_s, sem0, sem1, ssem0, ssem1):
        cc = lax.axis_index("c")
        ss = lax.axis_index("s")
        wid = cc * _NS + ss
        pltpu.sync_copy(q_h, q_v)
        pltpu.sync_copy(ones_h, ones_v)
        for t in range(-(-NRC // _NS)):
            ch = ss + _NS * t

            @pl.when(ch < NRC)
            def _():
                pltpu.sync_copy(zrow_h, acc_s.at[pl.ds(ch * RCH, RCH)])

        pltpu.sync_copy(zcnt_h, cnt_s.at[pl.ds(ss * CC, CC)])
        plsc.subcore_barrier()
        q = q_v[...]
        slots = ((av0, bv0, cv0, sem0, ssem0),
                 (av1, bv1, cv1, sem1, ssem1))

        def seg_funcs(s0):
            def idx(j):
                r = (j - s0) * K
                return dst_all.at[pl.ds(r, K)], src_all.at[pl.ds(r, K)]

            def issue(j, b):
                a, bb, c, sem, _ = slots[b]
                dv, sv = idx(j)
                pltpu.async_copy(a_h.at[dv], a, sem)
                pltpu.async_copy(b_h.at[sv], bb, sem)
                pltpu.async_copy(c_h.at[pl.ds(wid * EW + j * K, K)], c, sem)

            def drain_scatter(j, b):
                a, _, _, _, ssem = slots[b]
                dv, _ = idx(j)
                pltpu.make_async_copy(a, acc_s.at[dv], ssem).wait()
                pltpu.make_async_copy(ones_v, cnt_s.at[dv], ssem).wait()

            return idx, issue, drain_scatter

        prev = None
        for s0, ln in SEGS:
            idx, issue, drain_scatter = seg_funcs(s0)
            if prev is not None:
                prev[2](s0 - 2, 0)
                prev[2](s0 - 1, 1)
            e0 = wid * EW + s0 * K
            pltpu.sync_copy(dst_h.at[pl.ds(e0, ln * K)],
                            dst_all.at[pl.ds(0, ln * K)])
            pltpu.sync_copy(src_h.at[pl.ds(e0, ln * K)],
                            src_all.at[pl.ds(0, ln * K)])
            issue(s0, 0)

            @pl.loop(s0, s0 + ln, step=2)
            def _(j0, idx=idx, issue=issue, drain_scatter=drain_scatter,
                  s0=s0, ln=ln):
                for b in range(2):
                    j = j0 + b
                    a, bb, c, sem, ssem = slots[b]
                    dv, sv = idx(j)

                    @pl.when(j + 1 < s0 + ln)
                    def _():
                        @pl.when(j >= s0 + 1)
                        def _():
                            drain_scatter(j - 1, 1 - b)

                        issue(j + 1, 1 - b)

                    base = wid * EW + j * K
                    pltpu.make_async_copy(a_h.at[dv], a, sem).wait()
                    pltpu.make_async_copy(b_h.at[sv], bb, sem).wait()
                    pltpu.make_async_copy(c_h.at[pl.ds(base, K)], c, sem).wait()

                    def row(r, carry2):
                        for qi in range(D // _L):
                            sl = pl.ds(qi * _L, _L)
                            t = a[r, sl] + bb[r, sl] + c[r, sl]
                            a[r, sl] = jnp.maximum(t, t * q)
                        return carry2

                    lax.fori_loop(0, K, row, 0)
                    pltpu.async_copy(a, acc_s.at[dv], ssem, add=True)
                    pltpu.async_copy(ones_v, cnt_s.at[dv], ssem, add=True)

            prev = (idx, issue, drain_scatter)

        prev[2](NCH - 2, 0)
        prev[2](NCH - 1, 1)
        plsc.subcore_barrier()

        for t in range(-(-NRC // _NS)):
            ch = ss + _NS * t

            @pl.when(ch < NRC)
            def _():
                r0 = ch * RCH
                pltpu.sync_copy(acc_s.at[pl.ds(r0, RCH)],
                                acc_out.at[cc, pl.ds(r0, RCH)])

        pltpu.sync_copy(cnt_s.at[pl.ds(ss * CC, CC)],
                        cnt_out.at[pl.ds(cc * NP + ss * CC, CC)])

    return k



def _head_body(acc_ref, cnt_ref, x_ref, g_ref, be_ref,
               d1w, d1b, a1_ref, d2w, d2b, a2_ref,
               f1w, f1b, f2w, f2b, o_ref):
    s = acc_ref[0] + acc_ref[1]
    cnt = cnt_ref[0] + cnt_ref[1]
    out = s / jnp.maximum(cnt, 1.0) + x_ref[...]
    m = jnp.mean(out, axis=0, keepdims=True)
    ctr = out - m
    v = jnp.mean(ctr * ctr, axis=0, keepdims=True)
    obn = ctr * (g_ref[...] / jnp.sqrt(v + 1e-5)) + be_ref[...]
    h = jnp.dot(obn, d1w[...], preferred_element_type=jnp.float32) + d1b[...]
    h = _prelu(h, a1_ref[0, 0])
    h = jnp.dot(h, d2w[...], preferred_element_type=jnp.float32) + d2b[...]
    h = _prelu(h, a2_ref[0, 0])
    h = jnp.dot(h, f1w[...], preferred_element_type=jnp.float32) + f1b[...]
    h = jnp.maximum(h, 0.0)
    h = jnp.dot(h, f2w[...], preferred_element_type=jnp.float32) + f2b[...]
    o_ref[...] = jnp.round(jax.nn.sigmoid(h))


def _vspec():
    return pl.BlockSpec(memory_space=pltpu.ANY)


def kernel(x, edge_index, edge_attr, mlp2_W, mlp2_b, a_mlp2, mlp_W, mlp_b,
           a_mlp, bn_gamma, bn_beta, dos1_W, dos1_b, a_dos1, dos2_W, dos2_b,
           a_dos2, fc1_W, fc1_b, fc2_W, fc2_b):
    N, D = x.shape
    E = edge_index.shape[1]
    DE = edge_attr.shape[1]
    OUT = fc2_W.shape[1]
    DIM2 = dos1_W.shape[1]
    src = edge_index[0]
    dst = edge_index[1]
    w12 = mlp_W[: 2 * D]
    w3 = mlp_W[2 * D:]

    a_mat, b_mat = pl.pallas_call(
        _ab_body,
        out_shape=[jax.ShapeDtypeStruct((N, D), jnp.float32),
                   jax.ShapeDtypeStruct((N, D), jnp.float32)],
    )(x, w12, mlp_b.reshape(1, D))

    EB = 2560
    nblk = E // EB
    c_mat = pl.pallas_call(
        _c_body,
        grid=(nblk,),
        in_specs=[
            pl.BlockSpec((EB, DE), lambda i: (i, 0)),
            pl.BlockSpec((DE, DE), lambda i: (0, 0)),
            pl.BlockSpec((1, DE), lambda i: (0, 0)),
            pl.BlockSpec(memory_space=pltpu.SMEM),
            pl.BlockSpec((DE, D), lambda i: (0, 0)),
        ],
        out_specs=pl.BlockSpec((EB, D), lambda i: (i, 0)),
        out_shape=jax.ShapeDtypeStruct((E, D), jnp.float32),
    )(edge_attr, mlp2_W, mlp2_b.reshape(1, DE), a_mlp2.reshape(1, 1), w3)

    q16 = jnp.full((_L,), jnp.minimum(a_mlp, 1.0), dtype=jnp.float32)
    ones_k = jnp.ones((40,), dtype=jnp.float32)
    zrow = jnp.zeros((200, D), dtype=jnp.float32)
    NP = ((N + 128 * _NS - 1) // (128 * _NS)) * (128 * _NS)
    zcnt = jnp.zeros((NP // _NS,), dtype=jnp.float32)
    acc, cnt = _make_sc_edge(N, E, D)(
        dst, src, a_mat, b_mat, c_mat, q16, ones_k, zrow, zcnt)
    cnt_col = cnt.reshape(_NC, NP)[:, :N].reshape(_NC, N, 1)

    out = pl.pallas_call(
        _head_body,
        in_specs=[
            pl.BlockSpec((2, N, D), lambda: (0, 0, 0)),
            pl.BlockSpec((2, N, 1), lambda: (0, 0, 0)),
            pl.BlockSpec((N, D), lambda: (0, 0)),
            pl.BlockSpec((1, D), lambda: (0, 0)),
            pl.BlockSpec((1, D), lambda: (0, 0)),
            pl.BlockSpec((D, DIM2), lambda: (0, 0)),
            pl.BlockSpec((1, DIM2), lambda: (0, 0)),
            pl.BlockSpec(memory_space=pltpu.SMEM),
            pl.BlockSpec((DIM2, OUT), lambda: (0, 0)),
            pl.BlockSpec((1, OUT), lambda: (0, 0)),
            pl.BlockSpec(memory_space=pltpu.SMEM),
            pl.BlockSpec((OUT, 128), lambda: (0, 0)),
            pl.BlockSpec((1, 128), lambda: (0, 0)),
            pl.BlockSpec((128, OUT), lambda: (0, 0)),
            pl.BlockSpec((1, OUT), lambda: (0, 0)),
        ],
        out_shape=jax.ShapeDtypeStruct((N, OUT), jnp.float32),
    )(acc, cnt_col, x, bn_gamma.reshape(1, D), bn_beta.reshape(1, D),
      dos1_W, dos1_b.reshape(1, DIM2), a_dos1.reshape(1, 1),
      dos2_W, dos2_b.reshape(1, OUT), a_dos2.reshape(1, 1),
      fc1_W, fc1_b.reshape(1, 128), fc2_W, fc2_b.reshape(1, OUT))
    return out

# --- scband reference (transcript-rebuilt; emitter-appended) ---
"""Pipeline reference for scband-dospredict-15204184227926 (READ-ONLY COPY).

The authoritative reference and input builder live on the scoring server;
editing this copy changes nothing except your own understanding.
"""

import jax, jax.numpy as jnp
import numpy as np


def prelu(x, a):
    return jnp.where(x >= 0, x, a * x)


def setup_inputs(seed: int = 0) -> dict:
    key = jax.random.key(seed)
    ks = jax.random.split(key, 24)
    N, E, D, DE = 10000, 320000, 128, 16
    DIM2, OUT = 64, 200
    inp = {}
    inp["x"] = jax.random.normal(ks[0], (N, D), dtype=jnp.float32)
    inp["edge_index"] = jax.random.randint(ks[1], (2, E), 0, N, dtype=jnp.int32)
    inp["edge_attr"] = jax.random.normal(ks[2], (E, DE), dtype=jnp.float32)
    # GC_block params (gc_dim = num_features = 128, dim = num_edge_features = 16)
    inp["mlp2_W"] = jax.random.normal(ks[3], (DE, DE), dtype=jnp.float32) * 0.1
    inp["mlp2_b"] = jnp.zeros((DE,), dtype=jnp.float32)
    inp["a_mlp2"] = jnp.array(0.25, dtype=jnp.float32)
    inp["mlp_W"] = jax.random.normal(ks[4], (D + D + DE, D), dtype=jnp.float32) * 0.05
    inp["mlp_b"] = jnp.zeros((D,), dtype=jnp.float32)
    inp["a_mlp"] = jnp.array(0.25, dtype=jnp.float32)
    # BatchNorm1d params
    inp["bn_gamma"] = jnp.ones((D,), dtype=jnp.float32)
    inp["bn_beta"] = jnp.zeros((D,), dtype=jnp.float32)
    # dos_mlp: Linear(128,64)+PReLU, Linear(64,200)+PReLU, BinaryOutputNet(200,200)
    inp["dos1_W"] = jax.random.normal(ks[5], (D, DIM2), dtype=jnp.float32) * 0.08
    inp["dos1_b"] = jnp.zeros((DIM2,), dtype=jnp.float32)
    inp["a_dos1"] = jnp.array(0.25, dtype=jnp.float32)
    inp["dos2_W"] = jax.random.normal(ks[6], (DIM2, OUT), dtype=jnp.float32) * 0.1
    inp["dos2_b"] = jnp.zeros((OUT,), dtype=jnp.float32)
    inp["a_dos2"] = jnp.array(0.25, dtype=jnp.float32)
    inp["fc1_W"] = jax.random.normal(ks[7], (OUT, 128), dtype=jnp.float32) * 0.08
    inp["fc1_b"] = jnp.zeros((128,), dtype=jnp.float32)
    inp["fc2_W"] = jax.random.normal(ks[8], (128, OUT), dtype=jnp.float32) * 0.08
    inp["fc2_b"] = jnp.zeros((OUT,), dtype=jnp.float32)
    return inp


def reference(x, edge_index, edge_attr, mlp2_W, mlp2_b, a_mlp2, mlp_W, mlp_b, a_mlp,
              bn_gamma, bn_beta, dos1_W, dos1_b, a_dos1, dos2_W, dos2_b, a_dos2,
              fc1_W, fc1_b, fc2_W, fc2_b):
    N = x.shape[0]
    src = edge_index[0]
    dst = edge_index[1]
    # GC_block.message: x_i = x[dst], x_j = x[src]
    x_i = jnp.take(x, dst, axis=0)
    x_j = jnp.take(x, src, axis=0)
    e = prelu(edge_attr @ mlp2_W + mlp2_b, a_mlp2)
    z = jnp.concatenate([x_i, x_j, e], axis=-1)
    z = prelu(z @ mlp_W + mlp_b, a_mlp)
    # mean aggregation at dst nodes
    s = jax.ops.segment_sum(z, dst, num_segments=N)
    cnt = jax.ops.segment_sum(jnp.ones((z.shape[0],), dtype=z.dtype), dst, num_segments=N)
    agg = s / jnp.maximum(cnt, 1.0)[:, None]
    out = agg + x  # residual (out += x[1])
    # BatchNorm1d (training-mode batch statistics, eps=1e-5)
    mean = jnp.mean(out, axis=0)
    var = jnp.var(out, axis=0)
    out = (out - mean) / jnp.sqrt(var + 1e-5) * bn_gamma + bn_beta
    # dropout p=0.0 -> identity
    h = prelu(out @ dos1_W + dos1_b, a_dos1)
    h = prelu(h @ dos2_W + dos2_b, a_dos2)
    # BinaryOutputNet
    h = jax.nn.relu(h @ fc1_W + fc1_b)
    h = h @ fc2_W + fc2_b
    h = jax.nn.sigmoid(h)
    h = jnp.round(h)
    return h

if __name__ == "__main__":
    import jax
    _d = setup_inputs()
    print(jax.jit(kernel)(*tuple(_d.values())))

</pallas_src>

<mosaic_0001>
#map = affine_map<(d0, d1) -> (0)>
#map1 = affine_map<(d0, d1) -> (0, 0)>
#map2 = affine_map<(d0, d1) -> (0, 0, 0)>
module attributes {stable_mosaic.version = 14 : i64} {
  func.func @k(%arg0: i32, %arg1: i32, %arg2: memref<320000xi32, #tpu.memory_space<hbm>>, %arg3: memref<320000xi32, #tpu.memory_space<hbm>>, %arg4: memref<10000x128xf32, #tpu.memory_space<hbm>>, %arg5: memref<10000x128xf32, #tpu.memory_space<hbm>>, %arg6: memref<320000x128xf32, #tpu.memory_space<hbm>>, %arg7: memref<16xf32, #tpu.memory_space<hbm>>, %arg8: memref<40xf32, #tpu.memory_space<hbm>>, %arg9: memref<200x128xf32, #tpu.memory_space<hbm>>, %arg10: memref<640xf32, #tpu.memory_space<hbm>>, %arg11: memref<2x10000x128xf32, #tpu.memory_space<hbm>>, %arg12: memref<20480xf32, #tpu.memory_space<hbm>>, %arg13: memref<5040xi32, #tpu.memory_space<vmem>>, %arg14: memref<5040xi32, #tpu.memory_space<vmem>>, %arg15: memref<40x128xf32, #tpu.memory_space<vmem>>, %arg16: memref<40x128xf32, #tpu.memory_space<vmem>>, %arg17: memref<40x128xf32, #tpu.memory_space<vmem>>, %arg18: memref<40x128xf32, #tpu.memory_space<vmem>>, %arg19: memref<40x128xf32, #tpu.memory_space<vmem>>, %arg20: memref<40x128xf32, #tpu.memory_space<vmem>>, %arg21: memref<40xf32, #tpu.memory_space<vmem>>, %arg22: memref<16xf32, #tpu.memory_space<vmem>>, %arg23: memref<10000x128xf32, #tpu.memory_space<vmem_shared>>, %arg24: memref<10240xf32, #tpu.memory_space<vmem_shared>>, %arg25: memref<!tpu.dma_semaphore, #tpu.memory_space<semaphore_mem>>, %arg26: memref<!tpu.dma_semaphore, #tpu.memory_space<semaphore_mem>>, %arg27: memref<!tpu.dma_semaphore, #tpu.memory_space<semaphore_mem>>, %arg28: memref<!tpu.dma_semaphore, #tpu.memory_space<semaphore_mem>>) attributes {dimension_semantics = [#tpu.dimension_semantics<core_parallel>, #tpu.dimension_semantics<subcore_parallel>], iteration_bounds = array<i64: 2, 16>, scalar_prefetch = 0 : i64, scratch_operands = 16 : i64, tpu.core_type = #tpu.core_type<sc_vector_subcore>, window_params = [{transform_indices = #map}, {transform_indices = #map}, {transform_indices = #map1}, {transform_indices = #map1}, {transform_indices = #map1}, {transform_indices = #map}, {transform_indices = #map}, {transform_indices = #map1}, {transform_indices = #map}, {transform_indices = #map2}, {transform_indices = #map}]} {
    %mul3A = arith.constant 16 : i32
    %mul3A_0 = arith.muli %arg0, %mul3A : i32
    %add3A = arith.addi %mul3A_0, %arg1 : i32
    "tpu.region"() ({
      %run_scoped3A = tpu.sem_alloc : memref<!tpu.dma_semaphore, #tpu.memory_space<semaphore_mem>>
      tpu.enqueue_dma source(%arg7 : memref<16xf32, #tpu.memory_space<hbm>>) target(%arg22 : memref<16xf32, #tpu.memory_space<vmem>>) target_semaphore(%run_scoped3A : memref<!tpu.dma_semaphore, #tpu.memory_space<semaphore_mem>>)
      tpu.wait_dma2 semaphore(%run_scoped3A : memref<!tpu.dma_semaphore, #tpu.memory_space<semaphore_mem>>) src(%arg7 : memref<16xf32, #tpu.memory_space<hbm>>) dst(%arg22 : memref<16xf32, #tpu.memory_space<vmem>>)
      tpu.yield
    }) : () -> ()
    "tpu.region"() ({
      %run_scoped3A = tpu.sem_alloc : memref<!tpu.dma_semaphore, #tpu.memory_space<semaphore_mem>>
      tpu.enqueue_dma source(%arg8 : memref<40xf32, #tpu.memory_space<hbm>>) target(%arg21 : memref<40xf32, #tpu.memory_space<vmem>>) target_semaphore(%run_scoped3A : memref<!tpu.dma_semaphore, #tpu.memory_space<semaphore_mem>>)
      tpu.wait_dma2 semaphore(%run_scoped3A : memref<!tpu.dma_semaphore, #tpu.memory_space<semaphore_mem>>) src(%arg8 : memref<40xf32, #tpu.memory_space<hbm>>) dst(%arg21 : memref<40xf32, #tpu.memory_space<vmem>>)
      tpu.yield
    }) : () -> ()
    %add3A_1 = arith.constant 0 : i32
    %add3A_2 = arith.addi %arg1, %add3A_1 : i32
    %lt3A = arith.constant 50 : i32
    %lt3A_3 = arith.cmpi slt, %add3A_2, %lt3A : i32
    %convert_element_type3A = arith.extui %lt3A_3 : i1 to i32
    %cond3A = arith.constant 0 : i32
    %cond3A_4 = arith.cmpi ne, %convert_element_type3A, %cond3A : i32
    scf.if %cond3A_4 {
      %mul3A_153 = arith.constant 200 : i32
      %mul3A_154 = arith.muli %add3A_2, %mul3A_153 : i32
      "tpu.region"() ({
        %run_scoped3A = tpu.sem_alloc : memref<!tpu.dma_semaphore, #tpu.memory_space<semaphore_mem>>
        %dma_start3A_155 = arith.constant 0 : i32
        %dma_start3A_156 = tpu.memref_slice %arg23[%mul3A_154, %dma_start3A_155] : memref<10000x128xf32, #tpu.memory_space<vmem_shared>> -> memref<200x128xf32, #tpu.memory_space<vmem_shared>>
        tpu.enqueue_dma source(%arg9 : memref<200x128xf32, #tpu.memory_space<hbm>>) target(%dma_start3A_156 : memref<200x128xf32, #tpu.memory_space<vmem_shared>>) target_semaphore(%run_scoped3A : memref<!tpu.dma_semaphore, #tpu.memory_space<semaphore_mem>>)
        %dma_wait3A_157 = arith.constant 0 : i32
        %dma_wait3A_158 = tpu.memref_slice %arg23[%mul3A_154, %dma_wait3A_157] : memref<10000x128xf32, #tpu.memory_space<vmem_shared>> -> memref<200x128xf32, #tpu.memory_space<vmem_shared>>
        tpu.wait_dma2 semaphore(%run_scoped3A : memref<!tpu.dma_semaphore, #tpu.memory_space<semaphore_mem>>) src(%arg9 : memref<200x128xf32, #tpu.memory_space<hbm>>) dst(%dma_wait3A_158 : memref<200x128xf32, #tpu.memory_space<vmem_shared>>)
        tpu.yield
      }) : () -> ()
    } else {
    }
    %add3A_5 = arith.constant 16 : i32
    %add3A_6 = arith.addi %arg1, %add3A_5 : i32
    %lt3A_7 = arith.constant 50 : i32
    %lt3A_8 = arith.cmpi slt, %add3A_6, %lt3A_7 : i32
    %convert_element_type3A_9 = arith.extui %lt3A_8 : i1 to i32
    %cond3A_10 = arith.constant 0 : i32
    %cond3A_11 = arith.cmpi ne, %convert_element_type3A_9, %cond3A_10 : i32
    scf.if %cond3A_11 {
      %mul3A_153 = arith.constant 200 : i32
      %mul3A_154 = arith.muli %add3A_6, %mul3A_153 : i32
      "tpu.region"() ({
        %run_scoped3A = tpu.sem_alloc : memref<!tpu.dma_semaphore, #tpu.memory_space<semaphore_mem>>
        %dma_start3A_155 = arith.constant 0 : i32
        %dma_start3A_156 = tpu.memref_slice %arg23[%mul3A_154, %dma_start3A_155] : memref<10000x128xf32, #tpu.memory_space<vmem_shared>> -> memref<200x128xf32, #tpu.memory_space<vmem_shared>>
        tpu.enqueue_dma source(%arg9 : memref<200x128xf32, #tpu.memory_space<hbm>>) target(%dma_start3A_156 : memref<200x128xf32, #tpu.memory_space<vmem_shared>>) target_semaphore(%run_scoped3A : memref<!tpu.dma_semaphore, #tpu.memory_space<semaphore_mem>>)
        %dma_wait3A_157 = arith.constant 0 : i32
        %dma_wait3A_158 = tpu.memref_slice %arg23[%mul3A_154, %dma_wait3A_157] : memref<10000x128xf32, #tpu.memory_space<vmem_shared>> -> memref<200x128xf32, #tpu.memory_space<vmem_shared>>
        tpu.wait_dma2 semaphore(%run_scoped3A : memref<!tpu.dma_semaphore, #tpu.memory_space<semaphore_mem>>) src(%arg9 : memref<200x128xf32, #tpu.memory_space<hbm>>) dst(%dma_wait3A_158 : memref<200x128xf32, #tpu.memory_space<vmem_shared>>)
        tpu.yield
      }) : () -> ()
    } else {
    }
    %add3A_12 = arith.constant 32 : i32
    %add3A_13 = arith.addi %arg1, %add3A_12 : i32
    %lt3A_14 = arith.constant 50 : i32
    %lt3A_15 = arith.cmpi slt, %add3A_13, %lt3A_14 : i32
    %convert_element_type3A_16 = arith.extui %lt3A_15 : i1 to i32
    %cond3A_17 = arith.constant 0 : i32
    %cond3A_18 = arith.cmpi ne, %convert_element_type3A_16, %cond3A_17 : i32
    scf.if %cond3A_18 {
      %mul3A_153 = arith.constant 200 : i32
      %mul3A_154 = arith.muli %add3A_13, %mul3A_153 : i32
      "tpu.region"() ({
        %run_scoped3A = tpu.sem_alloc : memref<!tpu.dma_semaphore, #tpu.memory_space<semaphore_mem>>
        %dma_start3A_155 = arith.constant 0 : i32
        %dma_start3A_156 = tpu.memref_slice %arg23[%mul3A_154, %dma_start3A_155] : memref<10000x128xf32, #tpu.memory_space<vmem_shared>> -> memref<200x128xf32, #tpu.memory_space<vmem_shared>>
        tpu.enqueue_dma source(%arg9 : memref<200x128xf32, #tpu.memory_space<hbm>>) target(%dma_start3A_156 : memref<200x128xf32, #tpu.memory_space<vmem_shared>>) target_semaphore(%run_scoped3A : memref<!tpu.dma_semaphore, #tpu.memory_space<semaphore_mem>>)
        %dma_wait3A_157 = arith.constant 0 : i32
        %dma_wait3A_158 = tpu.memref_slice %arg23[%mul3A_154, %dma_wait3A_157] : memref<10000x128xf32, #tpu.memory_space<vmem_shared>> -> memref<200x128xf32, #tpu.memory_space<vmem_shared>>
        tpu.wait_dma2 semaphore(%run_scoped3A : memref<!tpu.dma_semaphore, #tpu.memory_space<semaphore_mem>>) src(%arg9 : memref<200x128xf32, #tpu.memory_space<hbm>>) dst(%dma_wait3A_158 : memref<200x128xf32, #tpu.memory_space<vmem_shared>>)
        tpu.yield
      }) : () -> ()
    } else {
    }
    %add3A_19 = arith.constant 48 : i32
    %add3A_20 = arith.addi %arg1, %add3A_19 : i32
    %lt3A_21 = arith.constant 50 : i32
    %lt3A_22 = arith.cmpi slt, %add3A_20, %lt3A_21 : i32
    %convert_element_type3A_23 = arith.extui %lt3A_22 : i1 to i32
    %cond3A_24 = arith.constant 0 : i32
    %cond3A_25 = arith.cmpi ne, %convert_element_type3A_23, %cond3A_24 : i32
    scf.if %cond3A_25 {
      %mul3A_153 = arith.constant 200 : i32
      %mul3A_154 = arith.muli %add3A_20, %mul3A_153 : i32
      "tpu.region"() ({
        %run_scoped3A = tpu.sem_alloc : memref<!tpu.dma_semaphore, #tpu.memory_space<semaphore_mem>>
        %dma_start3A_155 = arith.constant 0 : i32
        %dma_start3A_156 = tpu.memref_slice %arg23[%mul3A_154, %dma_start3A_155] : memref<10000x128xf32, #tpu.memory_space<vmem_shared>> -> memref<200x128xf32, #tpu.memory_space<vmem_shared>>
        tpu.enqueue_dma source(%arg9 : memref<200x128xf32, #tpu.memory_space<hbm>>) target(%dma_start3A_156 : memref<200x128xf32, #tpu.memory_space<vmem_shared>>) target_semaphore(%run_scoped3A : memref<!tpu.dma_semaphore, #tpu.memory_space<semaphore_mem>>)
        %dma_wait3A_157 = arith.constant 0 : i32
        %dma_wait3A_158 = tpu.memref_slice %arg23[%mul3A_154, %dma_wait3A_157] : memref<10000x128xf32, #tpu.memory_space<vmem_shared>> -> memref<200x128xf32, #tpu.memory_space<vmem_shared>>
        tpu.wait_dma2 semaphore(%run_scoped3A : memref<!tpu.dma_semaphore, #tpu.memory_space<semaphore_mem>>) src(%arg9 : memref<200x128xf32, #tpu.memory_space<hbm>>) dst(%dma_wait3A_158 : memref<200x128xf32, #tpu.memory_space<vmem_shared>>)
        tpu.yield
      }) : () -> ()
    } else {
    }
    %mul3A_26 = arith.constant 640 : i32
    %mul3A_27 = arith.muli %arg1, %mul3A_26 : i32
    "tpu.region"() ({
      %run_scoped3A = tpu.sem_alloc : memref<!tpu.dma_semaphore, #tpu.memory_space<semaphore_mem>>
      %dma_start3A_153 = tpu.memref_slice %arg24[%mul3A_27] : memref<10240xf32, #tpu.memory_space<vmem_shared>> -> memref<640xf32, #tpu.memory_space<vmem_shared>>
      tpu.enqueue_dma source(%arg10 : memref<640xf32, #tpu.memory_space<hbm>>) target(%dma_start3A_153 : memref<640xf32, #tpu.memory_space<vmem_shared>>) target_semaphore(%run_scoped3A : memref<!tpu.dma_semaphore, #tpu.memory_space<semaphore_mem>>)
      %dma_wait3A_154 = tpu.memref_slice %arg24[%mul3A_27] : memref<10240xf32, #tpu.memory_space<vmem_shared>> -> memref<640xf32, #tpu.memory_space<vmem_shared>>
      tpu.wait_dma2 semaphore(%run_scoped3A : memref<!tpu.dma_semaphore, #tpu.memory_space<semaphore_mem>>) src(%arg10 : memref<640xf32, #tpu.memory_space<hbm>>) dst(%dma_wait3A_154 : memref<640xf32, #tpu.memory_space<vmem_shared>>)
      tpu.yield
    }) : () -> ()
    %barrier3A = arith.constant 0 : index
    tpu.barrier barrier_id(%barrier3A)
    %get3A = arith.constant 0 : index
    %get3A_28 = tpu.vector_load %arg22[%get3A] {strides = array<i32>} : memref<16xf32, #tpu.memory_space<vmem>>, vector<16xf32>,
    %get3A_29 = vector.shape_cast %get3A_28 : vector<16xf32> to vector<16xf32>
    %mul3A_30 = arith.constant 10000 : i32
    %mul3A_31 = arith.muli %add3A, %mul3A_30 : i32
    %add3A_32 = arith.constant 0 : i32
    %add3A_33 = arith.addi %mul3A_31, %add3A_32 : i32
    "tpu.region"() ({
      %run_scoped3A = tpu.sem_alloc : memref<!tpu.dma_semaphore, #tpu.memory_space<semaphore_mem>>
      %dma_start3A_153 = arith.constant 0 : i32
      %dma_start3A_154 = tpu.memref_slice %arg13[%dma_start3A_153] : memref<5040xi32, #tpu.memory_space<vmem>> -> memref<5040xi32, #tpu.memory_space<vmem>>
      %dma_start3A_155 = tpu.memref_slice %arg2[%add3A_33] : memref<320000xi32, #tpu.memory_space<hbm>> -> memref<5040xi32, #tpu.memory_space<hbm>>
      %dma_start3A_156 = arith.constant 0 : i32
      %dma_start3A_157 = tpu.memref_slice %arg13[%dma_start3A_156] : memref<5040xi32, #tpu.memory_space<vmem>> -> memref<5040xi32, #tpu.memory_space<vmem>>
      %dma_start3A_158 = tpu.memref_slice %arg2[%add3A_33] : memref<320000xi32, #tpu.memory_space<hbm>> -> memref<5040xi32, #tpu.memory_space<hbm>>
      tpu.enqueue_dma source(%dma_start3A_158 : memref<5040xi32, #tpu.memory_space<hbm>>) target(%dma_start3A_157 : memref<5040xi32, #tpu.memory_space<vmem>>) target_semaphore(%run_scoped3A : memref<!tpu.dma_semaphore, #tpu.memory_space<semaphore_mem>>)
      %dma_wait3A_159 = arith.constant 0 : i32
      %dma_wait3A_160 = tpu.memref_slice %arg13[%dma_wait3A_159] : memref<5040xi32, #tpu.memory_space<vmem>> -> memref<5040xi32, #tpu.memory_space<vmem>>
      %dma_wait3A_161 = tpu.memref_slice %arg2[%add3A_33] : memref<320000xi32, #tpu.memory_space<hbm>> -> memref<5040xi32, #tpu.memory_space<hbm>>
      %dma_wait3A_162 = arith.constant 0 : i32
      %dma_wait3A_163 = tpu.memref_slice %arg13[%dma_wait3A_162] : memref<5040xi32, #tpu.memory_space<vmem>> -> memref<5040xi32, #tpu.memory_space<vmem>>
      %dma_wait3A_164 = tpu.memref_slice %arg2[%add3A_33] : memref<320000xi32, #tpu.memory_space<hbm>> -> memref<5040xi32, #tpu.memory_space<hbm>>
      tpu.wait_dma2 semaphore(%run_scoped3A : memref<!tpu.dma_semaphore, #tpu.memory_space<semaphore_mem>>) src(%dma_wait3A_164 : memref<5040xi32, #tpu.memory_space<hbm>>) dst(%dma_wait3A_163 : memref<5040xi32, #tpu.memory_space<vmem>>)
      tpu.yield
    }) : () -> ()
    "tpu.region"() ({
      %run_scoped3A = tpu.sem_alloc : memref<!tpu.dma_semaphore, #tpu.memory_space<semaphore_mem>>
      %dma_start3A_153 = arith.constant 0 : i32
      %dma_start3A_154 = tpu.memref_slice %arg14[%dma_start3A_153] : memref<5040xi32, #tpu.memory_space<vmem>> -> memref<5040xi32, #tpu.memory_space<vmem>>
      %dma_start3A_155 = tpu.memref_slice %arg3[%add3A_33] : memref<320000xi32, #tpu.memory_space<hbm>> -> memref<5040xi32, #tpu.memory_space<hbm>>
      %dma_start3A_156 = arith.constant 0 : i32
      %dma_start3A_157 = tpu.memref_slice %arg14[%dma_start3A_156] : memref<5040xi32, #tpu.memory_space<vmem>> -> memref<5040xi32, #tpu.memory_space<vmem>>
      %dma_start3A_158 = tpu.memref_slice %arg3[%add3A_33] : memref<320000xi32, #tpu.memory_space<hbm>> -> memref<5040xi32, #tpu.memory_space<hbm>>
      tpu.enqueue_dma source(%dma_start3A_158 : memref<5040xi32, #tpu.memory_space<hbm>>) target(%dma_start3A_157 : memref<5040xi32, #tpu.memory_space<vmem>>) target_semaphore(%run_scoped3A : memref<!tpu.dma_semaphore, #tpu.memory_space<semaphore_mem>>)
      %dma_wait3A_159 = arith.constant 0 : i32
      %dma_wait3A_160 = tpu.memref_slice %arg14[%dma_wait3A_159] : memref<5040xi32, #tpu.memory_space<vmem>> -> memref<5040xi32, #tpu.memory_space<vmem>>
      %dma_wait3A_161 = tpu.memref_slice %arg3[%add3A_33] : memref<320000xi32, #tpu.memory_space<hbm>> -> memref<5040xi32, #tpu.memory_space<hbm>>
      %dma_wait3A_162 = arith.constant 0 : i32
      %dma_wait3A_163 = tpu.memref_slice %arg14[%dma_wait3A_162] : memref<5040xi32, #tpu.memory_space<vmem>> -> memref<5040xi32, #tpu.memory_space<vmem>>
      %dma_wait3A_164 = tpu.memref_slice %arg3[%add3A_33] : memref<320000xi32, #tpu.memory_space<hbm>> -> memref<5040xi32, #tpu.memory_space<hbm>>
      tpu.wait_dma2 semaphore(%run_scoped3A : memref<!tpu.dma_semaphore, #tpu.memory_space<semaphore_mem>>) src(%dma_wait3A_164 : memref<5040xi32, #tpu.memory_space<hbm>>) dst(%dma_wait3A_163 : memref<5040xi32, #tpu.memory_space<vmem>>)
      tpu.yield
    }) : () -> ()
    %dma_start3A = arith.constant 0 : i32
    %dma_start3A_34 = tpu.memref_slice %arg13[%dma_start3A] : memref<5040xi32, #tpu.memory_space<vmem>> -> memref<40xi32, #tpu.memory_space<vmem>>
    %dma_start3A_35 = arith.constant 0 : i32
    %dma_start3A_36 = arith.constant 0 : i32
    %dma_start3A_37 = tpu.memref_slice %arg4[%dma_start3A_35, %dma_start3A_36] : memref<10000x128xf32, #tpu.memory_space<hbm>> -> memref<10000x128xf32, #tpu.memory_space<hbm>>
    tpu.enqueue_indirect_dma source(%dma_start3A_37 : memref<10000x128xf32, #tpu.memory_space<hbm>>) target(%arg15 : memref<40x128xf32, #tpu.memory_space<vmem>>) offsets(%dma_start3A_34 : memref<40xi32, #tpu.memory_space<vmem>>) semaphore(%arg25 : memref<!tpu.dma_semaphore, #tpu.memory_space<semaphore_mem>>)
    %dma_start3A_38 = arith.constant 0 : i32
    %dma_start3A_39 = tpu.memref_slice %arg14[%dma_start3A_38] : memref<5040xi32, #tpu.memory_space<vmem>> -> memref<40xi32, #tpu.memory_space<vmem>>
    %dma_start3A_40 = arith.constant 0 : i32
    %dma_start3A_41 = arith.constant 0 : i32
    %dma_start3A_42 = tpu.memref_slice %arg5[%dma_start3A_40, %dma_start3A_41] : memref<10000x128xf32, #tpu.memory_space<hbm>> -> memref<10000x128xf32, #tpu.memory_space<hbm>>
    tpu.enqueue_indirect_dma source(%dma_start3A_42 : memref<10000x128xf32, #tpu.memory_space<hbm>>) target(%arg16 : memref<40x128xf32, #tpu.memory_space<vmem>>) offsets(%dma_start3A_39 : memref<40xi32, #tpu.memory_space<vmem>>) semaphore(%arg25 : memref<!tpu.dma_semaphore, #tpu.memory_space<semaphore_mem>>)
    %mul3A_43 = arith.constant 10000 : i32
    %mul3A_44 = arith.muli %add3A, %mul3A_43 : i32
    %add3A_45 = arith.constant 0 : i32
    %add3A_46 = arith.addi %mul3A_44, %add3A_45 : i32
    %dma_start3A_47 = arith.constant 0 : i32
    %dma_start3A_48 = tpu.memref_slice %arg6[%add3A_46, %dma_start3A_47] : memref<320000x128xf32, #tpu.memory_space<hbm>> -> memref<40x128xf32, #tpu.memory_space<hbm>>
    %dma_start3A_49 = arith.constant 0 : i32
    %dma_start3A_50 = tpu.memref_slice %arg6[%add3A_46, %dma_start3A_49] : memref<320000x128xf32, #tpu.memory_space<hbm>> -> memref<40x128xf32, #tpu.memory_space<hbm>>
    tpu.enqueue_dma source(%dma_start3A_50 : memref<40x128xf32, #tpu.memory_space<hbm>>) target(%arg17 : memref<40x128xf32, #tpu.memory_space<vmem>>) target_semaphore(%arg25 : memref<!tpu.dma_semaphore, #tpu.memory_space<semaphore_mem>>)
    %scan3A = arith.constant 0 : i32
    %scan3A_51 = arith.constant 63 : i32
    %scan3A_52 = arith.addi %scan3A, %scan3A_51 : i32
    %scan3A_53 = arith.constant 1 : i32
    scf.for %scan3A_153 = %scan3A to %scan3A_52 step %scan3A_53  : i32 {
      %mul3A_154 = arith.constant 2 : i32
      %mul3A_155 = arith.muli %scan3A_153, %mul3A_154 : i32
      %add3A_156 = arith.constant 0 : i32
      %add3A_157 = arith.addi %add3A_156, %mul3A_155 : i32
      %add3A_158 = arith.constant 0 : i32
      %add3A_159 = arith.addi %add3A_157, %add3A_158 : i32
      %sub3A = arith.constant 0 : i32
      %sub3A_160 = arith.subi %add3A_159, %sub3A : i32
      %mul3A_161 = arith.constant 40 : i32
      %mul3A_162 = arith.muli %sub3A_160, %mul3A_161 : i32
      %add3A_163 = arith.constant 1 : i32
      %add3A_164 = arith.addi %add3A_159, %add3A_163 : i32
      %lt3A_165 = arith.constant 126 : i32
      %lt3A_166 = arith.cmpi slt, %add3A_164, %lt3A_165 : i32
      %convert_element_type3A_167 = arith.extui %lt3A_166 : i1 to i32
      %cond3A_168 = arith.constant 0 : i32
      %cond3A_169 = arith.cmpi ne, %convert_element_type3A_167, %cond3A_168 : i32
      scf.if %cond3A_169 {
        %ge3A = arith.constant 1 : i32
        %ge3A_243 = arith.cmpi sge, %add3A_159, %ge3A : i32
        %convert_element_type3A_244 = arith.extui %ge3A_243 : i1 to i32
        %cond3A_245 = arith.constant 0 : i32
        %cond3A_246 = arith.cmpi ne, %convert_element_type3A_244, %cond3A_245 : i32
        scf.if %cond3A_246 {
          %sub3A_270 = arith.constant 1 : i32
          %sub3A_271 = arith.subi %add3A_159, %sub3A_270 : i32
          %sub3A_272 = arith.constant 0 : i32
          %sub3A_273 = arith.subi %sub3A_271, %sub3A_272 : i32
          %mul3A_274 = arith.constant 40 : i32
          %mul3A_275 = arith.muli %sub3A_273, %mul3A_274 : i32
          %dma_wait3A_276 = tpu.memref_slice %arg13[%mul3A_275] : memref<5040xi32, #tpu.memory_space<vmem>> -> memref<40xi32, #tpu.memory_space<vmem>>
          %dma_wait3A_277 = arith.constant 0 : i32
          %dma_wait3A_278 = arith.constant 0 : i32
          %dma_wait3A_279 = tpu.memref_slice %arg23[%dma_wait3A_277, %dma_wait3A_278] : memref<10000x128xf32, #tpu.memory_space<vmem_shared>> -> memref<10000x128xf32, #tpu.memory_space<vmem_shared>>
          tpu.wait_indirect_dma semaphore(%arg28 : memref<!tpu.dma_semaphore, #tpu.memory_space<semaphore_mem>>) src(%arg18 : memref<40x128xf32, #tpu.memory_space<vmem>>) dst(%dma_wait3A_279 : memref<10000x128xf32, #tpu.memory_space<vmem_shared>>)
          %dma_wait3A_280 = tpu.memref_slice %arg13[%mul3A_275] : memref<5040xi32, #tpu.memory_space<vmem>> -> memref<40xi32, #tpu.memory_space<vmem>>
          %dma_wait3A_281 = arith.constant 0 : i32
          %dma_wait3A_282 = tpu.memref_slice %arg24[%dma_wait3A_281] : memref<10240xf32, #tpu.memory_space<vmem_shared>> -> memref<10240xf32, #tpu.memory_space<vmem_shared>>
          tpu.wait_indirect_dma semaphore(%arg28 : memref<!tpu.dma_semaphore, #tpu.memory_space<semaphore_mem>>) src(%arg21 : memref<40xf32, #tpu.memory_space<vmem>>) dst(%dma_wait3A_282 : memref<10240xf32, #tpu.memory_space<vmem_shared>>)
        } else {
        }
        %add3A_247 = arith.constant 1 : i32
        %add3A_248 = arith.addi %add3A_159, %add3A_247 : i32
        %sub3A_249 = arith.constant 0 : i32
        %sub3A_250 = arith.subi %add3A_248, %sub3A_249 : i32
        %mul3A_251 = arith.constant 40 : i32
        %mul3A_252 = arith.muli %sub3A_250, %mul3A_251 : i32
        %dma_start3A_253 = tpu.memref_slice %arg13[%mul3A_252] : memref<5040xi32, #tpu.memory_space<vmem>> -> memref<40xi32, #tpu.memory_space<vmem>>
        %dma_start3A_254 = arith.constant 0 : i32
        %dma_start3A_255 = arith.constant 0 : i32
        %dma_start3A_256 = tpu.memref_slice %arg4[%dma_start3A_254, %dma_start3A_255] : memref<10000x128xf32, #tpu.memory_space<hbm>> -> memref<10000x128xf32, #tpu.memory_space<hbm>>
        tpu.enqueue_indirect_dma source(%dma_start3A_256 : memref<10000x128xf32, #tpu.memory_space<hbm>>) target(%arg18 : memref<40x128xf32, #tpu.memory_space<vmem>>) offsets(%dma_start3A_253 : memref<40xi32, #tpu.memory_space<vmem>>) semaphore(%arg26 : memref<!tpu.dma_semaphore, #tpu.memory_space<semaphore_mem>>)
        %dma_start3A_257 = tpu.memref_slice %arg14[%mul3A_252] : memref<5040xi32, #tpu.memory_space<vmem>> -> memref<40xi32, #tpu.memory_space<vmem>>
        %dma_start3A_258 = arith.constant 0 : i32
        %dma_start3A_259 = arith.constant 0 : i32
        %dma_start3A_260 = tpu.memref_slice %arg5[%dma_start3A_258, %dma_start3A_259] : memref<10000x128xf32, #tpu.memory_space<hbm>> -> memref<10000x128xf32, #tpu.memory_space<hbm>>
        tpu.enqueue_indirect_dma source(%dma_start3A_260 : memref<10000x128xf32, #tpu.memory_space<hbm>>) target(%arg19 : memref<40x128xf32, #tpu.memory_space<vmem>>) offsets(%dma_start3A_257 : memref<40xi32, #tpu.memory_space<vmem>>) semaphore(%arg26 : memref<!tpu.dma_semaphore, #tpu.memory_space<semaphore_mem>>)
        %mul3A_261 = arith.constant 10000 : i32
        %mul3A_262 = arith.muli %add3A, %mul3A_261 : i32
        %mul3A_263 = arith.constant 40 : i32
        %mul3A_264 = arith.muli %add3A_248, %mul3A_263 : i32
        %add3A_265 = arith.addi %mul3A_262, %mul3A_264 : i32
        %dma_start3A_266 = arith.constant 0 : i32
        %dma_start3A_267 = tpu.memref_slice %arg6[%add3A_265, %dma_start3A_266] : memref<320000x128xf32, #tpu.memory_space<hbm>> -> memref<40x128xf32, #tpu.memory_space<hbm>>
        %dma_start3A_268 = arith.constant 0 : i32
        %dma_start3A_269 = tpu.memref_slice %arg6[%add3A_265, %dma_start3A_268] : memref<320000x128xf32, #tpu.memory_space<hbm>> -> memref<40x128xf32, #tpu.memory_space<hbm>>
        tpu.enqueue_dma source(%dma_start3A_269 : memref<40x128xf32, #tpu.memory_space<hbm>>) target(%arg20 : memref<40x128xf32, #tpu.memory_space<vmem>>) target_semaphore(%arg26 : memref<!tpu.dma_semaphore, #tpu.memory_space<semaphore_mem>>)
      } else {
      }
      %mul3A_170 = arith.constant 10000 : i32
      %mul3A_171 = arith.muli %add3A, %mul3A_170 : i32
      %mul3A_172 = arith.constant 40 : i32
      %mul3A_173 = arith.muli %add3A_159, %mul3A_172 : i32
      %add3A_174 = arith.addi %mul3A_171, %mul3A_173 : i32
      %dma_wait3A_175 = tpu.memref_slice %arg13[%mul3A_162] : memref<5040xi32, #tpu.memory_space<vmem>> -> memref<40xi32, #tpu.memory_space<vmem>>
      %dma_wait3A_176 = arith.constant 0 : i32
      %dma_wait3A_177 = arith.constant 0 : i32
      %dma_wait3A_178 = tpu.memref_slice %arg4[%dma_wait3A_176, %dma_wait3A_177] : memref<10000x128xf32, #tpu.memory_space<hbm>> -> memref<10000x128xf32, #tpu.memory_space<hbm>>
      tpu.wait_indirect_dma semaphore(%arg25 : memref<!tpu.dma_semaphore, #tpu.memory_space<semaphore_mem>>) src(%dma_wait3A_178 : memref<10000x128xf32, #tpu.memory_space<hbm>>) dst(%arg15 : memref<40x128xf32, #tpu.memory_space<vmem>>)
      %dma_wait3A_179 = tpu.memref_slice %arg14[%mul3A_162] : memref<5040xi32, #tpu.memory_space<vmem>> -> memref<40xi32, #tpu.memory_space<vmem>>
      %dma_wait3A_180 = arith.constant 0 : i32
      %dma_wait3A_181 = arith.constant 0 : i32
      %dma_wait3A_182 = tpu.memref_slice %arg5[%dma_wait3A_180, %dma_wait3A_181] : memref<10000x128xf32, #tpu.memory_space<hbm>> -> memref<10000x128xf32, #tpu.memory_space<hbm>>
      tpu.wait_indirect_dma semaphore(%arg25 : memref<!tpu.dma_semaphore, #tpu.memory_space<semaphore_mem>>) src(%dma_wait3A_182 : memref<10000x128xf32, #tpu.memory_space<hbm>>) dst(%arg16 : memref<40x128xf32, #tpu.memory_space<vmem>>)
      %dma_wait3A_183 = arith.constant 0 : i32
      %dma_wait3A_184 = tpu.memref_slice %arg6[%add3A_174, %dma_wait3A_183] : memref<320000x128xf32, #tpu.memory_space<hbm>> -> memref<40x128xf32, #tpu.memory_space<hbm>>
      %dma_wait3A_185 = arith.constant 0 : i32
      %dma_wait3A_186 = tpu.memref_slice %arg6[%add3A_174, %dma_wait3A_185] : memref<320000x128xf32, #tpu.memory_space<hbm>> -> memref<40x128xf32, #tpu.memory_space<hbm>>
      tpu.wait_dma2 semaphore(%arg25 : memref<!tpu.dma_semaphore, #tpu.memory_space<semaphore_mem>>) src(%dma_wait3A_186 : memref<40x128xf32, #tpu.memory_space<hbm>>) dst(%arg17 : memref<40x128xf32, #tpu.memory_space<vmem>>)
      %scan3A_187 = arith.constant 0 : i32
      %scan3A_188 = arith.constant 0 : i32
      %scan3A_189 = arith.constant 40 : i32
      %scan3A_190 = arith.addi %scan3A_188, %scan3A_189 : i32
      %scan3A_191 = arith.constant 1 : i32
      scf.for %scan3A_243 = %scan3A_188 to %scan3A_190 step %scan3A_191  : i32 {
        %get3A_244 = arith.index_cast %scan3A_243 : i32 to index
        %get3A_245 = arith.constant 0 : index
        %get3A_246 = tpu.vector_load %arg15[%get3A_244, %get3A_245] {strides = array<i32>} : memref<40x128xf32, #tpu.memory_space<vmem>>, vector<1x16xf32>,
        %get3A_247 = vector.shape_cast %get3A_246 : vector<1x16xf32> to vector<16xf32>
        %get3A_248 = arith.index_cast %scan3A_243 : i32 to index
        %get3A_249 = arith.constant 0 : index
        %get3A_250 = tpu.vector_load %arg16[%get3A_248, %get3A_249] {strides = array<i32>} : memref<40x128xf32, #tpu.memory_space<vmem>>, vector<1x16xf32>,
        %get3A_251 = vector.shape_cast %get3A_250 : vector<1x16xf32> to vector<16xf32>
        %add3A_252 = arith.addf %get3A_247, %get3A_251 : vector<16xf32>
        %get3A_253 = arith.index_cast %scan3A_243 : i32 to index
        %get3A_254 = arith.constant 0 : index
        %get3A_255 = tpu.vector_load %arg17[%get3A_253, %get3A_254] {strides = array<i32>} : memref<40x128xf32, #tpu.memory_space<vmem>>, vector<1x16xf32>,
        %get3A_256 = vector.shape_cast %get3A_255 : vector<1x16xf32> to vector<16xf32>
        %add3A_257 = arith.addf %add3A_252, %get3A_256 : vector<16xf32>
        %mul3A_258 = arith.mulf %add3A_257, %get3A_29 : vector<16xf32>
        %max3A = arith.maximumf %add3A_257, %mul3A_258 : vector<16xf32>
        %swap3A = arith.index_cast %scan3A_243 : i32 to index
        %swap3A_259 = arith.constant 0 : index
        %swap3A_260 = tpu.vector_load %arg15[%swap3A, %swap3A_259] {strides = array<i32>} : memref<40x128xf32, #tpu.memory_space<vmem>>, vector<1x16xf32>,
        %swap3A_261 = vector.shape_cast %swap3A_260 : vector<1x16xf32> to vector<16xf32>
        %swap3A_262 = vector.shape_cast %max3A : vector<16xf32> to vector<1x16xf32>
        tpu.vector_store %arg15[%swap3A, %swap3A_259], %swap3A_262 {strides = array<i32>} : memref<40x128xf32, #tpu.memory_space<vmem>>, vector<1x16xf32>,
        %get3A_263 = arith.index_cast %scan3A_243 : i32 to index
        %get3A_264 = arith.constant 16 : index
        %get3A_265 = tpu.vector_load %arg15[%get3A_263, %get3A_264] {strides = array<i32>} : memref<40x128xf32, #tpu.memory_space<vmem>>, vector<1x16xf32>,
        %get3A_266 = vector.shape_cast %get3A_265 : vector<1x16xf32> to vector<16xf32>
        %get3A_267 = arith.index_cast %scan3A_243 : i32 to index
        %get3A_268 = arith.constant 16 : index
        %get3A_269 = tpu.vector_load %arg16[%get3A_267, %get3A_268] {strides = array<i32>} : memref<40x128xf32, #tpu.memory_space<vmem>>, vector<1x16xf32>,
        %get3A_270 = vector.shape_cast %get3A_269 : vector<1x16xf32> to vector<16xf32>
        %add3A_271 = arith.addf %get3A_266, %get3A_270 : vector<16xf32>
        %get3A_272 = arith.index_cast %scan3A_243 : i32 to index
        %get3A_273 = arith.constant 16 : index
        %get3A_274 = tpu.vector_load %arg17[%get3A_272, %get3A_273] {strides = array<i32>} : memref<40x128xf32, #tpu.memory_space<vmem>>, vector<1x16xf32>,
        %get3A_275 = vector.shape_cast %get3A_274 : vector<1x16xf32> to vector<16xf32>
        %add3A_276 = arith.addf %add3A_271, %get3A_275 : vector<16xf32>
        %mul3A_277 = arith.mulf %add3A_276, %get3A_29 : vector<16xf32>
        %max3A_278 = arith.maximumf %add3A_276, %mul3A_277 : vector<16xf32>
        %swap3A_279 = arith.index_cast %scan3A_243 : i32 to index
        %swap3A_280 = arith.constant 16 : index
        %swap3A_281 = tpu.vector_load %arg15[%swap3A_279, %swap3A_280] {strides = array<i32>} : memref<40x128xf32, #tpu.memory_space<vmem>>, vector<1x16xf32>,
        %swap3A_282 = vector.shape_cast %swap3A_281 : vector<1x16xf32> to vector<16xf32>
        %swap3A_283 = vector.shape_cast %max3A_278 : vector<16xf32> to vector<1x16xf32>
        tpu.vector_store %arg15[%swap3A_279, %swap3A_280], %swap3A_283 {strides = array<i32>} : memref<40x128xf32, #tpu.memory_space<vmem>>, vector<1x16xf32>,
        %get3A_284 = arith.index_cast %scan3A_243 : i32 to index
        %get3A_285 = arith.constant 32 : index
        %get3A_286 = tpu.vector_load %arg15[%get3A_284, %get3A_285] {strides = array<i32>} : memref<40x128xf32, #tpu.memory_space<vmem>>, vector<1x16xf32>,
        %get3A_287 = vector.shape_cast %get3A_286 : vector<1x16xf32> to vector<16xf32>
        %get3A_288 = arith.index_cast %scan3A_243 : i32 to index
        %get3A_289 = arith.constant 32 : index
        %get3A_290 = tpu.vector_load %arg16[%get3A_288, %get3A_289] {strides = array<i32>} : memref<40x128xf32, #tpu.memory_space<vmem>>, vector<1x16xf32>,
        %get3A_291 = vector.shape_cast %get3A_290 : vector<1x16xf32> to vector<16xf32>
        %add3A_292 = arith.addf %get3A_287, %get3A_291 : vector<16xf32>
        %get3A_293 = arith.index_cast %scan3A_243 : i32 to index
        %get3A_294 = arith.constant 32 : index
        %get3A_295 = tpu.vector_load %arg17[%get3A_293, %get3A_294] {strides = array<i32>} : memref<40x128xf32, #tpu.memory_space<vmem>>, vector<1x16xf32>,
        %get3A_296 = vector.shape_cast %get3A_295 : vector<1x16xf32> to vector<16xf32>
        %add3A_297 = arith.addf %add3A_292, %get3A_296 : vector<16xf32>
        %mul3A_298 = arith.mulf %add3A_297, %get3A_29 : vector<16xf32>
        %max3A_299 = arith.maximumf %add3A_297, %mul3A_298 : vector<16xf32>
        %swap3A_300 = arith.index_cast %scan3A_243 : i32 to index
        %swap3A_301 = arith.constant 32 : index
        %swap3A_302 = tpu.vector_load %arg15[%swap3A_300, %swap3A_301] {strides = array<i32>} : memref<40x128xf32, #tpu.memory_space<vmem>>, vector<1x16xf32>,
        %swap3A_303 = vector.shape_cast %swap3A_302 : vector<1x16xf32> to vector<16xf32>
        %swap3A_304 = vector.shape_cast %max3A_299 : vector<16xf32> to vector<1x16xf32>
        tpu.vector_store %arg15[%swap3A_300, %swap3A_301], %swap3A_304 {strides = array<i32>} : memref<40x128xf32, #tpu.memory_space<vmem>>, vector<1x16xf32>,
        %get3A_305 = arith.index_cast %scan3A_243 : i32 to index
        %get3A_306 = arith.constant 48 : index
        %get3A_307 = tpu.vector_load %arg15[%get3A_305, %get3A_306] {strides = array<i32>} : memref<40x128xf32, #tpu.memory_space<vmem>>, vector<1x16xf32>,
        %get3A_308 = vector.shape_cast %get3A_307 : vector<1x16xf32> to vector<16xf32>
        %get3A_309 = arith.index_cast %scan3A_243 : i32 to index
        %get3A_310 = arith.constant 48 : index
        %get3A_311 = tpu.vector_load %arg16[%get3A_309, %get3A_310] {strides = array<i32>} : memref<40x128xf32, #tpu.memory_space<vmem>>, vector<1x16xf32>,
        %get3A_312 = vector.shape_cast %get3A_311 : vector<1x16xf32> to vector<16xf32>
        %add3A_313 = arith.addf %get3A_308, %get3A_312 : vector<16xf32>
        %get3A_314 = arith.index_cast %scan3A_243 : i32 to index
        %get3A_315 = arith.constant 48 : index
        %get3A_316 = tpu.vector_load %arg17[%get3A_314, %get3A_315] {strides = array<i32>} : memref<40x128xf32, #tpu.memory_space<vmem>>, vector<1x16xf32>,
        %get3A_317 = vector.shape_cast %get3A_316 : vector<1x16xf32> to vector<16xf32>
        %add3A_318 = arith.addf %add3A_313, %get3A_317 : vector<16xf32>
        %mul3A_319 = arith.mulf %add3A_318, %get3A_29 : vector<16xf32>
        %max3A_320 = arith.maximumf %add3A_318, %mul3A_319 : vector<16xf32>
        %swap3A_321 = arith.index_cast %scan3A_243 : i32 to index
        %swap3A_322 = arith.constant 48 : index
        %swap3A_323 = tpu.vector_load %arg15[%swap3A_321, %swap3A_322] {strides = array<i32>} : memref<40x128xf32, #tpu.memory_space<vmem>>, vector<1x16xf32>,
        %swap3A_324 = vector.shape_cast %swap3A_323 : vector<1x16xf32> to vector<16xf32>
        %swap3A_325 = vector.shape_cast %max3A_320 : vector<16xf32> to vector<1x16xf32>
        tpu.vector_store %arg15[%swap3A_321, %swap3A_322], %swap3A_325 {strides = array<i32>} : memref<40x128xf32, #tpu.memory_space<vmem>>, vector<1x16xf32>,
        %get3A_326 = arith.index_cast %scan3A_243 : i32 to index
        %get3A_327 = arith.constant 64 : index
        %get3A_328 = tpu.vector_load %arg15[%get3A_326, %get3A_327] {strides = array<i32>} : memref<40x128xf32, #tpu.memory_space<vmem>>, vector<1x16xf32>,
        %get3A_329 = vector.shape_cast %get3A_328 : vector<1x16xf32> to vector<16xf32>
        %get3A_330 = arith.index_cast %scan3A_243 : i32 to index
        %get3A_331 = arith.constant 64 : index
        %get3A_332 = tpu.vector_load %arg16[%get3A_330, %get3A_331] {strides = array<i32>} : memref<40x128xf32, #tpu.memory_space<vmem>>, vector<1x16xf32>,
        %get3A_333 = vector.shape_cast %get3A_332 : vector<1x16xf32> to vector<16xf32>
        %add3A_334 = arith.addf %get3A_329, %get3A_333 : vector<16xf32>
        %get3A_335 = arith.index_cast %scan3A_243 : i32 to index
        %get3A_336 = arith.constant 64 : index
        %get3A_337 = tpu.vector_load %arg17[%get3A_335, %get3A_336] {strides = array<i32>} : memref<40x128xf32, #tpu.memory_space<vmem>>, vector<1x16xf32>,
        %get3A_338 = vector.shape_cast %get3A_337 : vector<1x16xf32> to vector<16xf32>
        %add3A_339 = arith.addf %add3A_334, %get3A_338 : vector<16xf32>
        %mul3A_340 = arith.mulf %add3A_339, %get3A_29 : vector<16xf32>
        %max3A_341 = arith.maximumf %add3A_339, %mul3A_340 : vector<16xf32>
        %swap3A_342 = arith.index_cast %scan3A_243 : i32 to index
        %swap3A_343 = arith.constant 64 : index
        %swap3A_344 = tpu.vector_load %arg15[%swap3A_342, %swap3A_343] {strides = array<i32>} : memref<40x128xf32, #tpu.memory_space<vmem>>, vector<1x16xf32>,
        %swap3A_345 = vector.shape_cast %swap3A_344 : vector<1x16xf32> to vector<16xf32>
        %swap3A_346 = vector.shape_cast %max3A_341 : vector<16xf32> to vector<1x16xf32>
        tpu.vector_store %arg15[%swap3A_342, %swap3A_343], %swap3A_346 {strides = array<i32>} : memref<40x128xf32, #tpu.memory_space<vmem>>, vector<1x16xf32>,
        %get3A_347 = arith.index_cast %scan3A_243 : i32 to index
        %get3A_348 = arith.constant 80 : index
        %get3A_349 = tpu.vector_load %arg15[%get3A_347, %get3A_348] {strides = array<i32>} : memref<40x128xf32, #tpu.memory_space<vmem>>, vector<1x16xf32>,
        %get3A_350 = vector.shape_cast %get3A_349 : vector<1x16xf32> to vector<16xf32>
        %get3A_351 = arith.index_cast %scan3A_243 : i32 to index
        %get3A_352 = arith.constant 80 : index
        %get3A_353 = tpu.vector_load %arg16[%get3A_351, %get3A_352] {strides = array<i32>} : memref<40x128xf32, #tpu.memory_space<vmem>>, vector<1x16xf32>,
        %get3A_354 = vector.shape_cast %get3A_353 : vector<1x16xf32> to vector<16xf32>
        %add3A_355 = arith.addf %get3A_350, %get3A_354 : vector<16xf32>
        %get3A_356 = arith.index_cast %scan3A_243 : i32 to index
        %get3A_357 = arith.constant 80 : index
        %get3A_358 = tpu.vector_load %arg17[%get3A_356, %get3A_357] {strides = array<i32>} : memref<40x128xf32, #tpu.memory_space<vmem>>, vector<1x16xf32>,
        %get3A_359 = vector.shape_cast %get3A_358 : vector<1x16xf32> to vector<16xf32>
        %add3A_360 = arith.addf %add3A_355, %get3A_359 : vector<16xf32>
        %mul3A_361 = arith.mulf %add3A_360, %get3A_29 : vector<16xf32>
        %max3A_362 = arith.maximumf %add3A_360, %mul3A_361 : vector<16xf32>
        %swap3A_363 = arith.index_cast %scan3A_243 : i32 to index
        %swap3A_364 = arith.constant 80 : index
        %swap3A_365 = tpu.vector_load %arg15[%swap3A_363, %swap3A_364] {strides = array<i32>} : memref<40x128xf32, #tpu.memory_space<vmem>>, vector<1x16xf32>,
        %swap3A_366 = vector.shape_cast %swap3A_365 : vector<1x16xf32> to vector<16xf32>
        %swap3A_367 = vector.shape_cast %max3A_362 : vector<16xf32> to vector<1x16xf32>
        tpu.vector_store %arg15[%swap3A_363, %swap3A_364], %swap3A_367 {strides = array<i32>} : memref<40x128xf32, #tpu.memory_space<vmem>>, vector<1x16xf32>,
        %get3A_368 = arith.index_cast %scan3A_243 : i32 to index
        %get3A_369 = arith.constant 96 : index
        %get3A_370 = tpu.vector_load %arg15[%get3A_368, %get3A_369] {strides = array<i32>} : memref<40x128xf32, #tpu.memory_space<vmem>>, vector<1x16xf32>,
        %get3A_371 = vector.shape_cast %get3A_370 : vector<1x16xf32> to vector<16xf32>
        %get3A_372 = arith.index_cast %scan3A_243 : i32 to index
        %get3A_373 = arith.constant 96 : index
        %get3A_374 = tpu.vector_load %arg16[%get3A_372, %get3A_373] {strides = array<i32>} : memref<40x128xf32, #tpu.memory_space<vmem>>, vector<1x16xf32>,
        %get3A_375 = vector.shape_cast %get3A_374 : vector<1x16xf32> to vector<16xf32>
        %add3A_376 = arith.addf %get3A_371, %get3A_375 : vector<16xf32>
        %get3A_377 = arith.index_cast %scan3A_243 : i32 to index
        %get3A_378 = arith.constant 96 : index
        %get3A_379 = tpu.vector_load %arg17[%get3A_377, %get3A_378] {strides = array<i32>} : memref<40x128xf32, #tpu.memory_space<vmem>>, vector<1x16xf32>,
        %get3A_380 = vector.shape_cast %get3A_379 : vector<1x16xf32> to vector<16xf32>
        %add3A_381 = arith.addf %add3A_376, %get3A_380 : vector<16xf32>
        %mul3A_382 = arith.mulf %add3A_381, %get3A_29 : vector<16xf32>
        %max3A_383 = arith.maximumf %add3A_381, %mul3A_382 : vector<16xf32>
        %swap3A_384 = arith.index_cast %scan3A_243 : i32 to index
        %swap3A_385 = arith.constant 96 : index
        %swap3A_386 = tpu.vector_load %arg15[%swap3A_384, %swap3A_385] {strides = array<i32>} : memref<40x128xf32, #tpu.memory_space<vmem>>, vector<1x16xf32>,
        %swap3A_387 = vector.shape_cast %swap3A_386 : vector<1x16xf32> to vector<16xf32>
        %swap3A_388 = vector.shape_cast %max3A_383 : vector<16xf32> to vector<1x16xf32>
        tpu.vector_store %arg15[%swap3A_384, %swap3A_385], %swap3A_388 {strides = array<i32>} : memref<40x128xf32, #tpu.memory_space<vmem>>, vector<1x16xf32>,
        %get3A_389 = arith.index_cast %scan3A_243 : i32 to index
        %get3A_390 = arith.constant 112 : index
        %get3A_391 = tpu.vector_load %arg15[%get3A_389, %get3A_390] {strides = array<i32>} : memref<40x128xf32, #tpu.memory_space<vmem>>, vector<1x16xf32>,
        %get3A_392 = vector.shape_cast %get3A_391 : vector<1x16xf32> to vector<16xf32>
        %get3A_393 = arith.index_cast %scan3A_243 : i32 to index
        %get3A_394 = arith.constant 112 : index
        %get3A_395 = tpu.vector_load %arg16[%get3A_393, %get3A_394] {strides = array<i32>} : memref<40x128xf32, #tpu.memory_space<vmem>>, vector<1x16xf32>,
        %get3A_396 = vector.shape_cast %get3A_395 : vector<1x16xf32> to vector<16xf32>
        %add3A_397 = arith.addf %get3A_392, %get3A_396 : vector<16xf32>
        %get3A_398 = arith.index_cast %scan3A_243 : i32 to index
        %get3A_399 = arith.constant 112 : index
        %get3A_400 = tpu.vector_load %arg17[%get3A_398, %get3A_399] {strides = array<i32>} : memref<40x128xf32, #tpu.memory_space<vmem>>, vector<1x16xf32>,
        %get3A_401 = vector.shape_cast %get3A_400 : vector<1x16xf32> to vector<16xf32>
        %add3A_402 = arith.addf %add3A_397, %get3A_401 : vector<16xf32>
        %mul3A_403 = arith.mulf %add3A_402, %get3A_29 : vector<16xf32>
        %max3A_404 = arith.maximumf %add3A_402, %mul3A_403 : vector<16xf32>
        %swap3A_405 = arith.index_cast %scan3A_243 : i32 to index
        %swap3A_406 = arith.constant 112 : index
        %swap3A_407 = tpu.vector_load %arg15[%swap3A_405, %swap3A_406] {strides = array<i32>} : memref<40x128xf32, #tpu.memory_space<vmem>>, vector<1x16xf32>,
        %swap3A_408 = vector.shape_cast %swap3A_407 : vector<1x16xf32> to vector<16xf32>
        %swap3A_409 = vector.shape_cast %max3A_404 : vector<16xf32> to vector<1x16xf32>
        tpu.vector_store %arg15[%swap3A_405, %swap3A_406], %swap3A_409 {strides = array<i32>} : memref<40x128xf32, #tpu.memory_space<vmem>>, vector<1x16xf32>,
      }
      %scan3A_192 = arith.constant 40 : i32
      %dma_start3A_193 = tpu.memref_slice %arg13[%mul3A_162] : memref<5040xi32, #tpu.memory_space<vmem>> -> memref<40xi32, #tpu.memory_space<vmem>>
      %dma_start3A_194 = arith.constant 0 : i32
      %dma_start3A_195 = arith.constant 0 : i32
      %dma_start3A_196 = tpu.memref_slice %arg23[%dma_start3A_194, %dma_start3A_195] : memref<10000x128xf32, #tpu.memory_space<vmem_shared>> -> memref<10000x128xf32, #tpu.memory_space<vmem_shared>>
      tpu.enqueue_indirect_dma source(%arg15 : memref<40x128xf32, #tpu.memory_space<vmem>>) target(%dma_start3A_196 : memref<10000x128xf32, #tpu.memory_space<vmem_shared>>) offsets(%dma_start3A_193 : memref<40xi32, #tpu.memory_space<vmem>>) semaphore(%arg27 : memref<!tpu.dma_semaphore, #tpu.memory_space<semaphore_mem>>) {add = true}
      %dma_start3A_197 = tpu.memref_slice %arg13[%mul3A_162] : memref<5040xi32, #tpu.memory_space<vmem>> -> memref<40xi32, #tpu.memory_space<vmem>>
      %dma_start3A_198 = arith.constant 0 : i32
      %dma_start3A_199 = tpu.memref_slice %arg24[%dma_start3A_198] : memref<10240xf32, #tpu.memory_space<vmem_shared>> -> memref<10240xf32, #tpu.memory_space<vmem_shared>>
      tpu.enqueue_indirect_dma source(%arg21 : memref<40xf32, #tpu.memory_space<vmem>>) target(%dma_start3A_199 : memref<10240xf32, #tpu.memory_space<vmem_shared>>) offsets(%dma_start3A_197 : memref<40xi32, #tpu.memory_space<vmem>>) semaphore(%arg27 : memref<!tpu.dma_semaphore, #tpu.memory_space<semaphore_mem>>) {add = true}
      %add3A_200 = arith.constant 1 : i32
      %add3A_201 = arith.addi %add3A_157, %add3A_200 : i32
      %sub3A_202 = arith.constant 0 : i32
      %sub3A_203 = arith.subi %add3A_201, %sub3A_202 : i32
      %mul3A_204 = arith.constant 40 : i32
      %mul3A_205 = arith.muli %sub3A_203, %mul3A_204 : i32
      %add3A_206 = arith.constant 1 : i32
      %add3A_207 = arith.addi %add3A_201, %add3A_206 : i32
      %lt3A_208 = arith.constant 126 : i32
      %lt3A_209 = arith.cmpi slt, %add3A_207, %lt3A_208 : i32
      %convert_element_type3A_210 = arith.extui %lt3A_209 : i1 to i32
      %cond3A_211 = arith.constant 0 : i32
      %cond3A_212 = arith.cmpi ne, %convert_element_type3A_210, %cond3A_211 : i32
      scf.if %cond3A_212 {
        %ge3A = arith.constant 1 : i32
        %ge3A_243 = arith.cmpi sge, %add3A_201, %ge3A : i32
        %convert_element_type3A_244 = arith.extui %ge3A_243 : i1 to i32
        %cond3A_245 = arith.constant 0 : i32
        %cond3A_246 = arith.cmpi ne, %convert_element_type3A_244, %cond3A_245 : i32
        scf.if %cond3A_246 {
          %sub3A_270 = arith.constant 1 : i32
          %sub3A_271 = arith.subi %add3A_201, %sub3A_270 : i32
          %sub3A_272 = arith.constant 0 : i32
          %sub3A_273 = arith.subi %sub3A_271, %sub3A_272 : i32
          %mul3A_274 = arith.constant 40 : i32
          %mul3A_275 = arith.muli %sub3A_273, %mul3A_274 : i32
          %dma_wait3A_276 = tpu.memref_slice %arg13[%mul3A_275] : memref<5040xi32, #tpu.memory_space<vmem>> -> memref<40xi32, #tpu.memory_space<vmem>>
          %dma_wait3A_277 = arith.constant 0 : i32
          %dma_wait3A_278 = arith.constant 0 : i32
          %dma_wait3A_279 = tpu.memref_slice %arg23[%dma_wait3A_277, %dma_wait3A_278] : memref<10000x128xf32, #tpu.memory_space<vmem_shared>> -> memref<10000x128xf32, #tpu.memory_space<vmem_shared>>
          tpu.wait_indirect_dma semaphore(%arg27 : memref<!tpu.dma_semaphore, #tpu.memory_space<semaphore_mem>>) src(%arg15 : memref<40x128xf32, #tpu.memory_space<vmem>>) dst(%dma_wait3A_279 : memref<10000x128xf32, #tpu.memory_space<vmem_shared>>)
          %dma_wait3A_280 = tpu.memref_slice %arg13[%mul3A_275] : memref<5040xi32, #tpu.memory_space<vmem>> -> memref<40xi32, #tpu.memory_space<vmem>>
          %dma_wait3A_281 = arith.constant 0 : i32
          %dma_wait3A_282 = tpu.memref_slice %arg24[%dma_wait3A_281] : memref<10240xf32, #tpu.memory_space<vmem_shared>> -> memref<10240xf32, #tpu.memory_space<vmem_shared>>
          tpu.wait_indirect_dma semaphore(%arg27 : memref<!tpu.dma_semaphore, #tpu.memory_space<semaphore_mem>>) src(%arg21 : memref<40xf32, #tpu.memory_space<vmem>>) dst(%dma_wait3A_282 : memref<10240xf32, #tpu.memory_space<vmem_shared>>)
        } else {
        }
        %add3A_247 = arith.constant 1 : i32
        %add3A_248 = arith.addi %add3A_201, %add3A_247 : i32
        %sub3A_249 = arith.constant 0 : i32
        %sub3A_250 = arith.subi %add3A_248, %sub3A_249 : i32
        %mul3A_251 = arith.constant 40 : i32
        %mul3A_252 = arith.muli %sub3A_250, %mul3A_251 : i32
        %dma_start3A_253 = tpu.memref_slice %arg13[%mul3A_252] : memref<5040xi32, #tpu.memory_space<vmem>> -> memref<40xi32, #tpu.memory_space<vmem>>
        %dma_start3A_254 = arith.constant 0 : i32
        %dma_start3A_255 = arith.constant 0 : i32
        %dma_start3A_256 = tpu.memref_slice %arg4[%dma_start3A_254, %dma_start3A_255] : memref<10000x128xf32, #tpu.memory_space<hbm>> -> memref<10000x128xf32, #tpu.memory_space<hbm>>
        tpu.enqueue_indirect_dma source(%dma_start3A_256 : memref<10000x128xf32, #tpu.memory_space<hbm>>) target(%arg15 : memref<40x128xf32, #tpu.memory_space<vmem>>) offsets(%dma_start3A_253 : memref<40xi32, #tpu.memory_space<vmem>>) semaphore(%arg25 : memref<!tpu.dma_semaphore, #tpu.memory_space<semaphore_mem>>)
        %dma_start3A_257 = tpu.memref_slice %arg14[%mul3A_252] : memref<5040xi32, #tpu.memory_space<vmem>> -> memref<40xi32, #tpu.memory_space<vmem>>
        %dma_start3A_258 = arith.constant 0 : i32
        %dma_start3A_259 = arith.constant 0 : i32
        %dma_start3A_260 = tpu.memref_slice %arg5[%dma_start3A_258, %dma_start3A_259] : memref<10000x128xf32, #tpu.memory_space<hbm>> -> memref<10000x128xf32, #tpu.memory_space<hbm>>
        tpu.enqueue_indirect_dma source(%dma_start3A_260 : memref<10000x128xf32, #tpu.memory_space<hbm>>) target(%arg16 : memref<40x128xf32, #tpu.memory_space<vmem>>) offsets(%dma_start3A_257 : memref<40xi32, #tpu.memory_space<vmem>>) semaphore(%arg25 : memref<!tpu.dma_semaphore, #tpu.memory_space<semaphore_mem>>)
        %mul3A_261 = arith.constant 10000 : i32
        %mul3A_262 = arith.muli %add3A, %mul3A_261 : i32
        %mul3A_263 = arith.constant 40 : i32
        %mul3A_264 = arith.muli %add3A_248, %mul3A_263 : i32
        %add3A_265 = arith.addi %mul3A_262, %mul3A_264 : i32
        %dma_start3A_266 = arith.constant 0 : i32
        %dma_start3A_267 = tpu.memref_slice %arg6[%add3A_265, %dma_start3A_266] : memref<320000x128xf32, #tpu.memory_space<hbm>> -> memref<40x128xf32, #tpu.memory_space<hbm>>
        %dma_start3A_268 = arith.constant 0 : i32
        %dma_start3A_269 = tpu.memref_slice %arg6[%add3A_265, %dma_start3A_268] : memref<320000x128xf32, #tpu.memory_space<hbm>> -> memref<40x128xf32, #tpu.memory_space<hbm>>
        tpu.enqueue_dma source(%dma_start3A_269 : memref<40x128xf32, #tpu.memory_space<hbm>>) target(%arg17 : memref<40x128xf32, #tpu.memory_space<vmem>>) target_semaphore(%arg25 : memref<!tpu.dma_semaphore, #tpu.memory_space<semaphore_mem>>)
      } else {
      }
      %mul3A_213 = arith.constant 10000 : i32
      %mul3A_214 = arith.muli %add3A, %mul3A_213 : i32
      %mul3A_215 = arith.constant 40 : i32
      %mul3A_216 = arith.muli %add3A_201, %mul3A_215 : i32
      %add3A_217 = arith.addi %mul3A_214, %mul3A_216 : i32
      %dma_wait3A_218 = tpu.memref_slice %arg13[%mul3A_205] : memref<5040xi32, #tpu.memory_space<vmem>> -> memref<40xi32, #tpu.memory_space<vmem>>
      %dma_wait3A_219 = arith.constant 0 : i32
      %dma_wait3A_220 = arith.constant 0 : i32
      %dma_wait3A_221 = tpu.memref_slice %arg4[%dma_wait3A_219, %dma_wait3A_220] : memref<10000x128xf32, #tpu.memory_space<hbm>> -> memref<10000x128xf32, #tpu.memory_space<hbm>>
      tpu.wait_indirect_dma semaphore(%arg26 : memref<!tpu.dma_semaphore, #tpu.memory_space<semaphore_mem>>) src(%dma_wait3A_221 : memref<10000x128xf32, #tpu.memory_space<hbm>>) dst(%arg18 : memref<40x128xf32, #tpu.memory_space<vmem>>)
      %dma_wait3A_222 = tpu.memref_slice %arg14[%mul3A_205] : memref<5040xi32, #tpu.memory_space<vmem>> -> memref<40xi32, #tpu.memory_space<vmem>>
      %dma_wait3A_223 = arith.constant 0 : i32
      %dma_wait3A_224 = arith.constant 0 : i32
      %dma_wait3A_225 = tpu.memref_slice %arg5[%dma_wait3A_223, %dma_wait3A_224] : memref<10000x128xf32, #tpu.memory_space<hbm>> -> memref<10000x128xf32, #tpu.memory_space<hbm>>
      tpu.wait_indirect_dma semaphore(%arg26 : memref<!tpu.dma_semaphore, #tpu.memory_space<semaphore_mem>>) src(%dma_wait3A_225 : memref<10000x128xf32, #tpu.memory_space<hbm>>) dst(%arg19 : memref<40x128xf32, #tpu.memory_space<vmem>>)
      %dma_wait3A_226 = arith.constant 0 : i32
      %dma_wait3A_227 = tpu.memref_slice %arg6[%add3A_217, %dma_wait3A_226] : memref<320000x128xf32, #tpu.memory_space<hbm>> -> memref<40x128xf32, #tpu.memory_space<hbm>>
      %dma_wait3A_228 = arith.constant 0 : i32
      %dma_wait3A_229 = tpu.memref_slice %arg6[%add3A_217, %dma_wait3A_228] : memref<320000x128xf32, #tpu.memory_space<hbm>> -> memref<40x128xf32, #tpu.memory_space<hbm>>
      tpu.wait_dma2 semaphore(%arg26 : memref<!tpu.dma_semaphore, #tpu.memory_space<semaphore_mem>>) src(%dma_wait3A_229 : memref<40x128xf32, #tpu.memory_space<hbm>>) dst(%arg20 : memref<40x128xf32, #tpu.memory_space<vmem>>)
      %scan3A_230 = arith.constant 0 : i32
      %scan3A_231 = arith.constant 0 : i32
      %scan3A_232 = arith.constant 40 : i32
      %scan3A_233 = arith.addi %scan3A_231, %scan3A_232 : i32
      %scan3A_234 = arith.constant 1 : i32
      scf.for %scan3A_243 = %scan3A_231 to %scan3A_233 step %scan3A_234  : i32 {
        %get3A_244 = arith.index_cast %scan3A_243 : i32 to index
        %get3A_245 = arith.constant 0 : index
        %get3A_246 = tpu.vector_load %arg18[%get3A_244, %get3A_245] {strides = array<i32>} : memref<40x128xf32, #tpu.memory_space<vmem>>, vector<1x16xf32>,
        %get3A_247 = vector.shape_cast %get3A_246 : vector<1x16xf32> to vector<16xf32>
        %get3A_248 = arith.index_cast %scan3A_243 : i32 to index
        %get3A_249 = arith.constant 0 : index
        %get3A_250 = tpu.vector_load %arg19[%get3A_248, %get3A_249] {strides = array<i32>} : memref<40x128xf32, #tpu.memory_space<vmem>>, vector<1x16xf32>,
        %get3A_251 = vector.shape_cast %get3A_250 : vector<1x16xf32> to vector<16xf32>
        %add3A_252 = arith.addf %get3A_247, %get3A_251 : vector<16xf32>
        %get3A_253 = arith.index_cast %scan3A_243 : i32 to index
        %get3A_254 = arith.constant 0 : index
        %get3A_255 = tpu.vector_load %arg20[%get3A_253, %get3A_254] {strides = array<i32>} : memref<40x128xf32, #tpu.memory_space<vmem>>, vector<1x16xf32>,
        %get3A_256 = vector.shape_cast %get3A_255 : vector<1x16xf32> to vector<16xf32>
        %add3A_257 = arith.addf %add3A_252, %get3A_256 : vector<16xf32>
        %mul3A_258 = arith.mulf %add3A_257, %get3A_29 : vector<16xf32>
        %max3A = arith.maximumf %add3A_257, %mul3A_258 : vector<16xf32>
        %swap3A = arith.index_cast %scan3A_243 : i32 to index
        %swap3A_259 = arith.constant 0 : index
        %swap3A_260 = tpu.vector_load %arg18[%swap3A, %swap3A_259] {strides = array<i32>} : memref<40x128xf32, #tpu.memory_space<vmem>>, vector<1x16xf32>,
        %swap3A_261 = vector.shape_cast %swap3A_260 : vector<1x16xf32> to vector<16xf32>
        %swap3A_262 = vector.shape_cast %max3A : vector<16xf32> to vector<1x16xf32>
        tpu.vector_store %arg18[%swap3A, %swap3A_259], %swap3A_262 {strides = array<i32>} : memref<40x128xf32, #tpu.memory_space<vmem>>, vector<1x16xf32>,
        %get3A_263 = arith.index_cast %scan3A_243 : i32 to index
        %get3A_264 = arith.constant 16 : index
        %get3A_265 = tpu.vector_load %arg18[%get3A_263, %get3A_264] {strides = array<i32>} : memref<40x128xf32, #tpu.memory_space<vmem>>, vector<1x16xf32>,
        %get3A_266 = vector.shape_cast %get3A_265 : vector<1x16xf32> to vector<16xf32>
        %get3A_267 = arith.index_cast %scan3A_243 : i32 to index
        %get3A_268 = arith.constant 16 : index
        %get3A_269 = tpu.vector_load %arg19[%get3A_267, %get3A_268] {strides = array<i32>} : memref<40x128xf32, #tpu.memory_space<vmem>>, vector<1x16xf32>,
        %get3A_270 = vector.shape_cast %get3A_269 : vector<1x16xf32> to vector<16xf32>
        %add3A_271 = arith.addf %get3A_266, %get3A_270 : vector<16xf32>
        %get3A_272 = arith.index_cast %scan3A_243 : i32 to index
        %get3A_273 = arith.constant 16 : index
        %get3A_274 = tpu.vector_load %arg20[%get3A_272, %get3A_273] {strides = array<i32>} : memref<40x128xf32, #tpu.memory_space<vmem>>, vector<1x16xf32>,
        %get3A_275 = vector.shape_cast %get3A_274 : vector<1x16xf32> to vector<16xf32>
        %add3A_276 = arith.addf %add3A_271, %get3A_275 : vector<16xf32>
        %mul3A_277 = arith.mulf %add3A_276, %get3A_29 : vector<16xf32>
        %max3A_278 = arith.maximumf %add3A_276, %mul3A_277 : vector<16xf32>
        %swap3A_279 = arith.index_cast %scan3A_243 : i32 to index
        %swap3A_280 = arith.constant 16 : index
        %swap3A_281 = tpu.vector_load %arg18[%swap3A_279, %swap3A_280] {strides = array<i32>} : memref<40x128xf32, #tpu.memory_space<vmem>>, vector<1x16xf32>,
        %swap3A_282 = vector.shape_cast %swap3A_281 : vector<1x16xf32> to vector<16xf32>
        %swap3A_283 = vector.shape_cast %max3A_278 : vector<16xf32> to vector<1x16xf32>
        tpu.vector_store %arg18[%swap3A_279, %swap3A_280], %swap3A_283 {strides = array<i32>} : memref<40x128xf32, #tpu.memory_space<vmem>>, vector<1x16xf32>,
        %get3A_284 = arith.index_cast %scan3A_243 : i32 to index
        %get3A_285 = arith.constant 32 : index
        %get3A_286 = tpu.vector_load %arg18[%get3A_284, %get3A_285] {strides = array<i32>} : memref<40x128xf32, #tpu.memory_space<vmem>>, vector<1x16xf32>,
        %get3A_287 = vector.shape_cast %get3A_286 : vector<1x16xf32> to vector<16xf32>
        %get3A_288 = arith.index_cast %scan3A_243 : i32 to index
        %get3A_289 = arith.constant 32 : index
        %get3A_290 = tpu.vector_load %arg19[%get3A_288, %get3A_289] {strides = array<i32>} : memref<40x128xf32, #tpu.memory_space<vmem>>, vector<1x16xf32>,
        %get3A_291 = vector.shape_cast %get3A_290 : vector<1x16xf32> to vector<16xf32>
        %add3A_292 = arith.addf %get3A_287, %get3A_291 : vector<16xf32>
        %get3A_293 = arith.index_cast %scan3A_243 : i32 to index
        %get3A_294 = arith.constant 32 : index
        %get3A_295 = tpu.vector_load %arg20[%get3A_293, %get3A_294] {strides = array<i32>} : memref<40x128xf32, #tpu.memory_space<vmem>>, vector<1x16xf32>,
        %get3A_296 = vector.shape_cast %get3A_295 : vector<1x16xf32> to vector<16xf32>
        %add3A_297 = arith.addf %add3A_292, %get3A_296 : vector<16xf32>
        %mul3A_298 = arith.mulf %add3A_297, %get3A_29 : vector<16xf32>
        %max3A_299 = arith.maximumf %add3A_297, %mul3A_298 : vector<16xf32>
        %swap3A_300 = arith.index_cast %scan3A_243 : i32 to index
        %swap3A_301 = arith.constant 32 : index
        %swap3A_302 = tpu.vector_load %arg18[%swap3A_300, %swap3A_301] {strides = array<i32>} : memref<40x128xf32, #tpu.memory_space<vmem>>, vector<1x16xf32>,
        %swap3A_303 = vector.shape_cast %swap3A_302 : vector<1x16xf32> to vector<16xf32>
        %swap3A_304 = vector.shape_cast %max3A_299 : vector<16xf32> to vector<1x16xf32>
        tpu.vector_store %arg18[%swap3A_300, %swap3A_301], %swap3A_304 {strides = array<i32>} : memref<40x128xf32, #tpu.memory_space<vmem>>, vector<1x16xf32>,
        %get3A_305 = arith.index_cast %scan3A_243 : i32 to index
        %get3A_306 = arith.constant 48 : index
        %get3A_307 = tpu.vector_load %arg18[%get3A_305, %get3A_306] {strides = array<i32>} : memref<40x128xf32, #tpu.memory_space<vmem>>, vector<1x16xf32>,
        %get3A_308 = vector.shape_cast %get3A_307 : vector<1x16xf32> to vector<16xf32>
        %get3A_309 = arith.index_cast %scan3A_243 : i32 to index
        %get3A_310 = arith.constant 48 : index
        %get3A_311 = tpu.vector_load %arg19[%get3A_309, %get3A_310] {strides = array<i32>} : memref<40x128xf32, #tpu.memory_space<vmem>>, vector<1x16xf32>,
        %get3A_312 = vector.shape_cast %get3A_311 : vector<1x16xf32> to vector<16xf32>
        %add3A_313 = arith.addf %get3A_308, %get3A_312 : vector<16xf32>
        %get3A_314 = arith.index_cast %scan3A_243 : i32 to index
        %get3A_315 = arith.constant 48 : index
        %get3A_316 = tpu.vector_load %arg20[%get3A_314, %get3A_315] {strides = array<i32>} : memref<40x128xf32, #tpu.memory_space<vmem>>, vector<1x16xf32>,
        %get3A_317 = vector.shape_cast %get3A_316 : vector<1x16xf32> to vector<16xf32>
        %add3A_318 = arith.addf %add3A_313, %get3A_317 : vector<16xf32>
        %mul3A_319 = arith.mulf %add3A_318, %get3A_29 : vector<16xf32>
        %max3A_320 = arith.maximumf %add3A_318, %mul3A_319 : vector<16xf32>
        %swap3A_321 = arith.index_cast %scan3A_243 : i32 to index
        %swap3A_322 = arith.constant 48 : index
        %swap3A_323 = tpu.vector_load %arg18[%swap3A_321, %swap3A_322] {strides = array<i32>} : memref<40x128xf32, #tpu.memory_space<vmem>>, vector<1x16xf32>,
        %swap3A_324 = vector.shape_cast %swap3A_323 : vector<1x16xf32> to vector<16xf32>
        %swap3A_325 = vector.shape_cast %max3A_320 : vector<16xf32> to vector<1x16xf32>
        tpu.vector_store %arg18[%swap3A_321, %swap3A_322], %swap3A_325 {strides = array<i32>} : memref<40x128xf32, #tpu.memory_space<vmem>>, vector<1x16xf32>,
        %get3A_326 = arith.index_cast %scan3A_243 : i32 to index
        %get3A_327 = arith.constant 64 : index
        %get3A_328 = tpu.vector_load %arg18[%get3A_326, %get3A_327] {strides = array<i32>} : memref<40x128xf32, #tpu.memory_space<vmem>>, vector<1x16xf32>,
        %get3A_329 = vector.shape_cast %get3A_328 : vector<1x16xf32> to vector<16xf32>
        %get3A_330 = arith.index_cast %scan3A_243 : i32 to index
        %get3A_331 = arith.constant 64 : index
        %get3A_332 = tpu.vector_load %arg19[%get3A_330, %get3A_331] {strides = array<i32>} : memref<40x128xf32, #tpu.memory_space<vmem>>, vector<1x16xf32>,
        %get3A_333 = vector.shape_cast %get3A_332 : vector<1x16xf32> to vector<16xf32>
        %add3A_334 = arith.addf %get3A_329, %get3A_333 : vector<16xf32>
        %get3A_335 = arith.index_cast %scan3A_243 : i32 to index
        %get3A_336 = arith.constant 64 : index
        %get3A_337 = tpu.vector_load %arg20[%get3A_335, %get3A_336] {strides = array<i32>} : memref<40x128xf32, #tpu.memory_space<vmem>>, vector<1x16xf32>,
        %get3A_338 = vector.shape_cast %get3A_337 : vector<1x16xf32> to vector<16xf32>
        %add3A_339 = arith.addf %add3A_334, %get3A_338 : vector<16xf32>
        %mul3A_340 = arith.mulf %add3A_339, %get3A_29 : vector<16xf32>
        %max3A_341 = arith.maximumf %add3A_339, %mul3A_340 : vector<16xf32>
        %swap3A_342 = arith.index_cast %scan3A_243 : i32 to index
        %swap3A_343 = arith.constant 64 : index
        %swap3A_344 = tpu.vector_load %arg18[%swap3A_342, %swap3A_343] {strides = array<i32>} : memref<40x128xf32, #tpu.memory_space<vmem>>, vector<1x16xf32>,
        %swap3A_345 = vector.shape_cast %swap3A_344 : vector<1x16xf32> to vector<16xf32>
        %swap3A_346 = vector.shape_cast %max3A_341 : vector<16xf32> to vector<1x16xf32>
        tpu.vector_store %arg18[%swap3A_342, %swap3A_343], %swap3A_346 {strides = array<i32>} : memref<40x128xf32, #tpu.memory_space<vmem>>, vector<1x16xf32>,
        %get3A_347 = arith.index_cast %scan3A_243 : i32 to index
        %get3A_348 = arith.constant 80 : index
        %get3A_349 = tpu.vector_load %arg18[%get3A_347, %get3A_348] {strides = array<i32>} : memref<40x128xf32, #tpu.memory_space<vmem>>, vector<1x16xf32>,
        %get3A_350 = vector.shape_cast %get3A_349 : vector<1x16xf32> to vector<16xf32>
        %get3A_351 = arith.index_cast %scan3A_243 : i32 to index
        %get3A_352 = arith.constant 80 : index
        %get3A_353 = tpu.vector_load %arg19[%get3A_351, %get3A_352] {strides = array<i32>} : memref<40x128xf32, #tpu.memory_space<vmem>>, vector<1x16xf32>,
        %get3A_354 = vector.shape_cast %get3A_353 : vector<1x16xf32> to vector<16xf32>
        %add3A_355 = arith.addf %get3A_350, %get3A_354 : vector<16xf32>
        %get3A_356 = arith.index_cast %scan3A_243 : i32 to index
        %get3A_357 = arith.constant 80 : index
        %get3A_358 = tpu.vector_load %arg20[%get3A_356, %get3A_357] {strides = array<i32>} : memref<40x128xf32, #tpu.memory_space<vmem>>, vector<1x16xf32>,
        %get3A_359 = vector.shape_cast %get3A_358 : vector<1x16xf32> to vector<16xf32>
        %add3A_360 = arith.addf %add3A_355, %get3A_359 : vector<16xf32>
        %mul3A_361 = arith.mulf %add3A_360, %get3A_29 : vector<16xf32>
        %max3A_362 = arith.maximumf %add3A_360, %mul3A_361 : vector<16xf32>
        %swap3A_363 = arith.index_cast %scan3A_243 : i32 to index
        %swap3A_364 = arith.constant 80 : index
        %swap3A_365 = tpu.vector_load %arg18[%swap3A_363, %swap3A_364] {strides = array<i32>} : memref<40x128xf32, #tpu.memory_space<vmem>>, vector<1x16xf32>,
        %swap3A_366 = vector.shape_cast %swap3A_365 : vector<1x16xf32> to vector<16xf32>
        %swap3A_367 = vector.shape_cast %max3A_362 : vector<16xf32> to vector<1x16xf32>
        tpu.vector_store %arg18[%swap3A_363, %swap3A_364], %swap3A_367 {strides = array<i32>} : memref<40x128xf32, #tpu.memory_space<vmem>>, vector<1x16xf32>,
        %get3A_368 = arith.index_cast %scan3A_243 : i32 to index
        %get3A_369 = arith.constant 96 : index
        %get3A_370 = tpu.vector_load %arg18[%get3A_368, %get3A_369] {strides = array<i32>} : memref<40x128xf32, #tpu.memory_space<vmem>>, vector<1x16xf32>,
        %get3A_371 = vector.shape_cast %get3A_370 : vector<1x16xf32> to vector<16xf32>
        %get3A_372 = arith.index_cast %scan3A_243 : i32 to index
        %get3A_373 = arith.constant 96 : index
        %get3A_374 = tpu.vector_load %arg19[%get3A_372, %get3A_373] {strides = array<i32>} : memref<40x128xf32, #tpu.memory_space<vmem>>, vector<1x16xf32>,
        %get3A_375 = vector.shape_cast %get3A_374 : vector<1x16xf32> to vector<16xf32>
        %add3A_376 = arith.addf %get3A_371, %get3A_375 : vector<16xf32>
        %get3A_377 = arith.index_cast %scan3A_243 : i32 to index
        %get3A_378 = arith.constant 96 : index
        %get3A_379 = tpu.vector_load %arg20[%get3A_377, %get3A_378] {strides = array<i32>} : memref<40x128xf32, #tpu.memory_space<vmem>>, vector<1x16xf32>,
        %get3A_380 = vector.shape_cast %get3A_379 : vector<1x16xf32> to vector<16xf32>
        %add3A_381 = arith.addf %add3A_376, %get3A_380 : vector<16xf32>
        %mul3A_382 = arith.mulf %add3A_381, %get3A_29 : vector<16xf32>
        %max3A_383 = arith.maximumf %add3A_381, %mul3A_382 : vector<16xf32>
        %swap3A_384 = arith.index_cast %scan3A_243 : i32 to index
        %swap3A_385 = arith.constant 96 : index
        %swap3A_386 = tpu.vector_load %arg18[%swap3A_384, %swap3A_385] {strides = array<i32>} : memref<40x128xf32, #tpu.memory_space<vmem>>, vector<1x16xf32>,
        %swap3A_387 = vector.shape_cast %swap3A_386 : vector<1x16xf32> to vector<16xf32>
        %swap3A_388 = vector.shape_cast %max3A_383 : vector<16xf32> to vector<1x16xf32>
        tpu.vector_store %arg18[%swap3A_384, %swap3A_385], %swap3A_388 {strides = array<i32>} : memref<40x128xf32, #tpu.memory_space<vmem>>, vector<1x16xf32>,
        %get3A_389 = arith.index_cast %scan3A_243 : i32 to index
        %get3A_390 = arith.constant 112 : index
        %get3A_391 = tpu.vector_load %arg18[%get3A_389, %get3A_390] {strides = array<i32>} : memref<40x128xf32, #tpu.memory_space<vmem>>, vector<1x16xf32>,
        %get3A_392 = vector.shape_cast %get3A_391 : vector<1x16xf32> to vector<16xf32>
        %get3A_393 = arith.index_cast %scan3A_243 : i32 to index
        %get3A_394 = arith.constant 112 : index
        %get3A_395 = tpu.vector_load %arg19[%get3A_393, %get3A_394] {strides = array<i32>} : memref<40x128xf32, #tpu.memory_space<vmem>>, vector<1x16xf32>,
        %get3A_396 = vector.shape_cast %get3A_395 : vector<1x16xf32> to vector<16xf32>
        %add3A_397 = arith.addf %get3A_392, %get3A_396 : vector<16xf32>
        %get3A_398 = arith.index_cast %scan3A_243 : i32 to index
        %get3A_399 = arith.constant 112 : index
        %get3A_400 = tpu.vector_load %arg20[%get3A_398, %get3A_399] {strides = array<i32>} : memref<40x128xf32, #tpu.memory_space<vmem>>, vector<1x16xf32>,
        %get3A_401 = vector.shape_cast %get3A_400 : vector<1x16xf32> to vector<16xf32>
        %add3A_402 = arith.addf %add3A_397, %get3A_401 : vector<16xf32>
        %mul3A_403 = arith.mulf %add3A_402, %get3A_29 : vector<16xf32>
        %max3A_404 = arith.maximumf %add3A_402, %mul3A_403 : vector<16xf32>
        %swap3A_405 = arith.index_cast %scan3A_243 : i32 to index
        %swap3A_406 = arith.constant 112 : index
        %swap3A_407 = tpu.vector_load %arg18[%swap3A_405, %swap3A_406] {strides = array<i32>} : memref<40x128xf32, #tpu.memory_space<vmem>>, vector<1x16xf32>,
        %swap3A_408 = vector.shape_cast %swap3A_407 : vector<1x16xf32> to vector<16xf32>
        %swap3A_409 = vector.shape_cast %max3A_404 : vector<16xf32> to vector<1x16xf32>
        tpu.vector_store %arg18[%swap3A_405, %swap3A_406], %swap3A_409 {strides = array<i32>} : memref<40x128xf32, #tpu.memory_space<vmem>>, vector<1x16xf32>,
      }
      %scan3A_235 = arith.constant 40 : i32
      %dma_start3A_236 = tpu.memref_slice %arg13[%mul3A_205] : memref<5040xi32, #tpu.memory_space<vmem>> -> memref<40xi32, #tpu.memory_space<vmem>>
      %dma_start3A_237 = arith.constant 0 : i32
      %dma_start3A_238 = arith.constant 0 : i32
      %dma_start3A_239 = tpu.memref_slice %arg23[%dma_start3A_237, %dma_start3A_238] : memref<10000x128xf32, #tpu.memory_space<vmem_shared>> -> memref<10000x128xf32, #tpu.memory_space<vmem_shared>>
      tpu.enqueue_indirect_dma source(%arg18 : memref<40x128xf32, #tpu.memory_space<vmem>>) target(%dma_start3A_239 : memref<10000x128xf32, #tpu.memory_space<vmem_shared>>) offsets(%dma_start3A_236 : memref<40xi32, #tpu.memory_space<vmem>>) semaphore(%arg28 : memref<!tpu.dma_semaphore, #tpu.memory_space<semaphore_mem>>) {add = true}
      %dma_start3A_240 = tpu.memref_slice %arg13[%mul3A_205] : memref<5040xi32, #tpu.memory_space<vmem>> -> memref<40xi32, #tpu.memory_space<vmem>>
      %dma_start3A_241 = arith.constant 0 : i32
      %dma_start3A_242 = tpu.memref_slice %arg24[%dma_start3A_241] : memref<10240xf32, #tpu.memory_space<vmem_shared>> -> memref<10240xf32, #tpu.memory_space<vmem_shared>>
      tpu.enqueue_indirect_dma source(%arg21 : memref<40xf32, #tpu.memory_space<vmem>>) target(%dma_start3A_242 : memref<10240xf32, #tpu.memory_space<vmem_shared>>) offsets(%dma_start3A_240 : memref<40xi32, #tpu.memory_space<vmem>>) semaphore(%arg28 : memref<!tpu.dma_semaphore, #tpu.memory_space<semaphore_mem>>) {add = true}
    }
    %scan3A_54 = arith.constant 63 : i32
    %dma_wait3A = arith.constant 4960 : i32
    %dma_wait3A_55 = tpu.memref_slice %arg13[%dma_wait3A] : memref<5040xi32, #tpu.memory_space<vmem>> -> memref<40xi32, #tpu.memory_space<vmem>>
    %dma_wait3A_56 = arith.constant 0 : i32
    %dma_wait3A_57 = arith.constant 0 : i32
    %dma_wait3A_58 = tpu.memref_slice %arg23[%dma_wait3A_56, %dma_wait3A_57] : memref<10000x128xf32, #tpu.memory_space<vmem_shared>> -> memref<10000x128xf32, #tpu.memory_space<vmem_shared>>
    tpu.wait_indirect_dma semaphore(%arg27 : memref<!tpu.dma_semaphore, #tpu.memory_space<semaphore_mem>>) src(%arg15 : memref<40x128xf32, #tpu.memory_space<vmem>>) dst(%dma_wait3A_58 : memref<10000x128xf32, #tpu.memory_space<vmem_shared>>)
    %dma_wait3A_59 = arith.constant 4960 : i32
    %dma_wait3A_60 = tpu.memref_slice %arg13[%dma_wait3A_59] : memref<5040xi32, #tpu.memory_space<vmem>> -> memref<40xi32, #tpu.memory_space<vmem>>
    %dma_wait3A_61 = arith.constant 0 : i32
    %dma_wait3A_62 = tpu.memref_slice %arg24[%dma_wait3A_61] : memref<10240xf32, #tpu.memory_space<vmem_shared>> -> memref<10240xf32, #tpu.memory_space<vmem_shared>>
    tpu.wait_indirect_dma semaphore(%arg27 : memref<!tpu.dma_semaphore, #tpu.memory_space<semaphore_mem>>) src(%arg21 : memref<40xf32, #tpu.memory_space<vmem>>) dst(%dma_wait3A_62 : memref<10240xf32, #tpu.memory_space<vmem_shared>>)
    %dma_wait3A_63 = arith.constant 5000 : i32
    %dma_wait3A_64 = tpu.memref_slice %arg13[%dma_wait3A_63] : memref<5040xi32, #tpu.memory_space<vmem>> -> memref<40xi32, #tpu.memory_space<vmem>>
    %dma_wait3A_65 = arith.constant 0 : i32
    %dma_wait3A_66 = arith.constant 0 : i32
    %dma_wait3A_67 = tpu.memref_slice %arg23[%dma_wait3A_65, %dma_wait3A_66] : memref<10000x128xf32, #tpu.memory_space<vmem_shared>> -> memref<10000x128xf32, #tpu.memory_space<vmem_shared>>
    tpu.wait_indirect_dma semaphore(%arg28 : memref<!tpu.dma_semaphore, #tpu.memory_space<semaphore_mem>>) src(%arg18 : memref<40x128xf32, #tpu.memory_space<vmem>>) dst(%dma_wait3A_67 : memref<10000x128xf32, #tpu.memory_space<vmem_shared>>)
    %dma_wait3A_68 = arith.constant 5000 : i32
    %dma_wait3A_69 = tpu.memref_slice %arg13[%dma_wait3A_68] : memref<5040xi32, #tpu.memory_space<vmem>> -> memref<40xi32, #tpu.memory_space<vmem>>
    %dma_wait3A_70 = arith.constant 0 : i32
    %dma_wait3A_71 = tpu.memref_slice %arg24[%dma_wait3A_70] : memref<10240xf32, #tpu.memory_space<vmem_shared>> -> memref<10240xf32, #tpu.memory_space<vmem_shared>>
    tpu.wait_indirect_dma semaphore(%arg28 : memref<!tpu.dma_semaphore, #tpu.memory_space<semaphore_mem>>) src(%arg21 : memref<40xf32, #tpu.memory_space<vmem>>) dst(%dma_wait3A_71 : memref<10240xf32, #tpu.memory_space<vmem_shared>>)
    %mul3A_72 = arith.constant 10000 : i32
    %mul3A_73 = arith.muli %add3A, %mul3A_72 : i32
    %add3A_74 = arith.constant 5040 : i32
    %add3A_75 = arith.addi %mul3A_73, %add3A_74 : i32
    "tpu.region"() ({
      %run_scoped3A = tpu.sem_alloc : memref<!tpu.dma_semaphore, #tpu.memory_space<semaphore_mem>>
      %dma_start3A_153 = arith.constant 0 : i32
      %dma_start3A_154 = tpu.memref_slice %arg13[%dma_start3A_153] : memref<5040xi32, #tpu.memory_space<vmem>> -> memref<4960xi32, #tpu.memory_space<vmem>>
      %dma_start3A_155 = tpu.memref_slice %arg2[%add3A_75] : memref<320000xi32, #tpu.memory_space<hbm>> -> memref<4960xi32, #tpu.memory_space<hbm>>
      %dma_start3A_156 = arith.constant 0 : i32
      %dma_start3A_157 = tpu.memref_slice %arg13[%dma_start3A_156] : memref<5040xi32, #tpu.memory_space<vmem>> -> memref<4960xi32, #tpu.memory_space<vmem>>
      %dma_start3A_158 = tpu.memref_slice %arg2[%add3A_75] : memref<320000xi32, #tpu.memory_space<hbm>> -> memref<4960xi32, #tpu.memory_space<hbm>>
      tpu.enqueue_dma source(%dma_start3A_158 : memref<4960xi32, #tpu.memory_space<hbm>>) target(%dma_start3A_157 : memref<4960xi32, #tpu.memory_space<vmem>>) target_semaphore(%run_scoped3A : memref<!tpu.dma_semaphore, #tpu.memory_space<semaphore_mem>>)
      %dma_wait3A_159 = arith.constant 0 : i32
      %dma_wait3A_160 = tpu.memref_slice %arg13[%dma_wait3A_159] : memref<5040xi32, #tpu.memory_space<vmem>> -> memref<4960xi32, #tpu.memory_space<vmem>>
      %dma_wait3A_161 = tpu.memref_slice %arg2[%add3A_75] : memref<320000xi32, #tpu.memory_space<hbm>> -> memref<4960xi32, #tpu.memory_space<hbm>>
      %dma_wait3A_162 = arith.constant 0 : i32
      %dma_wait3A_163 = tpu.memref_slice %arg13[%dma_wait3A_162] : memref<5040xi32, #tpu.memory_space<vmem>> -> memref<4960xi32, #tpu.memory_space<vmem>>
      %dma_wait3A_164 = tpu.memref_slice %arg2[%add3A_75] : memref<320000xi32, #tpu.memory_space<hbm>> -> memref<4960xi32, #tpu.memory_space<hbm>>
      tpu.wait_dma2 semaphore(%run_scoped3A : memref<!tpu.dma_semaphore, #tpu.memory_space<semaphore_mem>>) src(%dma_wait3A_164 : memref<4960xi32, #tpu.memory_space<hbm>>) dst(%dma_wait3A_163 : memref<4960xi32, #tpu.memory_space<vmem>>)
      tpu.yield
    }) : () -> ()
    "tpu.region"() ({
      %run_scoped3A = tpu.sem_alloc : memref<!tpu.dma_semaphore, #tpu.memory_space<semaphore_mem>>
      %dma_start3A_153 = arith.constant 0 : i32
      %dma_start3A_154 = tpu.memref_slice %arg14[%dma_start3A_153] : memref<5040xi32, #tpu.memory_space<vmem>> -> memref<4960xi32, #tpu.memory_space<vmem>>
      %dma_start3A_155 = tpu.memref_slice %arg3[%add3A_75] : memref<320000xi32, #tpu.memory_space<hbm>> -> memref<4960xi32, #tpu.memory_space<hbm>>
      %dma_start3A_156 = arith.constant 0 : i32
      %dma_start3A_157 = tpu.memref_slice %arg14[%dma_start3A_156] : memref<5040xi32, #tpu.memory_space<vmem>> -> memref<4960xi32, #tpu.memory_space<vmem>>
      %dma_start3A_158 = tpu.memref_slice %arg3[%add3A_75] : memref<320000xi32, #tpu.memory_space<hbm>> -> memref<4960xi32, #tpu.memory_space<hbm>>
      tpu.enqueue_dma source(%dma_start3A_158 : memref<4960xi32, #tpu.memory_space<hbm>>) target(%dma_start3A_157 : memref<4960xi32, #tpu.memory_space<vmem>>) target_semaphore(%run_scoped3A : memref<!tpu.dma_semaphore, #tpu.memory_space<semaphore_mem>>)
      %dma_wait3A_159 = arith.constant 0 : i32
      %dma_wait3A_160 = tpu.memref_slice %arg14[%dma_wait3A_159] : memref<5040xi32, #tpu.memory_space<vmem>> -> memref<4960xi32, #tpu.memory_space<vmem>>
      %dma_wait3A_161 = tpu.memref_slice %arg3[%add3A_75] : memref<320000xi32, #tpu.memory_space<hbm>> -> memref<4960xi32, #tpu.memory_space<hbm>>
      %dma_wait3A_162 = arith.constant 0 : i32
      %dma_wait3A_163 = tpu.memref_slice %arg14[%dma_wait3A_162] : memref<5040xi32, #tpu.memory_space<vmem>> -> memref<4960xi32, #tpu.memory_space<vmem>>
      %dma_wait3A_164 = tpu.memref_slice %arg3[%add3A_75] : memref<320000xi32, #tpu.memory_space<hbm>> -> memref<4960xi32, #tpu.memory_space<hbm>>
      tpu.wait_dma2 semaphore(%run_scoped3A : memref<!tpu.dma_semaphore, #tpu.memory_space<semaphore_mem>>) src(%dma_wait3A_164 : memref<4960xi32, #tpu.memory_space<hbm>>) dst(%dma_wait3A_163 : memref<4960xi32, #tpu.memory_space<vmem>>)
      tpu.yield
    }) : () -> ()
    %dma_start3A_76 = arith.constant 0 : i32
    %dma_start3A_77 = tpu.memref_slice %arg13[%dma_start3A_76] : memref<5040xi32, #tpu.memory_space<vmem>> -> memref<40xi32, #tpu.memory_space<vmem>>
    %dma_start3A_78 = arith.constant 0 : i32
    %dma_start3A_79 = arith.constant 0 : i32
    %dma_start3A_80 = tpu.memref_slice %arg4[%dma_start3A_78, %dma_start3A_79] : memref<10000x128xf32, #tpu.memory_space<hbm>> -> memref<10000x128xf32, #tpu.memory_space<hbm>>
    tpu.enqueue_indirect_dma source(%dma_start3A_80 : memref<10000x128xf32, #tpu.memory_space<hbm>>) target(%arg15 : memref<40x128xf32, #tpu.memory_space<vmem>>) offsets(%dma_start3A_77 : memref<40xi32, #tpu.memory_space<vmem>>) semaphore(%arg25 : memref<!tpu.dma_semaphore, #tpu.memory_space<semaphore_mem>>)
    %dma_start3A_81 = arith.constant 0 : i32
    %dma_start3A_82 = tpu.memref_slice %arg14[%dma_start3A_81] : memref<5040xi32, #tpu.memory_space<vmem>> -> memref<40xi32, #tpu.memory_space<vmem>>
    %dma_start3A_83 = arith.constant 0 : i32
    %dma_start3A_84 = arith.constant 0 : i32
    %dma_start3A_85 = tpu.memref_slice %arg5[%dma_start3A_83, %dma_start3A_84] : memref<10000x128xf32, #tpu.memory_space<hbm>> -> memref<10000x128xf32, #tpu.memory_space<hbm>>
    tpu.enqueue_indirect_dma source(%dma_start3A_85 : memref<10000x128xf32, #tpu.memory_space<hbm>>) target(%arg16 : memref<40x128xf32, #tpu.memory_space<vmem>>) offsets(%dma_start3A_82 : memref<40xi32, #tpu.memory_space<vmem>>) semaphore(%arg25 : memref<!tpu.dma_semaphore, #tpu.memory_space<semaphore_mem>>)
    %mul3A_86 = arith.constant 10000 : i32
    %mul3A_87 = arith.muli %add3A, %mul3A_86 : i32
    %add3A_88 = arith.constant 5040 : i32
    %add3A_89 = arith.addi %mul3A_87, %add3A_88 : i32
    %dma_start3A_90 = arith.constant 0 : i32
    %dma_start3A_91 = tpu.memref_slice %arg6[%add3A_89, %dma_start3A_90] : memref<320000x128xf32, #tpu.memory_space<hbm>> -> memref<40x128xf32, #tpu.memory_space<hbm>>
    %dma_start3A_92 = arith.constant 0 : i32
    %dma_start3A_93 = tpu.memref_slice %arg6[%add3A_89, %dma_start3A_92] : memref<320000x128xf32, #tpu.memory_space<hbm>> -> memref<40x128xf32, #tpu.memory_space<hbm>>
    tpu.enqueue_dma source(%dma_start3A_93 : memref<40x128xf32, #tpu.memory_space<hbm>>) target(%arg17 : memref<40x128xf32, #tpu.memory_space<vmem>>) target_semaphore(%arg25 : memref<!tpu.dma_semaphore, #tpu.memory_space<semaphore_mem>>)
    %scan3A_94 = arith.constant 0 : i32
    %scan3A_95 = arith.constant 62 : i32
    %scan3A_96 = arith.addi %scan3A_94, %scan3A_95 : i32
    %scan3A_97 = arith.constant 1 : i32
    scf.for %scan3A_153 = %scan3A_94 to %scan3A_96 step %scan3A_97  : i32 {
      %mul3A_154 = arith.constant 2 : i32
      %mul3A_155 = arith.muli %scan3A_153, %mul3A_154 : i32
      %add3A_156 = arith.constant 126 : i32
      %add3A_157 = arith.addi %add3A_156, %mul3A_155 : i32
      %add3A_158 = arith.constant 0 : i32
      %add3A_159 = arith.addi %add3A_157, %add3A_158 : i32
      %sub3A = arith.constant 126 : i32
      %sub3A_160 = arith.subi %add3A_159, %sub3A : i32
      %mul3A_161 = arith.constant 40 : i32
      %mul3A_162 = arith.muli %sub3A_160, %mul3A_161 : i32
      %add3A_163 = arith.constant 1 : i32
      %add3A_164 = arith.addi %add3A_159, %add3A_163 : i32
      %lt3A_165 = arith.constant 250 : i32
      %lt3A_166 = arith.cmpi slt, %add3A_164, %lt3A_165 : i32
      %convert_element_type3A_167 = arith.extui %lt3A_166 : i1 to i32
      %cond3A_168 = arith.constant 0 : i32
      %cond3A_169 = arith.cmpi ne, %convert_element_type3A_167, %cond3A_168 : i32
      scf.if %cond3A_169 {
        %ge3A = arith.constant 127 : i32
        %ge3A_243 = arith.cmpi sge, %add3A_159, %ge3A : i32
        %convert_element_type3A_244 = arith.extui %ge3A_243 : i1 to i32
        %cond3A_245 = arith.constant 0 : i32
        %cond3A_246 = arith.cmpi ne, %convert_element_type3A_244, %cond3A_245 : i32
        scf.if %cond3A_246 {
          %sub3A_270 = arith.constant 1 : i32
          %sub3A_271 = arith.subi %add3A_159, %sub3A_270 : i32
          %sub3A_272 = arith.constant 126 : i32
          %sub3A_273 = arith.subi %sub3A_271, %sub3A_272 : i32
          %mul3A_274 = arith.constant 40 : i32
          %mul3A_275 = arith.muli %sub3A_273, %mul3A_274 : i32
          %dma_wait3A_276 = tpu.memref_slice %arg13[%mul3A_275] : memref<5040xi32, #tpu.memory_space<vmem>> -> memref<40xi32, #tpu.memory_space<vmem>>
          %dma_wait3A_277 = arith.constant 0 : i32
          %dma_wait3A_278 = arith.constant 0 : i32
          %dma_wait3A_279 = tpu.memref_slice %arg23[%dma_wait3A_277, %dma_wait3A_278] : memref<10000x128xf32, #tpu.memory_space<vmem_shared>> -> memref<10000x128xf32, #tpu.memory_space<vmem_shared>>
          tpu.wait_indirect_dma semaphore(%arg28 : memref<!tpu.dma_semaphore, #tpu.memory_space<semaphore_mem>>) src(%arg18 : memref<40x128xf32, #tpu.memory_space<vmem>>) dst(%dma_wait3A_279 : memref<10000x128xf32, #tpu.memory_space<vmem_shared>>)
          %dma_wait3A_280 = tpu.memref_slice %arg13[%mul3A_275] : memref<5040xi32, #tpu.memory_space<vmem>> -> memref<40xi32, #tpu.memory_space<vmem>>
          %dma_wait3A_281 = arith.constant 0 : i32
          %dma_wait3A_282 = tpu.memref_slice %arg24[%dma_wait3A_281] : memref<10240xf32, #tpu.memory_space<vmem_shared>> -> memref<10240xf32, #tpu.memory_space<vmem_shared>>
          tpu.wait_indirect_dma semaphore(%arg28 : memref<!tpu.dma_semaphore, #tpu.memory_space<semaphore_mem>>) src(%arg21 : memref<40xf32, #tpu.memory_space<vmem>>) dst(%dma_wait3A_282 : memref<10240xf32, #tpu.memory_space<vmem_shared>>)
        } else {
        }
        %add3A_247 = arith.constant 1 : i32
        %add3A_248 = arith.addi %add3A_159, %add3A_247 : i32
        %sub3A_249 = arith.constant 126 : i32
        %sub3A_250 = arith.subi %add3A_248, %sub3A_249 : i32
        %mul3A_251 = arith.constant 40 : i32
        %mul3A_252 = arith.muli %sub3A_250, %mul3A_251 : i32
        %dma_start3A_253 = tpu.memref_slice %arg13[%mul3A_252] : memref<5040xi32, #tpu.memory_space<vmem>> -> memref<40xi32, #tpu.memory_space<vmem>>
        %dma_start3A_254 = arith.constant 0 : i32
        %dma_start3A_255 = arith.constant 0 : i32
        %dma_start3A_256 = tpu.memref_slice %arg4[%dma_start3A_254, %dma_start3A_255] : memref<10000x128xf32, #tpu.memory_space<hbm>> -> memref<10000x128xf32, #tpu.memory_space<hbm>>
        tpu.enqueue_indirect_dma source(%dma_start3A_256 : memref<10000x128xf32, #tpu.memory_space<hbm>>) target(%arg18 : memref<40x128xf32, #tpu.memory_space<vmem>>) offsets(%dma_start3A_253 : memref<40xi32, #tpu.memory_space<vmem>>) semaphore(%arg26 : memref<!tpu.dma_semaphore, #tpu.memory_space<semaphore_mem>>)
        %dma_start3A_257 = tpu.memref_slice %arg14[%mul3A_252] : memref<5040xi32, #tpu.memory_space<vmem>> -> memref<40xi32, #tpu.memory_space<vmem>>
        %dma_start3A_258 = arith.constant 0 : i32
        %dma_start3A_259 = arith.constant 0 : i32
        %dma_start3A_260 = tpu.memref_slice %arg5[%dma_start3A_258, %dma_start3A_259] : memref<10000x128xf32, #tpu.memory_space<hbm>> -> memref<10000x128xf32, #tpu.memory_space<hbm>>
        tpu.enqueue_indirect_dma source(%dma_start3A_260 : memref<10000x128xf32, #tpu.memory_space<hbm>>) target(%arg19 : memref<40x128xf32, #tpu.memory_space<vmem>>) offsets(%dma_start3A_257 : memref<40xi32, #tpu.memory_space<vmem>>) semaphore(%arg26 : memref<!tpu.dma_semaphore, #tpu.memory_space<semaphore_mem>>)
        %mul3A_261 = arith.constant 10000 : i32
        %mul3A_262 = arith.muli %add3A, %mul3A_261 : i32
        %mul3A_263 = arith.constant 40 : i32
        %mul3A_264 = arith.muli %add3A_248, %mul3A_263 : i32
        %add3A_265 = arith.addi %mul3A_262, %mul3A_264 : i32
        %dma_start3A_266 = arith.constant 0 : i32
        %dma_start3A_267 = tpu.memref_slice %arg6[%add3A_265, %dma_start3A_266] : memref<320000x128xf32, #tpu.memory_space<hbm>> -> memref<40x128xf32, #tpu.memory_space<hbm>>
        %dma_start3A_268 = arith.constant 0 : i32
        %dma_start3A_269 = tpu.memref_slice %arg6[%add3A_265, %dma_start3A_268] : memref<320000x128xf32, #tpu.memory_space<hbm>> -> memref<40x128xf32, #tpu.memory_space<hbm>>
        tpu.enqueue_dma source(%dma_start3A_269 : memref<40x128xf32, #tpu.memory_space<hbm>>) target(%arg20 : memref<40x128xf32, #tpu.memory_space<vmem>>) target_semaphore(%arg26 : memref<!tpu.dma_semaphore, #tpu.memory_space<semaphore_mem>>)
      } else {
      }
      %mul3A_170 = arith.constant 10000 : i32
      %mul3A_171 = arith.muli %add3A, %mul3A_170 : i32
      %mul3A_172 = arith.constant 40 : i32
      %mul3A_173 = arith.muli %add3A_159, %mul3A_172 : i32
      %add3A_174 = arith.addi %mul3A_171, %mul3A_173 : i32
      %dma_wait3A_175 = tpu.memref_slice %arg13[%mul3A_162] : memref<5040xi32, #tpu.memory_space<vmem>> -> memref<40xi32, #tpu.memory_space<vmem>>
      %dma_wait3A_176 = arith.constant 0 : i32
      %dma_wait3A_177 = arith.constant 0 : i32
      %dma_wait3A_178 = tpu.memref_slice %arg4[%dma_wait3A_176, %dma_wait3A_177] : memref<10000x128xf32, #tpu.memory_space<hbm>> -> memref<10000x128xf32, #tpu.memory_space<hbm>>
      tpu.wait_indirect_dma semaphore(%arg25 : memref<!tpu.dma_semaphore, #tpu.memory_space<semaphore_mem>>) src(%dma_wait3A_178 : memref<10000x128xf32, #tpu.memory_space<hbm>>) dst(%arg15 : memref<40x128xf32, #tpu.memory_space<vmem>>)
      %dma_wait3A_179 = tpu.memref_slice %arg14[%mul3A_162] : memref<5040xi32, #tpu.memory_space<vmem>> -> memref<40xi32, #tpu.memory_space<vmem>>
      %dma_wait3A_180 = arith.constant 0 : i32
      %dma_wait3A_181 = arith.constant 0 : i32
      %dma_wait3A_182 = tpu.memref_slice %arg5[%dma_wait3A_180, %dma_wait3A_181] : memref<10000x128xf32, #tpu.memory_space<hbm>> -> memref<10000x128xf32, #tpu.memory_space<hbm>>
      tpu.wait_indirect_dma semaphore(%arg25 : memref<!tpu.dma_semaphore, #tpu.memory_space<semaphore_mem>>) src(%dma_wait3A_182 : memref<10000x128xf32, #tpu.memory_space<hbm>>) dst(%arg16 : memref<40x128xf32, #tpu.memory_space<vmem>>)
      %dma_wait3A_183 = arith.constant 0 : i32
      %dma_wait3A_184 = tpu.memref_slice %arg6[%add3A_174, %dma_wait3A_183] : memref<320000x128xf32, #tpu.memory_space<hbm>> -> memref<40x128xf32, #tpu.memory_space<hbm>>
      %dma_wait3A_185 = arith.constant 0 : i32
      %dma_wait3A_186 = tpu.memref_slice %arg6[%add3A_174, %dma_wait3A_185] : memref<320000x128xf32, #tpu.memory_space<hbm>> -> memref<40x128xf32, #tpu.memory_space<hbm>>
      tpu.wait_dma2 semaphore(%arg25 : memref<!tpu.dma_semaphore, #tpu.memory_space<semaphore_mem>>) src(%dma_wait3A_186 : memref<40x128xf32, #tpu.memory_space<hbm>>) dst(%arg17 : memref<40x128xf32, #tpu.memory_space<vmem>>)
      %scan3A_187 = arith.constant 0 : i32
      %scan3A_188 = arith.constant 0 : i32
      %scan3A_189 = arith.constant 40 : i32
      %scan3A_190 = arith.addi %scan3A_188, %scan3A_189 : i32
      %scan3A_191 = arith.constant 1 : i32
      scf.for %scan3A_243 = %scan3A_188 to %scan3A_190 step %scan3A_191  : i32 {
        %get3A_244 = arith.index_cast %scan3A_243 : i32 to index
        %get3A_245 = arith.constant 0 : index
        %get3A_246 = tpu.vector_load %arg15[%get3A_244, %get3A_245] {strides = array<i32>} : memref<40x128xf32, #tpu.memory_space<vmem>>, vector<1x16xf32>,
        %get3A_247 = vector.shape_cast %get3A_246 : vector<1x16xf32> to vector<16xf32>
        %get3A_248 = arith.index_cast %scan3A_243 : i32 to index
        %get3A_249 = arith.constant 0 : index
        %get3A_250 = tpu.vector_load %arg16[%get3A_248, %get3A_249] {strides = array<i32>} : memref<40x128xf32, #tpu.memory_space<vmem>>, vector<1x16xf32>,
        %get3A_251 = vector.shape_cast %get3A_250 : vector<1x16xf32> to vector<16xf32>
        %add3A_252 = arith.addf %get3A_247, %get3A_251 : vector<16xf32>
        %get3A_253 = arith.index_cast %scan3A_243 : i32 to index
        %get3A_254 = arith.constant 0 : index
        %get3A_255 = tpu.vector_load %arg17[%get3A_253, %get3A_254] {strides = array<i32>} : memref<40x128xf32, #tpu.memory_space<vmem>>, vector<1x16xf32>,
        %get3A_256 = vector.shape_cast %get3A_255 : vector<1x16xf32> to vector<16xf32>
        %add3A_257 = arith.addf %add3A_252, %get3A_256 : vector<16xf32>
        %mul3A_258 = arith.mulf %add3A_257, %get3A_29 : vector<16xf32>
        %max3A = arith.maximumf %add3A_257, %mul3A_258 : vector<16xf32>
        %swap3A = arith.index_cast %scan3A_243 : i32 to index
        %swap3A_259 = arith.constant 0 : index
        %swap3A_260 = tpu.vector_load %arg15[%swap3A, %swap3A_259] {strides = array<i32>} : memref<40x128xf32, #tpu.memory_space<vmem>>, vector<1x16xf32>,
        %swap3A_261 = vector.shape_cast %swap3A_260 : vector<1x16xf32> to vector<16xf32>
        %swap3A_262 = vector.shape_cast %max3A : vector<16xf32> to vector<1x16xf32>
        tpu.vector_store %arg15[%swap3A, %swap3A_259], %swap3A_262 {strides = array<i32>} : memref<40x128xf32, #tpu.memory_space<vmem>>, vector<1x16xf32>,
        %get3A_263 = arith.index_cast %scan3A_243 : i32 to index
        %get3A_264 = arith.constant 16 : index
        %get3A_265 = tpu.vector_load %arg15[%get3A_263, %get3A_264] {strides = array<i32>} : memref<40x128xf32, #tpu.memory_space<vmem>>, vector<1x16xf32>,
        %get3A_266 = vector.shape_cast %get3A_265 : vector<1x16xf32> to vector<16xf32>
        %get3A_267 = arith.index_cast %scan3A_243 : i32 to index
        %get3A_268 = arith.constant 16 : index
        %get3A_269 = tpu.vector_load %arg16[%get3A_267, %get3A_268] {strides = array<i32>} : memref<40x128xf32, #tpu.memory_space<vmem>>, vector<1x16xf32>,
        %get3A_270 = vector.shape_cast %get3A_269 : vector<1x16xf32> to vector<16xf32>
        %add3A_271 = arith.addf %get3A_266, %get3A_270 : vector<16xf32>
        %get3A_272 = arith.index_cast %scan3A_243 : i32 to index
        %get3A_273 = arith.constant 16 : index
        %get3A_274 = tpu.vector_load %arg17[%get3A_272, %get3A_273] {strides = array<i32>} : memref<40x128xf32, #tpu.memory_space<vmem>>, vector<1x16xf32>,
        %get3A_275 = vector.shape_cast %get3A_274 : vector<1x16xf32> to vector<16xf32>
        %add3A_276 = arith.addf %add3A_271, %get3A_275 : vector<16xf32>
        %mul3A_277 = arith.mulf %add3A_276, %get3A_29 : vector<16xf32>
        %max3A_278 = arith.maximumf %add3A_276, %mul3A_277 : vector<16xf32>
        %swap3A_279 = arith.index_cast %scan3A_243 : i32 to index
        %swap3A_280 = arith.constant 16 : index
        %swap3A_281 = tpu.vector_load %arg15[%swap3A_279, %swap3A_280] {strides = array<i32>} : memref<40x128xf32, #tpu.memory_space<vmem>>, vector<1x16xf32>,
        %swap3A_282 = vector.shape_cast %swap3A_281 : vector<1x16xf32> to vector<16xf32>
        %swap3A_283 = vector.shape_cast %max3A_278 : vector<16xf32> to vector<1x16xf32>
        tpu.vector_store %arg15[%swap3A_279, %swap3A_280], %swap3A_283 {strides = array<i32>} : memref<40x128xf32, #tpu.memory_space<vmem>>, vector<1x16xf32>,
        %get3A_284 = arith.index_cast %scan3A_243 : i32 to index
        %get3A_285 = arith.constant 32 : index
        %get3A_286 = tpu.vector_load %arg15[%get3A_284, %get3A_285] {strides = array<i32>} : memref<40x128xf32, #tpu.memory_space<vmem>>, vector<1x16xf32>,
        %get3A_287 = vector.shape_cast %get3A_286 : vector<1x16xf32> to vector<16xf32>
        %get3A_288 = arith.index_cast %scan3A_243 : i32 to index
        %get3A_289 = arith.constant 32 : index
        %get3A_290 = tpu.vector_load %arg16[%get3A_288, %get3A_289] {strides = array<i32>} : memref<40x128xf32, #tpu.memory_space<vmem>>, vector<1x16xf32>,
        %get3A_291 = vector.shape_cast %get3A_290 : vector<1x16xf32> to vector<16xf32>
        %add3A_292 = arith.addf %get3A_287, %get3A_291 : vector<16xf32>
        %get3A_293 = arith.index_cast %scan3A_243 : i32 to index
        %get3A_294 = arith.constant 32 : index
        %get3A_295 = tpu.vector_load %arg17[%get3A_293, %get3A_294] {strides = array<i32>} : memref<40x128xf32, #tpu.memory_space<vmem>>, vector<1x16xf32>,
        %get3A_296 = vector.shape_cast %get3A_295 : vector<1x16xf32> to vector<16xf32>
        %add3A_297 = arith.addf %add3A_292, %get3A_296 : vector<16xf32>
        %mul3A_298 = arith.mulf %add3A_297, %get3A_29 : vector<16xf32>
        %max3A_299 = arith.maximumf %add3A_297, %mul3A_298 : vector<16xf32>
        %swap3A_300 = arith.index_cast %scan3A_243 : i32 to index
        %swap3A_301 = arith.constant 32 : index
        %swap3A_302 = tpu.vector_load %arg15[%swap3A_300, %swap3A_301] {strides = array<i32>} : memref<40x128xf32, #tpu.memory_space<vmem>>, vector<1x16xf32>,
        %swap3A_303 = vector.shape_cast %swap3A_302 : vector<1x16xf32> to vector<16xf32>
        %swap3A_304 = vector.shape_cast %max3A_299 : vector<16xf32> to vector<1x16xf32>
        tpu.vector_store %arg15[%swap3A_300, %swap3A_301], %swap3A_304 {strides = array<i32>} : memref<40x128xf32, #tpu.memory_space<vmem>>, vector<1x16xf32>,
        %get3A_305 = arith.index_cast %scan3A_243 : i32 to index
        %get3A_306 = arith.constant 48 : index
        %get3A_307 = tpu.vector_load %arg15[%get3A_305, %get3A_306] {strides = array<i32>} : memref<40x128xf32, #tpu.memory_space<vmem>>, vector<1x16xf32>,
        %get3A_308 = vector.shape_cast %get3A_307 : vector<1x16xf32> to vector<16xf32>
        %get3A_309 = arith.index_cast %scan3A_243 : i32 to index
        %get3A_310 = arith.constant 48 : index
        %get3A_311 = tpu.vector_load %arg16[%get3A_309, %get3A_310] {strides = array<i32>} : memref<40x128xf32, #tpu.memory_space<vmem>>, vector<1x16xf32>,
        %get3A_312 = vector.shape_cast %get3A_311 : vector<1x16xf32> to vector<16xf32>
        %add3A_313 = arith.addf %get3A_308, %get3A_312 : vector<16xf32>
        %get3A_314 = arith.index_cast %scan3A_243 : i32 to index
        %get3A_315 = arith.constant 48 : index
        %get3A_316 = tpu.vector_load %arg17[%get3A_314, %get3A_315] {strides = array<i32>} : memref<40x128xf32, #tpu.memory_space<vmem>>, vector<1x16xf32>,
        %get3A_317 = vector.shape_cast %get3A_316 : vector<1x16xf32> to vector<16xf32>
        %add3A_318 = arith.addf %add3A_313, %get3A_317 : vector<16xf32>
        %mul3A_319 = arith.mulf %add3A_318, %get3A_29 : vector<16xf32>
        %max3A_320 = arith.maximumf %add3A_318, %mul3A_319 : vector<16xf32>
        %swap3A_321 = arith.index_cast %scan3A_243 : i32 to index
        %swap3A_322 = arith.constant 48 : index
        %swap3A_323 = tpu.vector_load %arg15[%swap3A_321, %swap3A_322] {strides = array<i32>} : memref<40x128xf32, #tpu.memory_space<vmem>>, vector<1x16xf32>,
        %swap3A_324 = vector.shape_cast %swap3A_323 : vector<1x16xf32> to vector<16xf32>
        %swap3A_325 = vector.shape_cast %max3A_320 : vector<16xf32> to vector<1x16xf32>
        tpu.vector_store %arg15[%swap3A_321, %swap3A_322], %swap3A_325 {strides = array<i32>} : memref<40x128xf32, #tpu.memory_space<vmem>>, vector<1x16xf32>,
        %get3A_326 = arith.index_cast %scan3A_243 : i32 to index
        %get3A_327 = arith.constant 64 : index
        %get3A_328 = tpu.vector_load %arg15[%get3A_326, %get3A_327] {strides = array<i32>} : memref<40x128xf32, #tpu.memory_space<vmem>>, vector<1x16xf32>,
        %get3A_329 = vector.shape_cast %get3A_328 : vector<1x16xf32> to vector<16xf32>
        %get3A_330 = arith.index_cast %scan3A_243 : i32 to index
        %get3A_331 = arith.constant 64 : index
        %get3A_332 = tpu.vector_load %arg16[%get3A_330, %get3A_331] {strides = array<i32>} : memref<40x128xf32, #tpu.memory_space<vmem>>, vector<1x16xf32>,
        %get3A_333 = vector.shape_cast %get3A_332 : vector<1x16xf32> to vector<16xf32>
        %add3A_334 = arith.addf %get3A_329, %get3A_333 : vector<16xf32>
        %get3A_335 = arith.index_cast %scan3A_243 : i32 to index
        %get3A_336 = arith.constant 64 : index
        %get3A_337 = tpu.vector_load %arg17[%get3A_335, %get3A_336] {strides = array<i32>} : memref<40x128xf32, #tpu.memory_space<vmem>>, vector<1x16xf32>,
        %get3A_338 = vector.shape_cast %get3A_337 : vector<1x16xf32> to vector<16xf32>
        %add3A_339 = arith.addf %add3A_334, %get3A_338 : vector<16xf32>
        %mul3A_340 = arith.mulf %add3A_339, %get3A_29 : vector<16xf32>
        %max3A_341 = arith.maximumf %add3A_339, %mul3A_340 : vector<16xf32>
        %swap3A_342 = arith.index_cast %scan3A_243 : i32 to index
        %swap3A_343 = arith.constant 64 : index
        %swap3A_344 = tpu.vector_load %arg15[%swap3A_342, %swap3A_343] {strides = array<i32>} : memref<40x128xf32, #tpu.memory_space<vmem>>, vector<1x16xf32>,
        %swap3A_345 = vector.shape_cast %swap3A_344 : vector<1x16xf32> to vector<16xf32>
        %swap3A_346 = vector.shape_cast %max3A_341 : vector<16xf32> to vector<1x16xf32>
        tpu.vector_store %arg15[%swap3A_342, %swap3A_343], %swap3A_346 {strides = array<i32>} : memref<40x128xf32, #tpu.memory_space<vmem>>, vector<1x16xf32>,
        %get3A_347 = arith.index_cast %scan3A_243 : i32 to index
        %get3A_348 = arith.constant 80 : index
        %get3A_349 = tpu.vector_load %arg15[%get3A_347, %get3A_348] {strides = array<i32>} : memref<40x128xf32, #tpu.memory_space<vmem>>, vector<1x16xf32>,
        %get3A_350 = vector.shape_cast %get3A_349 : vector<1x16xf32> to vector<16xf32>
        %get3A_351 = arith.index_cast %scan3A_243 : i32 to index
        %get3A_352 = arith.constant 80 : index
        %get3A_353 = tpu.vector_load %arg16[%get3A_351, %get3A_352] {strides = array<i32>} : memref<40x128xf32, #tpu.memory_space<vmem>>, vector<1x16xf32>,
        %get3A_354 = vector.shape_cast %get3A_353 : vector<1x16xf32> to vector<16xf32>
        %add3A_355 = arith.addf %get3A_350, %get3A_354 : vector<16xf32>
        %get3A_356 = arith.index_cast %scan3A_243 : i32 to index
        %get3A_357 = arith.constant 80 : index
        %get3A_358 = tpu.vector_load %arg17[%get3A_356, %get3A_357] {strides = array<i32>} : memref<40x128xf32, #tpu.memory_space<vmem>>, vector<1x16xf32>,
        %get3A_359 = vector.shape_cast %get3A_358 : vector<1x16xf32> to vector<16xf32>
        %add3A_360 = arith.addf %add3A_355, %get3A_359 : vector<16xf32>
        %mul3A_361 = arith.mulf %add3A_360, %get3A_29 : vector<16xf32>
        %max3A_362 = arith.maximumf %add3A_360, %mul3A_361 : vector<16xf32>
        %swap3A_363 = arith.index_cast %scan3A_243 : i32 to index
        %swap3A_364 = arith.constant 80 : index
        %swap3A_365 = tpu.vector_load %arg15[%swap3A_363, %swap3A_364] {strides = array<i32>} : memref<40x128xf32, #tpu.memory_space<vmem>>, vector<1x16xf32>,
        %swap3A_366 = vector.shape_cast %swap3A_365 : vector<1x16xf32> to vector<16xf32>
        %swap3A_367 = vector.shape_cast %max3A_362 : vector<16xf32> to vector<1x16xf32>
        tpu.vector_store %arg15[%swap3A_363, %swap3A_364], %swap3A_367 {strides = array<i32>} : memref<40x128xf32, #tpu.memory_space<vmem>>, vector<1x16xf32>,
        %get3A_368 = arith.index_cast %scan3A_243 : i32 to index
        %get3A_369 = arith.constant 96 : index
        %get3A_370 = tpu.vector_load %arg15[%get3A_368, %get3A_369] {strides = array<i32>} : memref<40x128xf32, #tpu.memory_space<vmem>>, vector<1x16xf32>,
        %get3A_371 = vector.shape_cast %get3A_370 : vector<1x16xf32> to vector<16xf32>
        %get3A_372 = arith.index_cast %scan3A_243 : i32 to index
        %get3A_373 = arith.constant 96 : index
        %get3A_374 = tpu.vector_load %arg16[%get3A_372, %get3A_373] {strides = array<i32>} : memref<40x128xf32, #tpu.memory_space<vmem>>, vector<1x16xf32>,
        %get3A_375 = vector.shape_cast %get3A_374 : vector<1x16xf32> to vector<16xf32>
        %add3A_376 = arith.addf %get3A_371, %get3A_375 : vector<16xf32>
        %get3A_377 = arith.index_cast %scan3A_243 : i32 to index
        %get3A_378 = arith.constant 96 : index
        %get3A_379 = tpu.vector_load %arg17[%get3A_377, %get3A_378] {strides = array<i32>} : memref<40x128xf32, #tpu.memory_space<vmem>>, vector<1x16xf32>,
        %get3A_380 = vector.shape_cast %get3A_379 : vector<1x16xf32> to vector<16xf32>
        %add3A_381 = arith.addf %add3A_376, %get3A_380 : vector<16xf32>
        %mul3A_382 = arith.mulf %add3A_381, %get3A_29 : vector<16xf32>
        %max3A_383 = arith.maximumf %add3A_381, %mul3A_382 : vector<16xf32>
        %swap3A_384 = arith.index_cast %scan3A_243 : i32 to index
        %swap3A_385 = arith.constant 96 : index
        %swap3A_386 = tpu.vector_load %arg15[%swap3A_384, %swap3A_385] {strides = array<i32>} : memref<40x128xf32, #tpu.memory_space<vmem>>, vector<1x16xf32>,
        %swap3A_387 = vector.shape_cast %swap3A_386 : vector<1x16xf32> to vector<16xf32>
        %swap3A_388 = vector.shape_cast %max3A_383 : vector<16xf32> to vector<1x16xf32>
        tpu.vector_store %arg15[%swap3A_384, %swap3A_385], %swap3A_388 {strides = array<i32>} : memref<40x128xf32, #tpu.memory_space<vmem>>, vector<1x16xf32>,
        %get3A_389 = arith.index_cast %scan3A_243 : i32 to index
        %get3A_390 = arith.constant 112 : index
        %get3A_391 = tpu.vector_load %arg15[%get3A_389, %get3A_390] {strides = array<i32>} : memref<40x128xf32, #tpu.memory_space<vmem>>, vector<1x16xf32>,
        %get3A_392 = vector.shape_cast %get3A_391 : vector<1x16xf32> to vector<16xf32>
        %get3A_393 = arith.index_cast %scan3A_243 : i32 to index
        %get3A_394 = arith.constant 112 : index
        %get3A_395 = tpu.vector_load %arg16[%get3A_393, %get3A_394] {strides = array<i32>} : memref<40x128xf32, #tpu.memory_space<vmem>>, vector<1x16xf32>,
        %get3A_396 = vector.shape_cast %get3A_395 : vector<1x16xf32> to vector<16xf32>
        %add3A_397 = arith.addf %get3A_392, %get3A_396 : vector<16xf32>
        %get3A_398 = arith.index_cast %scan3A_243 : i32 to index
        %get3A_399 = arith.constant 112 : index
        %get3A_400 = tpu.vector_load %arg17[%get3A_398, %get3A_399] {strides = array<i32>} : memref<40x128xf32, #tpu.memory_space<vmem>>, vector<1x16xf32>,
        %get3A_401 = vector.shape_cast %get3A_400 : vector<1x16xf32> to vector<16xf32>
        %add3A_402 = arith.addf %add3A_397, %get3A_401 : vector<16xf32>
        %mul3A_403 = arith.mulf %add3A_402, %get3A_29 : vector<16xf32>
        %max3A_404 = arith.maximumf %add3A_402, %mul3A_403 : vector<16xf32>
        %swap3A_405 = arith.index_cast %scan3A_243 : i32 to index
        %swap3A_406 = arith.constant 112 : index
        %swap3A_407 = tpu.vector_load %arg15[%swap3A_405, %swap3A_406] {strides = array<i32>} : memref<40x128xf32, #tpu.memory_space<vmem>>, vector<1x16xf32>,
        %swap3A_408 = vector.shape_cast %swap3A_407 : vector<1x16xf32> to vector<16xf32>
        %swap3A_409 = vector.shape_cast %max3A_404 : vector<16xf32> to vector<1x16xf32>
        tpu.vector_store %arg15[%swap3A_405, %swap3A_406], %swap3A_409 {strides = array<i32>} : memref<40x128xf32, #tpu.memory_space<vmem>>, vector<1x16xf32>,
      }
      %scan3A_192 = arith.constant 40 : i32
      %dma_start3A_193 = tpu.memref_slice %arg13[%mul3A_162] : memref<5040xi32, #tpu.memory_space<vmem>> -> memref<40xi32, #tpu.memory_space<vmem>>
      %dma_start3A_194 = arith.constant 0 : i32
      %dma_start3A_195 = arith.constant 0 : i32
      %dma_start3A_196 = tpu.memref_slice %arg23[%dma_start3A_194, %dma_start3A_195] : memref<10000x128xf32, #tpu.memory_space<vmem_shared>> -> memref<10000x128xf32, #tpu.memory_space<vmem_shared>>
      tpu.enqueue_indirect_dma source(%arg15 : memref<40x128xf32, #tpu.memory_space<vmem>>) target(%dma_start3A_196 : memref<10000x128xf32, #tpu.memory_space<vmem_shared>>) offsets(%dma_start3A_193 : memref<40xi32, #tpu.memory_space<vmem>>) semaphore(%arg27 : memref<!tpu.dma_semaphore, #tpu.memory_space<semaphore_mem>>) {add = true}
      %dma_start3A_197 = tpu.memref_slice %arg13[%mul3A_162] : memref<5040xi32, #tpu.memory_space<vmem>> -> memref<40xi32, #tpu.memory_space<vmem>>
      %dma_start3A_198 = arith.constant 0 : i32
      %dma_start3A_199 = tpu.memref_slice %arg24[%dma_start3A_198] : memref<10240xf32, #tpu.memory_space<vmem_shared>> -> memref<10240xf32, #tpu.memory_space<vmem_shared>>
      tpu.enqueue_indirect_dma source(%arg21 : memref<40xf32, #tpu.memory_space<vmem>>) target(%dma_start3A_199 : memref<10240xf32, #tpu.memory_space<vmem_shared>>) offsets(%dma_start3A_197 : memref<40xi32, #tpu.memory_space<vmem>>) semaphore(%arg27 : memref<!tpu.dma_semaphore, #tpu.memory_space<semaphore_mem>>) {add = true}
      %add3A_200 = arith.constant 1 : i32
      %add3A_201 = arith.addi %add3A_157, %add3A_200 : i32
      %sub3A_202 = arith.constant 126 : i32
      %sub3A_203 = arith.subi %add3A_201, %sub3A_202 : i32
      %mul3A_204 = arith.constant 40 : i32
      %mul3A_205 = arith.muli %sub3A_203, %mul3A_204 : i32
      %add3A_206 = arith.constant 1 : i32
      %add3A_207 = arith.addi %add3A_201, %add3A_206 : i32
      %lt3A_208 = arith.constant 250 : i32
      %lt3A_209 = arith.cmpi slt, %add3A_207, %lt3A_208 : i32
      %convert_element_type3A_210 = arith.extui %lt3A_209 : i1 to i32
      %cond3A_211 = arith.constant 0 : i32
      %cond3A_212 = arith.cmpi ne, %convert_element_type3A_210, %cond3A_211 : i32
      scf.if %cond3A_212 {
        %ge3A = arith.constant 127 : i32
        %ge3A_243 = arith.cmpi sge, %add3A_201, %ge3A : i32
        %convert_element_type3A_244 = arith.extui %ge3A_243 : i1 to i32
        %cond3A_245 = arith.constant 0 : i32
        %cond3A_246 = arith.cmpi ne, %convert_element_type3A_244, %cond3A_245 : i32
        scf.if %cond3A_246 {
          %sub3A_270 = arith.constant 1 : i32
          %sub3A_271 = arith.subi %add3A_201, %sub3A_270 : i32
          %sub3A_272 = arith.constant 126 : i32
          %sub3A_273 = arith.subi %sub3A_271, %sub3A_272 : i32
          %mul3A_274 = arith.constant 40 : i32
          %mul3A_275 = arith.muli %sub3A_273, %mul3A_274 : i32
          %dma_wait3A_276 = tpu.memref_slice %arg13[%mul3A_275] : memref<5040xi32, #tpu.memory_space<vmem>> -> memref<40xi32, #tpu.memory_space<vmem>>
          %dma_wait3A_277 = arith.constant 0 : i32
          %dma_wait3A_278 = arith.constant 0 : i32
          %dma_wait3A_279 = tpu.memref_slice %arg23[%dma_wait3A_277, %dma_wait3A_278] : memref<10000x128xf32, #tpu.memory_space<vmem_shared>> -> memref<10000x128xf32, #tpu.memory_space<vmem_shared>>
          tpu.wait_indirect_dma semaphore(%arg27 : memref<!tpu.dma_semaphore, #tpu.memory_space<semaphore_mem>>) src(%arg15 : memref<40x128xf32, #tpu.memory_space<vmem>>) dst(%dma_wait3A_279 : memref<10000x128xf32, #tpu.memory_space<vmem_shared>>)
          %dma_wait3A_280 = tpu.memref_slice %arg13[%mul3A_275] : memref<5040xi32, #tpu.memory_space<vmem>> -> memref<40xi32, #tpu.memory_space<vmem>>
          %dma_wait3A_281 = arith.constant 0 : i32
          %dma_wait3A_282 = tpu.memref_slice %arg24[%dma_wait3A_281] : memref<10240xf32, #tpu.memory_space<vmem_shared>> -> memref<10240xf32, #tpu.memory_space<vmem_shared>>
          tpu.wait_indirect_dma semaphore(%arg27 : memref<!tpu.dma_semaphore, #tpu.memory_space<semaphore_mem>>) src(%arg21 : memref<40xf32, #tpu.memory_space<vmem>>) dst(%dma_wait3A_282 : memref<10240xf32, #tpu.memory_space<vmem_shared>>)
        } else {
        }
        %add3A_247 = arith.constant 1 : i32
        %add3A_248 = arith.addi %add3A_201, %add3A_247 : i32
        %sub3A_249 = arith.constant 126 : i32
        %sub3A_250 = arith.subi %add3A_248, %sub3A_249 : i32
        %mul3A_251 = arith.constant 40 : i32
        %mul3A_252 = arith.muli %sub3A_250, %mul3A_251 : i32
        %dma_start3A_253 = tpu.memref_slice %arg13[%mul3A_252] : memref<5040xi32, #tpu.memory_space<vmem>> -> memref<40xi32, #tpu.memory_space<vmem>>
        %dma_start3A_254 = arith.constant 0 : i32
        %dma_start3A_255 = arith.constant 0 : i32
        %dma_start3A_256 = tpu.memref_slice %arg4[%dma_start3A_254, %dma_start3A_255] : memref<10000x128xf32, #tpu.memory_space<hbm>> -> memref<10000x128xf32, #tpu.memory_space<hbm>>
        tpu.enqueue_indirect_dma source(%dma_start3A_256 : memref<10000x128xf32, #tpu.memory_space<hbm>>) target(%arg15 : memref<40x128xf32, #tpu.memory_space<vmem>>) offsets(%dma_start3A_253 : memref<40xi32, #tpu.memory_space<vmem>>) semaphore(%arg25 : memref<!tpu.dma_semaphore, #tpu.memory_space<semaphore_mem>>)
        %dma_start3A_257 = tpu.memref_slice %arg14[%mul3A_252] : memref<5040xi32, #tpu.memory_space<vmem>> -> memref<40xi32, #tpu.memory_space<vmem>>
        %dma_start3A_258 = arith.constant 0 : i32
        %dma_start3A_259 = arith.constant 0 : i32
        %dma_start3A_260 = tpu.memref_slice %arg5[%dma_start3A_258, %dma_start3A_259] : memref<10000x128xf32, #tpu.memory_space<hbm>> -> memref<10000x128xf32, #tpu.memory_space<hbm>>
        tpu.enqueue_indirect_dma source(%dma_start3A_260 : memref<10000x128xf32, #tpu.memory_space<hbm>>) target(%arg16 : memref<40x128xf32, #tpu.memory_space<vmem>>) offsets(%dma_start3A_257 : memref<40xi32, #tpu.memory_space<vmem>>) semaphore(%arg25 : memref<!tpu.dma_semaphore, #tpu.memory_space<semaphore_mem>>)
        %mul3A_261 = arith.constant 10000 : i32
        %mul3A_262 = arith.muli %add3A, %mul3A_261 : i32
        %mul3A_263 = arith.constant 40 : i32
        %mul3A_264 = arith.muli %add3A_248, %mul3A_263 : i32
        %add3A_265 = arith.addi %mul3A_262, %mul3A_264 : i32
        %dma_start3A_266 = arith.constant 0 : i32
        %dma_start3A_267 = tpu.memref_slice %arg6[%add3A_265, %dma_start3A_266] : memref<320000x128xf32, #tpu.memory_space<hbm>> -> memref<40x128xf32, #tpu.memory_space<hbm>>
        %dma_start3A_268 = arith.constant 0 : i32
        %dma_start3A_269 = tpu.memref_slice %arg6[%add3A_265, %dma_start3A_268] : memref<320000x128xf32, #tpu.memory_space<hbm>> -> memref<40x128xf32, #tpu.memory_space<hbm>>
        tpu.enqueue_dma source(%dma_start3A_269 : memref<40x128xf32, #tpu.memory_space<hbm>>) target(%arg17 : memref<40x128xf32, #tpu.memory_space<vmem>>) target_semaphore(%arg25 : memref<!tpu.dma_semaphore, #tpu.memory_space<semaphore_mem>>)
      } else {
      }
      %mul3A_213 = arith.constant 10000 : i32
      %mul3A_214 = arith.muli %add3A, %mul3A_213 : i32
      %mul3A_215 = arith.constant 40 : i32
      %mul3A_216 = arith.muli %add3A_201, %mul3A_215 : i32
      %add3A_217 = arith.addi %mul3A_214, %mul3A_216 : i32
      %dma_wait3A_218 = tpu.memref_slice %arg13[%mul3A_205] : memref<5040xi32, #tpu.memory_space<vmem>> -> memref<40xi32, #tpu.memory_space<vmem>>
      %dma_wait3A_219 = arith.constant 0 : i32
      %dma_wait3A_220 = arith.constant 0 : i32
      %dma_wait3A_221 = tpu.memref_slice %arg4[%dma_wait3A_219, %dma_wait3A_220] : memref<10000x128xf32, #tpu.memory_space<hbm>> -> memref<10000x128xf32, #tpu.memory_space<hbm>>
      tpu.wait_indirect_dma semaphore(%arg26 : memref<!tpu.dma_semaphore, #tpu.memory_space<semaphore_mem>>) src(%dma_wait3A_221 : memref<10000x128xf32, #tpu.memory_space<hbm>>) dst(%arg18 : memref<40x128xf32, #tpu.memory_space<vmem>>)
      %dma_wait3A_222 = tpu.memref_slice %arg14[%mul3A_205] : memref<5040xi32, #tpu.memory_space<vmem>> -> memref<40xi32, #tpu.memory_space<vmem>>
      %dma_wait3A_223 = arith.constant 0 : i32
      %dma_wait3A_224 = arith.constant 0 : i32
      %dma_wait3A_225 = tpu.memref_slice %arg5[%dma_wait3A_223, %dma_wait3A_224] : memref<10000x128xf32, #tpu.memory_space<hbm>> -> memref<10000x128xf32, #tpu.memory_space<hbm>>
      tpu.wait_indirect_dma semaphore(%arg26 : memref<!tpu.dma_semaphore, #tpu.memory_space<semaphore_mem>>) src(%dma_wait3A_225 : memref<10000x128xf32, #tpu.memory_space<hbm>>) dst(%arg19 : memref<40x128xf32, #tpu.memory_space<vmem>>)
      %dma_wait3A_226 = arith.constant 0 : i32
      %dma_wait3A_227 = tpu.memref_slice %arg6[%add3A_217, %dma_wait3A_226] : memref<320000x128xf32, #tpu.memory_space<hbm>> -> memref<40x128xf32, #tpu.memory_space<hbm>>
      %dma_wait3A_228 = arith.constant 0 : i32
      %dma_wait3A_229 = tpu.memref_slice %arg6[%add3A_217, %dma_wait3A_228] : memref<320000x128xf32, #tpu.memory_space<hbm>> -> memref<40x128xf32, #tpu.memory_space<hbm>>
      tpu.wait_dma2 semaphore(%arg26 : memref<!tpu.dma_semaphore, #tpu.memory_space<semaphore_mem>>) src(%dma_wait3A_229 : memref<40x128xf32, #tpu.memory_space<hbm>>) dst(%arg20 : memref<40x128xf32, #tpu.memory_space<vmem>>)
      %scan3A_230 = arith.constant 0 : i32
      %scan3A_231 = arith.constant 0 : i32
      %scan3A_232 = arith.constant 40 : i32
      %scan3A_233 = arith.addi %scan3A_231, %scan3A_232 : i32
      %scan3A_234 = arith.constant 1 : i32
      scf.for %scan3A_243 = %scan3A_231 to %scan3A_233 step %scan3A_234  : i32 {
        %get3A_244 = arith.index_cast %scan3A_243 : i32 to index
        %get3A_245 = arith.constant 0 : index
        %get3A_246 = tpu.vector_load %arg18[%get3A_244, %get3A_245] {strides = array<i32>} : memref<40x128xf32, #tpu.memory_space<vmem>>, vector<1x16xf32>,
        %get3A_247 = vector.shape_cast %get3A_246 : vector<1x16xf32> to vector<16xf32>
        %get3A_248 = arith.index_cast %scan3A_243 : i32 to index
        %get3A_249 = arith.constant 0 : index
        %get3A_250 = tpu.vector_load %arg19[%get3A_248, %get3A_249] {strides = array<i32>} : memref<40x128xf32, #tpu.memory_space<vmem>>, vector<1x16xf32>,
        %get3A_251 = vector.shape_cast %get3A_250 : vector<1x16xf32> to vector<16xf32>
        %add3A_252 = arith.addf %get3A_247, %get3A_251 : vector<16xf32>
        %get3A_253 = arith.index_cast %scan3A_243 : i32 to index
        %get3A_254 = arith.constant 0 : index
        %get3A_255 = tpu.vector_load %arg20[%get3A_253, %get3A_254] {strides = array<i32>} : memref<40x128xf32, #tpu.memory_space<vmem>>, vector<1x16xf32>,
        %get3A_256 = vector.shape_cast %get3A_255 : vector<1x16xf32> to vector<16xf32>
        %add3A_257 = arith.addf %add3A_252, %get3A_256 : vector<16xf32>
        %mul3A_258 = arith.mulf %add3A_257, %get3A_29 : vector<16xf32>
        %max3A = arith.maximumf %add3A_257, %mul3A_258 : vector<16xf32>
        %swap3A = arith.index_cast %scan3A_243 : i32 to index
        %swap3A_259 = arith.constant 0 : index
        %swap3A_260 = tpu.vector_load %arg18[%swap3A, %swap3A_259] {strides = array<i32>} : memref<40x128xf32, #tpu.memory_space<vmem>>, vector<1x16xf32>,
        %swap3A_261 = vector.shape_cast %swap3A_260 : vector<1x16xf32> to vector<16xf32>
        %swap3A_262 = vector.shape_cast %max3A : vector<16xf32> to vector<1x16xf32>
        tpu.vector_store %arg18[%swap3A, %swap3A_259], %swap3A_262 {strides = array<i32>} : memref<40x128xf32, #tpu.memory_space<vmem>>, vector<1x16xf32>,
        %get3A_263 = arith.index_cast %scan3A_243 : i32 to index
        %get3A_264 = arith.constant 16 : index
        %get3A_265 = tpu.vector_load %arg18[%get3A_263, %get3A_264] {strides = array<i32>} : memref<40x128xf32, #tpu.memory_space<vmem>>, vector<1x16xf32>,
        %get3A_266 = vector.shape_cast %get3A_265 : vector<1x16xf32> to vector<16xf32>
        %get3A_267 = arith.index_cast %scan3A_243 : i32 to index
        %get3A_268 = arith.constant 16 : index
        %get3A_269 = tpu.vector_load %arg19[%get3A_267, %get3A_268] {strides = array<i32>} : memref<40x128xf32, #tpu.memory_space<vmem>>, vector<1x16xf32>,
        %get3A_270 = vector.shape_cast %get3A_269 : vector<1x16xf32> to vector<16xf32>
        %add3A_271 = arith.addf %get3A_266, %get3A_270 : vector<16xf32>
        %get3A_272 = arith.index_cast %scan3A_243 : i32 to index
        %get3A_273 = arith.constant 16 : index
        %get3A_274 = tpu.vector_load %arg20[%get3A_272, %get3A_273] {strides = array<i32>} : memref<40x128xf32, #tpu.memory_space<vmem>>, vector<1x16xf32>,
        %get3A_275 = vector.shape_cast %get3A_274 : vector<1x16xf32> to vector<16xf32>
        %add3A_276 = arith.addf %add3A_271, %get3A_275 : vector<16xf32>
        %mul3A_277 = arith.mulf %add3A_276, %get3A_29 : vector<16xf32>
        %max3A_278 = arith.maximumf %add3A_276, %mul3A_277 : vector<16xf32>
        %swap3A_279 = arith.index_cast %scan3A_243 : i32 to index
        %swap3A_280 = arith.constant 16 : index
        %swap3A_281 = tpu.vector_load %arg18[%swap3A_279, %swap3A_280] {strides = array<i32>} : memref<40x128xf32, #tpu.memory_space<vmem>>, vector<1x16xf32>,
        %swap3A_282 = vector.shape_cast %swap3A_281 : vector<1x16xf32> to vector<16xf32>
        %swap3A_283 = vector.shape_cast %max3A_278 : vector<16xf32> to vector<1x16xf32>
        tpu.vector_store %arg18[%swap3A_279, %swap3A_280], %swap3A_283 {strides = array<i32>} : memref<40x128xf32, #tpu.memory_space<vmem>>, vector<1x16xf32>,
        %get3A_284 = arith.index_cast %scan3A_243 : i32 to index
        %get3A_285 = arith.constant 32 : index
        %get3A_286 = tpu.vector_load %arg18[%get3A_284, %get3A_285] {strides = array<i32>} : memref<40x128xf32, #tpu.memory_space<vmem>>, vector<1x16xf32>,
        %get3A_287 = vector.shape_cast %get3A_286 : vector<1x16xf32> to vector<16xf32>
        %get3A_288 = arith.index_cast %scan3A_243 : i32 to index
        %get3A_289 = arith.constant 32 : index
        %get3A_290 = tpu.vector_load %arg19[%get3A_288, %get3A_289] {strides = array<i32>} : memref<40x128xf32, #tpu.memory_space<vmem>>, vector<1x16xf32>,
        %get3A_291 = vector.shape_cast %get3A_290 : vector<1x16xf32> to vector<16xf32>
        %add3A_292 = arith.addf %get3A_287, %get3A_291 : vector<16xf32>
        %get3A_293 = arith.index_cast %scan3A_243 : i32 to index
        %get3A_294 = arith.constant 32 : index
        %get3A_295 = tpu.vector_load %arg20[%get3A_293, %get3A_294] {strides = array<i32>} : memref<40x128xf32, #tpu.memory_space<vmem>>, vector<1x16xf32>,
        %get3A_296 = vector.shape_cast %get3A_295 : vector<1x16xf32> to vector<16xf32>
        %add3A_297 = arith.addf %add3A_292, %get3A_296 : vector<16xf32>
        %mul3A_298 = arith.mulf %add3A_297, %get3A_29 : vector<16xf32>
        %max3A_299 = arith.maximumf %add3A_297, %mul3A_298 : vector<16xf32>
        %swap3A_300 = arith.index_cast %scan3A_243 : i32 to index
        %swap3A_301 = arith.constant 32 : index
        %swap3A_302 = tpu.vector_load %arg18[%swap3A_300, %swap3A_301] {strides = array<i32>} : memref<40x128xf32, #tpu.memory_space<vmem>>, vector<1x16xf32>,
        %swap3A_303 = vector.shape_cast %swap3A_302 : vector<1x16xf32> to vector<16xf32>
        %swap3A_304 = vector.shape_cast %max3A_299 : vector<16xf32> to vector<1x16xf32>
        tpu.vector_store %arg18[%swap3A_300, %swap3A_301], %swap3A_304 {strides = array<i32>} : memref<40x128xf32, #tpu.memory_space<vmem>>, vector<1x16xf32>,
        %get3A_305 = arith.index_cast %scan3A_243 : i32 to index
        %get3A_306 = arith.constant 48 : index
        %get3A_307 = tpu.vector_load %arg18[%get3A_305, %get3A_306] {strides = array<i32>} : memref<40x128xf32, #tpu.memory_space<vmem>>, vector<1x16xf32>,
        %get3A_308 = vector.shape_cast %get3A_307 : vector<1x16xf32> to vector<16xf32>
        %get3A_309 = arith.index_cast %scan3A_243 : i32 to index
        %get3A_310 = arith.constant 48 : index
        %get3A_311 = tpu.vector_load %arg19[%get3A_309, %get3A_310] {strides = array<i32>} : memref<40x128xf32, #tpu.memory_space<vmem>>, vector<1x16xf32>,
        %get3A_312 = vector.shape_cast %get3A_311 : vector<1x16xf32> to vector<16xf32>
        %add3A_313 = arith.addf %get3A_308, %get3A_312 : vector<16xf32>
        %get3A_314 = arith.index_cast %scan3A_243 : i32 to index
        %get3A_315 = arith.constant 48 : index
        %get3A_316 = tpu.vector_load %arg20[%get3A_314, %get3A_315] {strides = array<i32>} : memref<40x128xf32, #tpu.memory_space<vmem>>, vector<1x16xf32>,
        %get3A_317 = vector.shape_cast %get3A_316 : vector<1x16xf32> to vector<16xf32>
        %add3A_318 = arith.addf %add3A_313, %get3A_317 : vector<16xf32>
        %mul3A_319 = arith.mulf %add3A_318, %get3A_29 : vector<16xf32>
        %max3A_320 = arith.maximumf %add3A_318, %mul3A_319 : vector<16xf32>
        %swap3A_321 = arith.index_cast %scan3A_243 : i32 to index
        %swap3A_322 = arith.constant 48 : index
        %swap3A_323 = tpu.vector_load %arg18[%swap3A_321, %swap3A_322] {strides = array<i32>} : memref<40x128xf32, #tpu.memory_space<vmem>>, vector<1x16xf32>,
        %swap3A_324 = vector.shape_cast %swap3A_323 : vector<1x16xf32> to vector<16xf32>
        %swap3A_325 = vector.shape_cast %max3A_320 : vector<16xf32> to vector<1x16xf32>
        tpu.vector_store %arg18[%swap3A_321, %swap3A_322], %swap3A_325 {strides = array<i32>} : memref<40x128xf32, #tpu.memory_space<vmem>>, vector<1x16xf32>,
        %get3A_326 = arith.index_cast %scan3A_243 : i32 to index
        %get3A_327 = arith.constant 64 : index
        %get3A_328 = tpu.vector_load %arg18[%get3A_326, %get3A_327] {strides = array<i32>} : memref<40x128xf32, #tpu.memory_space<vmem>>, vector<1x16xf32>,
        %get3A_329 = vector.shape_cast %get3A_328 : vector<1x16xf32> to vector<16xf32>
        %get3A_330 = arith.index_cast %scan3A_243 : i32 to index
        %get3A_331 = arith.constant 64 : index
        %get3A_332 = tpu.vector_load %arg19[%get3A_330, %get3A_331] {strides = array<i32>} : memref<40x128xf32, #tpu.memory_space<vmem>>, vector<1x16xf32>,
        %get3A_333 = vector.shape_cast %get3A_332 : vector<1x16xf32> to vector<16xf32>
        %add3A_334 = arith.addf %get3A_329, %get3A_333 : vector<16xf32>
        %get3A_335 = arith.index_cast %scan3A_243 : i32 to index
        %get3A_336 = arith.constant 64 : index
        %get3A_337 = tpu.vector_load %arg20[%get3A_335, %get3A_336] {strides = array<i32>} : memref<40x128xf32, #tpu.memory_space<vmem>>, vector<1x16xf32>,
        %get3A_338 = vector.shape_cast %get3A_337 : vector<1x16xf32> to vector<16xf32>
        %add3A_339 = arith.addf %add3A_334, %get3A_338 : vector<16xf32>
        %mul3A_340 = arith.mulf %add3A_339, %get3A_29 : vector<16xf32>
        %max3A_341 = arith.maximumf %add3A_339, %mul3A_340 : vector<16xf32>
        %swap3A_342 = arith.index_cast %scan3A_243 : i32 to index
        %swap3A_343 = arith.constant 64 : index
        %swap3A_344 = tpu.vector_load %arg18[%swap3A_342, %swap3A_343] {strides = array<i32>} : memref<40x128xf32, #tpu.memory_space<vmem>>, vector<1x16xf32>,
        %swap3A_345 = vector.shape_cast %swap3A_344 : vector<1x16xf32> to vector<16xf32>
        %swap3A_346 = vector.shape_cast %max3A_341 : vector<16xf32> to vector<1x16xf32>
        tpu.vector_store %arg18[%swap3A_342, %swap3A_343], %swap3A_346 {strides = array<i32>} : memref<40x128xf32, #tpu.memory_space<vmem>>, vector<1x16xf32>,
        %get3A_347 = arith.index_cast %scan3A_243 : i32 to index
        %get3A_348 = arith.constant 80 : index
        %get3A_349 = tpu.vector_load %arg18[%get3A_347, %get3A_348] {strides = array<i32>} : memref<40x128xf32, #tpu.memory_space<vmem>>, vector<1x16xf32>,
        %get3A_350 = vector.shape_cast %get3A_349 : vector<1x16xf32> to vector<16xf32>
        %get3A_351 = arith.index_cast %scan3A_243 : i32 to index
        %get3A_352 = arith.constant 80 : index
        %get3A_353 = tpu.vector_load %arg19[%get3A_351, %get3A_352] {strides = array<i32>} : memref<40x128xf32, #tpu.memory_space<vmem>>, vector<1x16xf32>,
        %get3A_354 = vector.shape_cast %get3A_353 : vector<1x16xf32> to vector<16xf32>
        %add3A_355 = arith.addf %get3A_350, %get3A_354 : vector<16xf32>
        %get3A_356 = arith.index_cast %scan3A_243 : i32 to index
        %get3A_357 = arith.constant 80 : index
        %get3A_358 = tpu.vector_load %arg20[%get3A_356, %get3A_357] {strides = array<i32>} : memref<40x128xf32, #tpu.memory_space<vmem>>, vector<1x16xf32>,
        %get3A_359 = vector.shape_cast %get3A_358 : vector<1x16xf32> to vector<16xf32>
        %add3A_360 = arith.addf %add3A_355, %get3A_359 : vector<16xf32>
        %mul3A_361 = arith.mulf %add3A_360, %get3A_29 : vector<16xf32>
        %max3A_362 = arith.maximumf %add3A_360, %mul3A_361 : vector<16xf32>
        %swap3A_363 = arith.index_cast %scan3A_243 : i32 to index
        %swap3A_364 = arith.constant 80 : index
        %swap3A_365 = tpu.vector_load %arg18[%swap3A_363, %swap3A_364] {strides = array<i32>} : memref<40x128xf32, #tpu.memory_space<vmem>>, vector<1x16xf32>,
        %swap3A_366 = vector.shape_cast %swap3A_365 : vector<1x16xf32> to vector<16xf32>
        %swap3A_367 = vector.shape_cast %max3A_362 : vector<16xf32> to vector<1x16xf32>
        tpu.vector_store %arg18[%swap3A_363, %swap3A_364], %swap3A_367 {strides = array<i32>} : memref<40x128xf32, #tpu.memory_space<vmem>>, vector<1x16xf32>,
        %get3A_368 = arith.index_cast %scan3A_243 : i32 to index
        %get3A_369 = arith.constant 96 : index
        %get3A_370 = tpu.vector_load %arg18[%get3A_368, %get3A_369] {strides = array<i32>} : memref<40x128xf32, #tpu.memory_space<vmem>>, vector<1x16xf32>,
        %get3A_371 = vector.shape_cast %get3A_370 : vector<1x16xf32> to vector<16xf32>
        %get3A_372 = arith.index_cast %scan3A_243 : i32 to index
        %get3A_373 = arith.constant 96 : index
        %get3A_374 = tpu.vector_load %arg19[%get3A_372, %get3A_373] {strides = array<i32>} : memref<40x128xf32, #tpu.memory_space<vmem>>, vector<1x16xf32>,
        %get3A_375 = vector.shape_cast %get3A_374 : vector<1x16xf32> to vector<16xf32>
        %add3A_376 = arith.addf %get3A_371, %get3A_375 : vector<16xf32>
        %get3A_377 = arith.index_cast %scan3A_243 : i32 to index
        %get3A_378 = arith.constant 96 : index
        %get3A_379 = tpu.vector_load %arg20[%get3A_377, %get3A_378] {strides = array<i32>} : memref<40x128xf32, #tpu.memory_space<vmem>>, vector<1x16xf32>,
        %get3A_380 = vector.shape_cast %get3A_379 : vector<1x16xf32> to vector<16xf32>
        %add3A_381 = arith.addf %add3A_376, %get3A_380 : vector<16xf32>
        %mul3A_382 = arith.mulf %add3A_381, %get3A_29 : vector<16xf32>
        %max3A_383 = arith.maximumf %add3A_381, %mul3A_382 : vector<16xf32>
        %swap3A_384 = arith.index_cast %scan3A_243 : i32 to index
        %swap3A_385 = arith.constant 96 : index
        %swap3A_386 = tpu.vector_load %arg18[%swap3A_384, %swap3A_385] {strides = array<i32>} : memref<40x128xf32, #tpu.memory_space<vmem>>, vector<1x16xf32>,
        %swap3A_387 = vector.shape_cast %swap3A_386 : vector<1x16xf32> to vector<16xf32>
        %swap3A_388 = vector.shape_cast %max3A_383 : vector<16xf32> to vector<1x16xf32>
        tpu.vector_store %arg18[%swap3A_384, %swap3A_385], %swap3A_388 {strides = array<i32>} : memref<40x128xf32, #tpu.memory_space<vmem>>, vector<1x16xf32>,
        %get3A_389 = arith.index_cast %scan3A_243 : i32 to index
        %get3A_390 = arith.constant 112 : index
        %get3A_391 = tpu.vector_load %arg18[%get3A_389, %get3A_390] {strides = array<i32>} : memref<40x128xf32, #tpu.memory_space<vmem>>, vector<1x16xf32>,
        %get3A_392 = vector.shape_cast %get3A_391 : vector<1x16xf32> to vector<16xf32>
        %get3A_393 = arith.index_cast %scan3A_243 : i32 to index
        %get3A_394 = arith.constant 112 : index
        %get3A_395 = tpu.vector_load %arg19[%get3A_393, %get3A_394] {strides = array<i32>} : memref<40x128xf32, #tpu.memory_space<vmem>>, vector<1x16xf32>,
        %get3A_396 = vector.shape_cast %get3A_395 : vector<1x16xf32> to vector<16xf32>
        %add3A_397 = arith.addf %get3A_392, %get3A_396 : vector<16xf32>
        %get3A_398 = arith.index_cast %scan3A_243 : i32 to index
        %get3A_399 = arith.constant 112 : index
        %get3A_400 = tpu.vector_load %arg20[%get3A_398, %get3A_399] {strides = array<i32>} : memref<40x128xf32, #tpu.memory_space<vmem>>, vector<1x16xf32>,
        %get3A_401 = vector.shape_cast %get3A_400 : vector<1x16xf32> to vector<16xf32>
        %add3A_402 = arith.addf %add3A_397, %get3A_401 : vector<16xf32>
        %mul3A_403 = arith.mulf %add3A_402, %get3A_29 : vector<16xf32>
        %max3A_404 = arith.maximumf %add3A_402, %mul3A_403 : vector<16xf32>
        %swap3A_405 = arith.index_cast %scan3A_243 : i32 to index
        %swap3A_406 = arith.constant 112 : index
        %swap3A_407 = tpu.vector_load %arg18[%swap3A_405, %swap3A_406] {strides = array<i32>} : memref<40x128xf32, #tpu.memory_space<vmem>>, vector<1x16xf32>,
        %swap3A_408 = vector.shape_cast %swap3A_407 : vector<1x16xf32> to vector<16xf32>
        %swap3A_409 = vector.shape_cast %max3A_404 : vector<16xf32> to vector<1x16xf32>
        tpu.vector_store %arg18[%swap3A_405, %swap3A_406], %swap3A_409 {strides = array<i32>} : memref<40x128xf32, #tpu.memory_space<vmem>>, vector<1x16xf32>,
      }
      %scan3A_235 = arith.constant 40 : i32
      %dma_start3A_236 = tpu.memref_slice %arg13[%mul3A_205] : memref<5040xi32, #tpu.memory_space<vmem>> -> memref<40xi32, #tpu.memory_space<vmem>>
      %dma_start3A_237 = arith.constant 0 : i32
      %dma_start3A_238 = arith.constant 0 : i32
      %dma_start3A_239 = tpu.memref_slice %arg23[%dma_start3A_237, %dma_start3A_238] : memref<10000x128xf32, #tpu.memory_space<vmem_shared>> -> memref<10000x128xf32, #tpu.memory_space<vmem_shared>>
      tpu.enqueue_indirect_dma source(%arg18 : memref<40x128xf32, #tpu.memory_space<vmem>>) target(%dma_start3A_239 : memref<10000x128xf32, #tpu.memory_space<vmem_shared>>) offsets(%dma_start3A_236 : memref<40xi32, #tpu.memory_space<vmem>>) semaphore(%arg28 : memref<!tpu.dma_semaphore, #tpu.memory_space<semaphore_mem>>) {add = true}
      %dma_start3A_240 = tpu.memref_slice %arg13[%mul3A_205] : memref<5040xi32, #tpu.memory_space<vmem>> -> memref<40xi32, #tpu.memory_space<vmem>>
      %dma_start3A_241 = arith.constant 0 : i32
      %dma_start3A_242 = tpu.memref_slice %arg24[%dma_start3A_241] : memref<10240xf32, #tpu.memory_space<vmem_shared>> -> memref<10240xf32, #tpu.memory_space<vmem_shared>>
      tpu.enqueue_indirect_dma source(%arg21 : memref<40xf32, #tpu.memory_space<vmem>>) target(%dma_start3A_242 : memref<10240xf32, #tpu.memory_space<vmem_shared>>) offsets(%dma_start3A_240 : memref<40xi32, #tpu.memory_space<vmem>>) semaphore(%arg28 : memref<!tpu.dma_semaphore, #tpu.memory_space<semaphore_mem>>) {add = true}
    }
    %scan3A_98 = arith.constant 62 : i32
    %dma_wait3A_99 = arith.constant 4880 : i32
    %dma_wait3A_100 = tpu.memref_slice %arg13[%dma_wait3A_99] : memref<5040xi32, #tpu.memory_space<vmem>> -> memref<40xi32, #tpu.memory_space<vmem>>
    %dma_wait3A_101 = arith.constant 0 : i32
    %dma_wait3A_102 = arith.constant 0 : i32
    %dma_wait3A_103 = tpu.memref_slice %arg23[%dma_wait3A_101, %dma_wait3A_102] : memref<10000x128xf32, #tpu.memory_space<vmem_shared>> -> memref<10000x128xf32, #tpu.memory_space<vmem_shared>>
    tpu.wait_indirect_dma semaphore(%arg27 : memref<!tpu.dma_semaphore, #tpu.memory_space<semaphore_mem>>) src(%arg15 : memref<40x128xf32, #tpu.memory_space<vmem>>) dst(%dma_wait3A_103 : memref<10000x128xf32, #tpu.memory_space<vmem_shared>>)
    %dma_wait3A_104 = arith.constant 4880 : i32
    %dma_wait3A_105 = tpu.memref_slice %arg13[%dma_wait3A_104] : memref<5040xi32, #tpu.memory_space<vmem>> -> memref<40xi32, #tpu.memory_space<vmem>>
    %dma_wait3A_106 = arith.constant 0 : i32
    %dma_wait3A_107 = tpu.memref_slice %arg24[%dma_wait3A_106] : memref<10240xf32, #tpu.memory_space<vmem_shared>> -> memref<10240xf32, #tpu.memory_space<vmem_shared>>
    tpu.wait_indirect_dma semaphore(%arg27 : memref<!tpu.dma_semaphore, #tpu.memory_space<semaphore_mem>>) src(%arg21 : memref<40xf32, #tpu.memory_space<vmem>>) dst(%dma_wait3A_107 : memref<10240xf32, #tpu.memory_space<vmem_shared>>)
    %dma_wait3A_108 = arith.constant 4920 : i32
    %dma_wait3A_109 = tpu.memref_slice %arg13[%dma_wait3A_108] : memref<5040xi32, #tpu.memory_space<vmem>> -> memref<40xi32, #tpu.memory_space<vmem>>
    %dma_wait3A_110 = arith.constant 0 : i32
    %dma_wait3A_111 = arith.constant 0 : i32
    %dma_wait3A_112 = tpu.memref_slice %arg23[%dma_wait3A_110, %dma_wait3A_111] : memref<10000x128xf32, #tpu.memory_space<vmem_shared>> -> memref<10000x128xf32, #tpu.memory_space<vmem_shared>>
    tpu.wait_indirect_dma semaphore(%arg28 : memref<!tpu.dma_semaphore, #tpu.memory_space<semaphore_mem>>) src(%arg18 : memref<40x128xf32, #tpu.memory_space<vmem>>) dst(%dma_wait3A_112 : memref<10000x128xf32, #tpu.memory_space<vmem_shared>>)
    %dma_wait3A_113 = arith.constant 4920 : i32
    %dma_wait3A_114 = tpu.memref_slice %arg13[%dma_wait3A_113] : memref<5040xi32, #tpu.memory_space<vmem>> -> memref<40xi32, #tpu.memory_space<vmem>>
    %dma_wait3A_115 = arith.constant 0 : i32
    %dma_wait3A_116 = tpu.memref_slice %arg24[%dma_wait3A_115] : memref<10240xf32, #tpu.memory_space<vmem_shared>> -> memref<10240xf32, #tpu.memory_space<vmem_shared>>
    tpu.wait_indirect_dma semaphore(%arg28 : memref<!tpu.dma_semaphore, #tpu.memory_space<semaphore_mem>>) src(%arg21 : memref<40xf32, #tpu.memory_space<vmem>>) dst(%dma_wait3A_116 : memref<10240xf32, #tpu.memory_space<vmem_shared>>)
    %barrier3A_117 = arith.constant 0 : index
    tpu.barrier barrier_id(%barrier3A_117)
    %add3A_118 = arith.constant 0 : i32
    %add3A_119 = arith.addi %arg1, %add3A_118 : i32
    %lt3A_120 = arith.constant 50 : i32
    %lt3A_121 = arith.cmpi slt, %add3A_119, %lt3A_120 : i32
    %convert_element_type3A_122 = arith.extui %lt3A_121 : i1 to i32
    %cond3A_123 = arith.constant 0 : i32
    %cond3A_124 = arith.cmpi ne, %convert_element_type3A_122, %cond3A_123 : i32
    scf.if %cond3A_124 {
      %mul3A_153 = arith.constant 200 : i32
      %mul3A_154 = arith.muli %add3A_119, %mul3A_153 : i32
      "tpu.region"() ({
        %run_scoped3A = tpu.sem_alloc : memref<!tpu.dma_semaphore, #tpu.memory_space<semaphore_mem>>
        %dma_start3A_155 = arith.constant 0 : i32
        %dma_start3A_156 = tpu.memref_slice %arg11[%arg0, %mul3A_154, %dma_start3A_155] : memref<2x10000x128xf32, #tpu.memory_space<hbm>> -> memref<1x200x128xf32, #tpu.memory_space<hbm>>
        %dma_start3A_157 = tpu.memref_squeeze %dma_start3A_156 : memref<1x200x128xf32, #tpu.memory_space<hbm>> -> memref<200x128xf32, #tpu.memory_space<hbm>>
        %dma_start3A_158 = arith.constant 0 : i32
        %dma_start3A_159 = tpu.memref_slice %arg23[%mul3A_154, %dma_start3A_158] : memref<10000x128xf32, #tpu.memory_space<vmem_shared>> -> memref<200x128xf32, #tpu.memory_space<vmem_shared>>
        tpu.enqueue_dma source(%dma_start3A_159 : memref<200x128xf32, #tpu.memory_space<vmem_shared>>) target(%dma_start3A_157 : memref<200x128xf32, #tpu.memory_space<hbm>>) target_semaphore(%run_scoped3A : memref<!tpu.dma_semaphore, #tpu.memory_space<semaphore_mem>>)
        %dma_wait3A_160 = arith.constant 0 : i32
        %dma_wait3A_161 = tpu.memref_slice %arg11[%arg0, %mul3A_154, %dma_wait3A_160] : memref<2x10000x128xf32, #tpu.memory_space<hbm>> -> memref<1x200x128xf32, #tpu.memory_space<hbm>>
        %dma_wait3A_162 = tpu.memref_squeeze %dma_wait3A_161 : memref<1x200x128xf32, #tpu.memory_space<hbm>> -> memref<200x128xf32, #tpu.memory_space<hbm>>
        %dma_wait3A_163 = arith.constant 0 : i32
        %dma_wait3A_164 = tpu.memref_slice %arg23[%mul3A_154, %dma_wait3A_163] : memref<10000x128xf32, #tpu.memory_space<vmem_shared>> -> memref<200x128xf32, #tpu.memory_space<vmem_shared>>
        tpu.wait_dma2 semaphore(%run_scoped3A : memref<!tpu.dma_semaphore, #tpu.memory_space<semaphore_mem>>) src(%dma_wait3A_164 : memref<200x128xf32, #tpu.memory_space<vmem_shared>>) dst(%dma_wait3A_162 : memref<200x128xf32, #tpu.memory_space<hbm>>)
        tpu.yield
      }) : () -> ()
    } else {
    }
    %add3A_125 = arith.constant 16 : i32
    %add3A_126 = arith.addi %arg1, %add3A_125 : i32
    %lt3A_127 = arith.constant 50 : i32
    %lt3A_128 = arith.cmpi slt, %add3A_126, %lt3A_127 : i32
    %convert_element_type3A_129 = arith.extui %lt3A_128 : i1 to i32
    %cond3A_130 = arith.constant 0 : i32
    %cond3A_131 = arith.cmpi ne, %convert_element_type3A_129, %cond3A_130 : i32
    scf.if %cond3A_131 {
      %mul3A_153 = arith.constant 200 : i32
      %mul3A_154 = arith.muli %add3A_126, %mul3A_153 : i32
      "tpu.region"() ({
        %run_scoped3A = tpu.sem_alloc : memref<!tpu.dma_semaphore, #tpu.memory_space<semaphore_mem>>
        %dma_start3A_155 = arith.constant 0 : i32
        %dma_start3A_156 = tpu.memref_slice %arg11[%arg0, %mul3A_154, %dma_start3A_155] : memref<2x10000x128xf32, #tpu.memory_space<hbm>> -> memref<1x200x128xf32, #tpu.memory_space<hbm>>
        %dma_start3A_157 = tpu.memref_squeeze %dma_start3A_156 : memref<1x200x128xf32, #tpu.memory_space<hbm>> -> memref<200x128xf32, #tpu.memory_space<hbm>>
        %dma_start3A_158 = arith.constant 0 : i32
        %dma_start3A_159 = tpu.memref_slice %arg23[%mul3A_154, %dma_start3A_158] : memref<10000x128xf32, #tpu.memory_space<vmem_shared>> -> memref<200x128xf32, #tpu.memory_space<vmem_shared>>
        tpu.enqueue_dma source(%dma_start3A_159 : memref<200x128xf32, #tpu.memory_space<vmem_shared>>) target(%dma_start3A_157 : memref<200x128xf32, #tpu.memory_space<hbm>>) target_semaphore(%run_scoped3A : memref<!tpu.dma_semaphore, #tpu.memory_space<semaphore_mem>>)
        %dma_wait3A_160 = arith.constant 0 : i32
        %dma_wait3A_161 = tpu.memref_slice %arg11[%arg0, %mul3A_154, %dma_wait3A_160] : memref<2x10000x128xf32, #tpu.memory_space<hbm>> -> memref<1x200x128xf32, #tpu.memory_space<hbm>>
        %dma_wait3A_162 = tpu.memref_squeeze %dma_wait3A_161 : memref<1x200x128xf32, #tpu.memory_space<hbm>> -> memref<200x128xf32, #tpu.memory_space<hbm>>
        %dma_wait3A_163 = arith.constant 0 : i32
        %dma_wait3A_164 = tpu.memref_slice %arg23[%mul3A_154, %dma_wait3A_163] : memref<10000x128xf32, #tpu.memory_space<vmem_shared>> -> memref<200x128xf32, #tpu.memory_space<vmem_shared>>
        tpu.wait_dma2 semaphore(%run_scoped3A : memref<!tpu.dma_semaphore, #tpu.memory_space<semaphore_mem>>) src(%dma_wait3A_164 : memref<200x128xf32, #tpu.memory_space<vmem_shared>>) dst(%dma_wait3A_162 : memref<200x128xf32, #tpu.memory_space<hbm>>)
        tpu.yield
      }) : () -> ()
    } else {
    }
    %add3A_132 = arith.constant 32 : i32
    %add3A_133 = arith.addi %arg1, %add3A_132 : i32
    %lt3A_134 = arith.constant 50 : i32
    %lt3A_135 = arith.cmpi slt, %add3A_133, %lt3A_134 : i32
    %convert_element_type3A_136 = arith.extui %lt3A_135 : i1 to i32
    %cond3A_137 = arith.constant 0 : i32
    %cond3A_138 = arith.cmpi ne, %convert_element_type3A_136, %cond3A_137 : i32
    scf.if %cond3A_138 {
      %mul3A_153 = arith.constant 200 : i32
      %mul3A_154 = arith.muli %add3A_133, %mul3A_153 : i32
      "tpu.region"() ({
        %run_scoped3A = tpu.sem_alloc : memref<!tpu.dma_semaphore, #tpu.memory_space<semaphore_mem>>
        %dma_start3A_155 = arith.constant 0 : i32
        %dma_start3A_156 = tpu.memref_slice %arg11[%arg0, %mul3A_154, %dma_start3A_155] : memref<2x10000x128xf32, #tpu.memory_space<hbm>> -> memref<1x200x128xf32, #tpu.memory_space<hbm>>
        %dma_start3A_157 = tpu.memref_squeeze %dma_start3A_156 : memref<1x200x128xf32, #tpu.memory_space<hbm>> -> memref<200x128xf32, #tpu.memory_space<hbm>>
        %dma_start3A_158 = arith.constant 0 : i32
        %dma_start3A_159 = tpu.memref_slice %arg23[%mul3A_154, %dma_start3A_158] : memref<10000x128xf32, #tpu.memory_space<vmem_shared>> -> memref<200x128xf32, #tpu.memory_space<vmem_shared>>
        tpu.enqueue_dma source(%dma_start3A_159 : memref<200x128xf32, #tpu.memory_space<vmem_shared>>) target(%dma_start3A_157 : memref<200x128xf32, #tpu.memory_space<hbm>>) target_semaphore(%run_scoped3A : memref<!tpu.dma_semaphore, #tpu.memory_space<semaphore_mem>>)
        %dma_wait3A_160 = arith.constant 0 : i32
        %dma_wait3A_161 = tpu.memref_slice %arg11[%arg0, %mul3A_154, %dma_wait3A_160] : memref<2x10000x128xf32, #tpu.memory_space<hbm>> -> memref<1x200x128xf32, #tpu.memory_space<hbm>>
        %dma_wait3A_162 = tpu.memref_squeeze %dma_wait3A_161 : memref<1x200x128xf32, #tpu.memory_space<hbm>> -> memref<200x128xf32, #tpu.memory_space<hbm>>
        %dma_wait3A_163 = arith.constant 0 : i32
        %dma_wait3A_164 = tpu.memref_slice %arg23[%mul3A_154, %dma_wait3A_163] : memref<10000x128xf32, #tpu.memory_space<vmem_shared>> -> memref<200x128xf32, #tpu.memory_space<vmem_shared>>
        tpu.wait_dma2 semaphore(%run_scoped3A : memref<!tpu.dma_semaphore, #tpu.memory_space<semaphore_mem>>) src(%dma_wait3A_164 : memref<200x128xf32, #tpu.memory_space<vmem_shared>>) dst(%dma_wait3A_162 : memref<200x128xf32, #tpu.memory_space<hbm>>)
        tpu.yield
      }) : () -> ()
    } else {
    }
    %add3A_139 = arith.constant 48 : i32
    %add3A_140 = arith.addi %arg1, %add3A_139 : i32
    %lt3A_141 = arith.constant 50 : i32
    %lt3A_142 = arith.cmpi slt, %add3A_140, %lt3A_141 : i32
    %convert_element_type3A_143 = arith.extui %lt3A_142 : i1 to i32
    %cond3A_144 = arith.constant 0 : i32
    %cond3A_145 = arith.cmpi ne, %convert_element_type3A_143, %cond3A_144 : i32
    scf.if %cond3A_145 {
      %mul3A_153 = arith.constant 200 : i32
      %mul3A_154 = arith.muli %add3A_140, %mul3A_153 : i32
      "tpu.region"() ({
        %run_scoped3A = tpu.sem_alloc : memref<!tpu.dma_semaphore, #tpu.memory_space<semaphore_mem>>
        %dma_start3A_155 = arith.constant 0 : i32
        %dma_start3A_156 = tpu.memref_slice %arg11[%arg0, %mul3A_154, %dma_start3A_155] : memref<2x10000x128xf32, #tpu.memory_space<hbm>> -> memref<1x200x128xf32, #tpu.memory_space<hbm>>
        %dma_start3A_157 = tpu.memref_squeeze %dma_start3A_156 : memref<1x200x128xf32, #tpu.memory_space<hbm>> -> memref<200x128xf32, #tpu.memory_space<hbm>>
        %dma_start3A_158 = arith.constant 0 : i32
        %dma_start3A_159 = tpu.memref_slice %arg23[%mul3A_154, %dma_start3A_158] : memref<10000x128xf32, #tpu.memory_space<vmem_shared>> -> memref<200x128xf32, #tpu.memory_space<vmem_shared>>
        tpu.enqueue_dma source(%dma_start3A_159 : memref<200x128xf32, #tpu.memory_space<vmem_shared>>) target(%dma_start3A_157 : memref<200x128xf32, #tpu.memory_space<hbm>>) target_semaphore(%run_scoped3A : memref<!tpu.dma_semaphore, #tpu.memory_space<semaphore_mem>>)
        %dma_wait3A_160 = arith.constant 0 : i32
        %dma_wait3A_161 = tpu.memref_slice %arg11[%arg0, %mul3A_154, %dma_wait3A_160] : memref<2x10000x128xf32, #tpu.memory_space<hbm>> -> memref<1x200x128xf32, #tpu.memory_space<hbm>>
        %dma_wait3A_162 = tpu.memref_squeeze %dma_wait3A_161 : memref<1x200x128xf32, #tpu.memory_space<hbm>> -> memref<200x128xf32, #tpu.memory_space<hbm>>
        %dma_wait3A_163 = arith.constant 0 : i32
        %dma_wait3A_164 = tpu.memref_slice %arg23[%mul3A_154, %dma_wait3A_163] : memref<10000x128xf32, #tpu.memory_space<vmem_shared>> -> memref<200x128xf32, #tpu.memory_space<vmem_shared>>
        tpu.wait_dma2 semaphore(%run_scoped3A : memref<!tpu.dma_semaphore, #tpu.memory_space<semaphore_mem>>) src(%dma_wait3A_164 : memref<200x128xf32, #tpu.memory_space<vmem_shared>>) dst(%dma_wait3A_162 : memref<200x128xf32, #tpu.memory_space<hbm>>)
        tpu.yield
      }) : () -> ()
    } else {
    }
    %mul3A_146 = arith.constant 640 : i32
    %mul3A_147 = arith.muli %arg1, %mul3A_146 : i32
    %mul3A_148 = arith.constant 10240 : i32
    %mul3A_149 = arith.muli %arg0, %mul3A_148 : i32
    %mul3A_150 = arith.constant 640 : i32
    %mul3A_151 = arith.muli %arg1, %mul3A_150 : i32
    %add3A_152 = arith.addi %mul3A_149, %mul3A_151 : i32
    "tpu.region"() ({
      %run_scoped3A = tpu.sem_alloc : memref<!tpu.dma_semaphore, #tpu.memory_space<semaphore_mem>>
      %dma_start3A_153 = tpu.memref_slice %arg12[%add3A_152] : memref<20480xf32, #tpu.memory_space<hbm>> -> memref<640xf32, #tpu.memory_space<hbm>>
      %dma_start3A_154 = tpu.memref_slice %arg24[%mul3A_147] : memref<10240xf32, #tpu.memory_space<vmem_shared>> -> memref<640xf32, #tpu.memory_space<vmem_shared>>
      tpu.enqueue_dma source(%dma_start3A_154 : memref<640xf32, #tpu.memory_space<vmem_shared>>) target(%dma_start3A_153 : memref<640xf32, #tpu.memory_space<hbm>>) target_semaphore(%run_scoped3A : memref<!tpu.dma_semaphore, #tpu.memory_space<semaphore_mem>>)
      %dma_wait3A_155 = tpu.memref_slice %arg12[%add3A_152] : memref<20480xf32, #tpu.memory_space<hbm>> -> memref<640xf32, #tpu.memory_space<hbm>>
      %dma_wait3A_156 = tpu.memref_slice %arg24[%mul3A_147] : memref<10240xf32, #tpu.memory_space<vmem_shared>> -> memref<640xf32, #tpu.memory_space<vmem_shared>>
      tpu.wait_dma2 semaphore(%run_scoped3A : memref<!tpu.dma_semaphore, #tpu.memory_space<semaphore_mem>>) src(%dma_wait3A_156 : memref<640xf32, #tpu.memory_space<vmem_shared>>) dst(%dma_wait3A_155 : memref<640xf32, #tpu.memory_space<hbm>>)
      tpu.yield
    }) : () -> ()
    return
  }
}

module attributes {stable_mosaic.version = 14 : i64} {
  func.func @_ab_body(%arg0: memref<10000x128xf32, #tpu.memory_space<vmem>>, %arg1: memref<256x128xf32, #tpu.memory_space<vmem>>, %arg2: memref<1x128xf32, #tpu.memory_space<vmem>>, %arg3: memref<10000x128xf32, #tpu.memory_space<vmem>>, %arg4: memref<10000x128xf32, #tpu.memory_space<vmem>>) attributes {dimension_semantics = [], scalar_prefetch = 0 : i64, scratch_operands = 0 : i64, tpu.core_type = #tpu.core_type<tc>} {
    %get3A = arith.constant 0 : index
    %get3A_0 = arith.constant 0 : index
    %get3A_1 = vector.load %arg0[%get3A, %get3A_0] : memref<10000x128xf32, #tpu.memory_space<vmem>>, vector<10000x128xf32>
    %get3A_2 = arith.constant 0 : index
    %get3A_3 = arith.constant 0 : index
    %get3A_4 = vector.load %arg1[%get3A_2, %get3A_3] : memref<256x128xf32, #tpu.memory_space<vmem>>, vector<256x128xf32>
    %slice3A = vector.extract_strided_slice %get3A_4 {offsets = [0, 0], sizes = [128, 128], strides = [1, 1]} : vector<256x128xf32> to vector<128x128xf32>
    %dot_general3A = arith.constant dense<0.000000e+00> : vector<10000x128xf32>
    %dot_general3A_5 = tpu.matmul %get3A_1, %slice3A, %dot_general3A {dimension_numbers = #tpu.dot_dimension_numbers<[1], [0], [0], [1], [0, 0, 1, 1], [], []>, transpose_lhs_hint = false} : vector<10000x128xf32>, vector<128x128xf32>, vector<10000x128xf32> -> vector<10000x128xf32>
    %get3A_6 = arith.constant 0 : index
    %get3A_7 = arith.constant 0 : index
    %get3A_8 = vector.load %arg2[%get3A_6, %get3A_7] : memref<1x128xf32, #tpu.memory_space<vmem>>, vector<1x128xf32>
    %add3A = vector.broadcast %get3A_8 : vector<1x128xf32> to vector<10000x128xf32>
    %add3A_9 = arith.addf %dot_general3A_5, %add3A : vector<10000x128xf32>
    %swap3A = arith.constant 0 : index
    %swap3A_10 = arith.constant 0 : index
    %swap3A_11 = vector.load %arg3[%swap3A, %swap3A_10] : memref<10000x128xf32, #tpu.memory_space<vmem>>, vector<10000x128xf32>
    tpu.vector_store %arg3[%swap3A, %swap3A_10], %add3A_9 {strides = array<i32>} : memref<10000x128xf32, #tpu.memory_space<vmem>>, vector<10000x128xf32>,
    %slice3A_12 = vector.extract_strided_slice %get3A_4 {offsets = [128, 0], sizes = [128, 128], strides = [1, 1]} : vector<256x128xf32> to vector<128x128xf32>
    %dot_general3A_13 = arith.constant dense<0.000000e+00> : vector<10000x128xf32>
    %dot_general3A_14 = tpu.matmul %get3A_1, %slice3A_12, %dot_general3A_13 {dimension_numbers = #tpu.dot_dimension_numbers<[1], [0], [0], [1], [0, 0, 1, 1], [], []>, transpose_lhs_hint = false} : vector<10000x128xf32>, vector<128x128xf32>, vector<10000x128xf32> -> vector<10000x128xf32>
    %swap3A_15 = arith.constant 0 : index
    %swap3A_16 = arith.constant 0 : index
    %swap3A_17 = vector.load %arg4[%swap3A_15, %swap3A_16] : memref<10000x128xf32, #tpu.memory_space<vmem>>, vector<10000x128xf32>
    tpu.vector_store %arg4[%swap3A_15, %swap3A_16], %dot_general3A_14 {strides = array<i32>} : memref<10000x128xf32, #tpu.memory_space<vmem>>, vector<10000x128xf32>,
    return
  }
}

module attributes {stable_mosaic.version = 14 : i64} {
  func.func @_head_body(%arg0: memref<2x10000x128xf32, #tpu.memory_space<vmem>>, %arg1: memref<2x10000x1xf32, #tpu.memory_space<vmem>>, %arg2: memref<10000x128xf32, #tpu.memory_space<vmem>>, %arg3: memref<1x128xf32, #tpu.memory_space<vmem>>, %arg4: memref<1x128xf32, #tpu.memory_space<vmem>>, %arg5: memref<128x64xf32, #tpu.memory_space<vmem>>, %arg6: memref<1x64xf32, #tpu.memory_space<vmem>>, %arg7: memref<1x1xf32, #tpu.memory_space<smem>>, %arg8: memref<64x200xf32, #tpu.memory_space<vmem>>, %arg9: memref<1x200xf32, #tpu.memory_space<vmem>>, %arg10: memref<1x1xf32, #tpu.memory_space<smem>>, %arg11: memref<200x128xf32, #tpu.memory_space<vmem>>, %arg12: memref<1x128xf32, #tpu.memory_space<vmem>>, %arg13: memref<128x200xf32, #tpu.memory_space<vmem>>, %arg14: memref<1x200xf32, #tpu.memory_space<vmem>>, %arg15: memref<10000x200xf32, #tpu.memory_space<vmem>>) attributes {dimension_semantics = [], scalar_prefetch = 0 : i64, scratch_operands = 0 : i64, tpu.core_type = #tpu.core_type<tc>} {
    %get3A = arith.constant 0 : index
    %get3A_0 = arith.constant 0 : index
    %get3A_1 = arith.constant 0 : index
    %get3A_2 = vector.load %arg0[%get3A, %get3A_0, %get3A_1] : memref<2x10000x128xf32, #tpu.memory_space<vmem>>, vector<1x10000x128xf32>
    %get3A_3 = vector.shape_cast %get3A_2 : vector<1x10000x128xf32> to vector<10000x128xf32>
    %get3A_4 = arith.constant 1 : index
    %get3A_5 = arith.constant 0 : index
    %get3A_6 = arith.constant 0 : index
    %get3A_7 = vector.load %arg0[%get3A_4, %get3A_5, %get3A_6] : memref<2x10000x128xf32, #tpu.memory_space<vmem>>, vector<1x10000x128xf32>
    %get3A_8 = vector.shape_cast %get3A_7 : vector<1x10000x128xf32> to vector<10000x128xf32>
    %add3A = arith.addf %get3A_3, %get3A_8 : vector<10000x128xf32>
    %get3A_9 = arith.constant 0 : index
    %get3A_10 = arith.constant 0 : index
    %get3A_11 = arith.constant 0 : index
    %get3A_12 = vector.load %arg1[%get3A_9, %get3A_10, %get3A_11] : memref<2x10000x1xf32, #tpu.memory_space<vmem>>, vector<1x10000x1xf32>
    %get3A_13 = vector.shape_cast %get3A_12 : vector<1x10000x1xf32> to vector<10000x1xf32>
    %get3A_14 = arith.constant 1 : index
    %get3A_15 = arith.constant 0 : index
    %get3A_16 = arith.constant 0 : index
    %get3A_17 = vector.load %arg1[%get3A_14, %get3A_15, %get3A_16] : memref<2x10000x1xf32, #tpu.memory_space<vmem>>, vector<1x10000x1xf32>
    %get3A_18 = vector.shape_cast %get3A_17 : vector<1x10000x1xf32> to vector<10000x1xf32>
    %add3A_19 = arith.addf %get3A_13, %get3A_18 : vector<10000x1xf32>
    %max3A = arith.constant 1.000000e+00 : f32
    %max3A_20 = vector.broadcast %max3A : f32 to vector<10000x1xf32>
    %max3A_21 = arith.maximumf %add3A_19, %max3A_20 : vector<10000x1xf32>
    %div3A = vector.broadcast %max3A_21 : vector<10000x1xf32> to vector<10000x128xf32>
    %div3A_22 = arith.divf %add3A, %div3A : vector<10000x128xf32>
    %get3A_23 = arith.constant 0 : index
    %get3A_24 = arith.constant 0 : index
    %get3A_25 = vector.load %arg2[%get3A_23, %get3A_24] : memref<10000x128xf32, #tpu.memory_space<vmem>>, vector<10000x128xf32>
    %add3A_26 = arith.addf %div3A_22, %get3A_25 : vector<10000x128xf32>
    %reduce_sum3A = arith.constant dense<0.000000e+00> : vector<128xf32>
    %reduce_sum3A_27 = vector.multi_reduction <add>, %add3A_26, %reduce_sum3A [0] : vector<10000x128xf32> to vector<128xf32>
    %broadcast_in_dim3A = vector.shape_cast %reduce_sum3A_27 : vector<128xf32> to vector<1x128xf32>
    %div3A_28 = arith.constant 1.000000e+04 : f32
    %div3A_29 = vector.broadcast %div3A_28 : f32 to vector<1x128xf32>
    %div3A_30 = arith.divf %broadcast_in_dim3A, %div3A_29 : vector<1x128xf32>
    %sub3A = vector.broadcast %div3A_30 : vector<1x128xf32> to vector<10000x128xf32>
    %sub3A_31 = arith.subf %add3A_26, %sub3A : vector<10000x128xf32>
    %mul3A = arith.mulf %sub3A_31, %sub3A_31 : vector<10000x128xf32>
    %reduce_sum3A_32 = arith.constant dense<0.000000e+00> : vector<128xf32>
    %reduce_sum3A_33 = vector.multi_reduction <add>, %mul3A, %reduce_sum3A_32 [0] : vector<10000x128xf32> to vector<128xf32>
    %broadcast_in_dim3A_34 = vector.shape_cast %reduce_sum3A_33 : vector<128xf32> to vector<1x128xf32>
    %div3A_35 = arith.constant 1.000000e+04 : f32
    %div3A_36 = vector.broadcast %div3A_35 : f32 to vector<1x128xf32>
    %div3A_37 = arith.divf %broadcast_in_dim3A_34, %div3A_36 : vector<1x128xf32>
    %get3A_38 = arith.constant 0 : index
    %get3A_39 = arith.constant 0 : index
    %get3A_40 = vector.load %arg3[%get3A_38, %get3A_39] : memref<1x128xf32, #tpu.memory_space<vmem>>, vector<1x128xf32>
    %add3A_41 = arith.constant 9.99999974E-6 : f32
    %add3A_42 = vector.broadcast %add3A_41 : f32 to vector<1x128xf32>
    %add3A_43 = arith.addf %div3A_37, %add3A_42 : vector<1x128xf32>
    %sqrt3A = math.sqrt %add3A_43 : vector<1x128xf32>
    %div3A_44 = arith.divf %get3A_40, %sqrt3A : vector<1x128xf32>
    %mul3A_45 = vector.broadcast %div3A_44 : vector<1x128xf32> to vector<10000x128xf32>
    %mul3A_46 = arith.mulf %sub3A_31, %mul3A_45 : vector<10000x128xf32>
    %get3A_47 = arith.constant 0 : index
    %get3A_48 = arith.constant 0 : index
    %get3A_49 = vector.load %arg4[%get3A_47, %get3A_48] : memref<1x128xf32, #tpu.memory_space<vmem>>, vector<1x128xf32>
    %add3A_50 = vector.broadcast %get3A_49 : vector<1x128xf32> to vector<10000x128xf32>
    %add3A_51 = arith.addf %mul3A_46, %add3A_50 : vector<10000x128xf32>
    %get3A_52 = arith.constant 0 : index
    %get3A_53 = arith.constant 0 : index
    %get3A_54 = vector.load %arg5[%get3A_52, %get3A_53] : memref<128x64xf32, #tpu.memory_space<vmem>>, vector<128x64xf32>
    %dot_general3A = arith.constant dense<0.000000e+00> : vector<10000x64xf32>
    %dot_general3A_55 = tpu.matmul %add3A_51, %get3A_54, %dot_general3A {dimension_numbers = #tpu.dot_dimension_numbers<[1], [0], [0], [1], [0, 0, 1, 1], [], []>, transpose_lhs_hint = false} : vector<10000x128xf32>, vector<128x64xf32>, vector<10000x64xf32> -> vector<10000x64xf32>
    %get3A_56 = arith.constant 0 : index
    %get3A_57 = arith.constant 0 : index
    %get3A_58 = vector.load %arg6[%get3A_56, %get3A_57] : memref<1x64xf32, #tpu.memory_space<vmem>>, vector<1x64xf32>
    %add3A_59 = vector.broadcast %get3A_58 : vector<1x64xf32> to vector<10000x64xf32>
    %add3A_60 = arith.addf %dot_general3A_55, %add3A_59 : vector<10000x64xf32>
    %get3A_61 = arith.constant 0 : index
    %get3A_62 = arith.constant 0 : index
    %get3A_63 = memref.load %arg7[%get3A_61, %get3A_62] : memref<1x1xf32, #tpu.memory_space<smem>>
    %max3A_64 = arith.constant 0.000000e+00 : f32
    %max3A_65 = vector.broadcast %max3A_64 : f32 to vector<10000x64xf32>
    %max3A_66 = arith.maximumf %add3A_60, %max3A_65 : vector<10000x64xf32>
    %min3A = arith.constant 0.000000e+00 : f32
    %min3A_67 = vector.broadcast %min3A : f32 to vector<10000x64xf32>
    %min3A_68 = arith.minimumf %add3A_60, %min3A_67 : vector<10000x64xf32>
    %mul3A_69 = vector.broadcast %get3A_63 : f32 to vector<10000x64xf32>
    %mul3A_70 = arith.mulf %mul3A_69, %min3A_68 : vector<10000x64xf32>
    %add3A_71 = arith.addf %max3A_66, %mul3A_70 : vector<10000x64xf32>
    %get3A_72 = arith.constant 0 : index
    %get3A_73 = arith.constant 0 : index
    %get3A_74 = vector.load %arg8[%get3A_72, %get3A_73] : memref<64x200xf32, #tpu.memory_space<vmem>>, vector<64x200xf32>
    %dot_general3A_75 = arith.constant dense<0.000000e+00> : vector<10000x200xf32>
    %dot_general3A_76 = tpu.matmul %add3A_71, %get3A_74, %dot_general3A_75 {dimension_numbers = #tpu.dot_dimension_numbers<[1], [0], [0], [1], [0, 0, 1, 1], [], []>, transpose_lhs_hint = false} : vector<10000x64xf32>, vector<64x200xf32>, vector<10000x200xf32> -> vector<10000x200xf32>
    %get3A_77 = arith.constant 0 : index
    %get3A_78 = arith.constant 0 : index
    %get3A_79 = vector.load %arg9[%get3A_77, %get3A_78] : memref<1x200xf32, #tpu.memory_space<vmem>>, vector<1x200xf32>
    %add3A_80 = vector.broadcast %get3A_79 : vector<1x200xf32> to vector<10000x200xf32>
    %add3A_81 = arith.addf %dot_general3A_76, %add3A_80 : vector<10000x200xf32>
    %get3A_82 = arith.constant 0 : index
    %get3A_83 = arith.constant 0 : index
    %get3A_84 = memref.load %arg10[%get3A_82, %get3A_83] : memref<1x1xf32, #tpu.memory_space<smem>>
    %max3A_85 = arith.constant 0.000000e+00 : f32
    %max3A_86 = vector.broadcast %max3A_85 : f32 to vector<10000x200xf32>
    %max3A_87 = arith.maximumf %add3A_81, %max3A_86 : vector<10000x200xf32>
    %min3A_88 = arith.constant 0.000000e+00 : f32
    %min3A_89 = vector.broadcast %min3A_88 : f32 to vector<10000x200xf32>
    %min3A_90 = arith.minimumf %add3A_81, %min3A_89 : vector<10000x200xf32>
    %mul3A_91 = vector.broadcast %get3A_84 : f32 to vector<10000x200xf32>
    %mul3A_92 = arith.mulf %mul3A_91, %min3A_90 : vector<10000x200xf32>
    %add3A_93 = arith.addf %max3A_87, %mul3A_92 : vector<10000x200xf32>
    %get3A_94 = arith.constant 0 : index
    %get3A_95 = arith.constant 0 : index
    %get3A_96 = vector.load %arg11[%get3A_94, %get3A_95] : memref<200x128xf32, #tpu.memory_space<vmem>>, vector<200x128xf32>
    %dot_general3A_97 = arith.constant dense<0.000000e+00> : vector<10000x128xf32>
    %dot_general3A_98 = tpu.matmul %add3A_93, %get3A_96, %dot_general3A_97 {dimension_numbers = #tpu.dot_dimension_numbers<[1], [0], [0], [1], [0, 0, 1, 1], [], []>, transpose_lhs_hint = false} : vector<10000x200xf32>, vector<200x128xf32>, vector<10000x128xf32> -> vector<10000x128xf32>
    %get3A_99 = arith.constant 0 : index
    %get3A_100 = arith.constant 0 : index
    %get3A_101 = vector.load %arg12[%get3A_99, %get3A_100] : memref<1x128xf32, #tpu.memory_space<vmem>>, vector<1x128xf32>
    %add3A_102 = vector.broadcast %get3A_101 : vector<1x128xf32> to vector<10000x128xf32>
    %add3A_103 = arith.addf %dot_general3A_98, %add3A_102 : vector<10000x128xf32>
    %max3A_104 = arith.constant 0.000000e+00 : f32
    %max3A_105 = vector.broadcast %max3A_104 : f32 to vector<10000x128xf32>
    %max3A_106 = arith.maximumf %add3A_103, %max3A_105 : vector<10000x128xf32>
    %get3A_107 = arith.constant 0 : index
    %get3A_108 = arith.constant 0 : index
    %get3A_109 = vector.load %arg13[%get3A_107, %get3A_108] : memref<128x200xf32, #tpu.memory_space<vmem>>, vector<128x200xf32>
    %dot_general3A_110 = arith.constant dense<0.000000e+00> : vector<10000x200xf32>
    %dot_general3A_111 = tpu.matmul %max3A_106, %get3A_109, %dot_general3A_110 {dimension_numbers = #tpu.dot_dimension_numbers<[1], [0], [0], [1], [0, 0, 1, 1], [], []>, transpose_lhs_hint = false} : vector<10000x128xf32>, vector<128x200xf32>, vector<10000x200xf32> -> vector<10000x200xf32>
    %get3A_112 = arith.constant 0 : index
    %get3A_113 = arith.constant 0 : index
    %get3A_114 = vector.load %arg14[%get3A_112, %get3A_113] : memref<1x200xf32, #tpu.memory_space<vmem>>, vector<1x200xf32>
    %add3A_115 = vector.broadcast %get3A_114 : vector<1x200xf32> to vector<10000x200xf32>
    %add3A_116 = arith.addf %dot_general3A_111, %add3A_115 : vector<10000x200xf32>
    %logistic3A = arith.negf %add3A_116 : vector<10000x200xf32>
    %logistic3A_117 = math.exp %logistic3A : vector<10000x200xf32>
    %logistic3A_118 = arith.constant 1.000000e+00 : f32
    %logistic3A_119 = vector.broadcast %logistic3A_118 : f32 to vector<10000x200xf32>
    %logistic3A_120 = arith.addf %logistic3A_119, %logistic3A_117 : vector<10000x200xf32>
    %logistic3A_121 = arith.divf %logistic3A_119, %logistic3A_120 : vector<10000x200xf32>
    %round3A = math.roundeven %logistic3A_121 : vector<10000x200xf32>
    %swap3A = arith.constant 0 : index
    %swap3A_122 = arith.constant 0 : index
    %swap3A_123 = vector.load %arg15[%swap3A, %swap3A_122] : memref<10000x200xf32, #tpu.memory_space<vmem>>, vector<10000x200xf32>
    tpu.vector_store %arg15[%swap3A, %swap3A_122], %round3A {strides = array<i32>} : memref<10000x200xf32, #tpu.memory_space<vmem>>, vector<10000x200xf32>,
    return
  }
}

module attributes {stable_mosaic.version = 14 : i64} {
  func.func @_c_body(%arg0: i32, %arg1: memref<2560x16xf32, #tpu.memory_space<vmem>>, %arg2: memref<16x16xf32, #tpu.memory_space<vmem>>, %arg3: memref<1x16xf32, #tpu.memory_space<vmem>>, %arg4: memref<1x1xf32, #tpu.memory_space<smem>>, %arg5: memref<16x128xf32, #tpu.memory_space<vmem>>, %arg6: memref<2560x128xf32, #tpu.memory_space<vmem>>) attributes {dimension_semantics = [#tpu.dimension_semantics<arbitrary>], iteration_bounds = array<i64: 125>, scalar_prefetch = 0 : i64, scratch_operands = 0 : i64, tpu.core_type = #tpu.core_type<tc>, window_params = [{transform_indices = @transform_0, window_bounds = array<i64: 2560, 16>}, {pipeline_mode = #tpu.pipeline_mode<synchronous>, transform_indices = @transform_1, window_bounds = array<i64: 16, 16>}, {pipeline_mode = #tpu.pipeline_mode<synchronous>, transform_indices = @transform_2, window_bounds = array<i64: 1, 16>}, {transform_indices = @transform_3, window_bounds = array<i64: 1, 1>}, {pipeline_mode = #tpu.pipeline_mode<synchronous>, transform_indices = @transform_4, window_bounds = array<i64: 16, 128>}, {transform_indices = @transform_5, window_bounds = array<i64: 2560, 128>}]} {
    %get3A = arith.constant 0 : index
    %get3A_0 = arith.constant 0 : index
    %get3A_1 = vector.load %arg1[%get3A, %get3A_0] : memref<2560x16xf32, #tpu.memory_space<vmem>>, vector<2560x16xf32>
    %get3A_2 = arith.constant 0 : index
    %get3A_3 = arith.constant 0 : index
    %get3A_4 = vector.load %arg2[%get3A_2, %get3A_3] : memref<16x16xf32, #tpu.memory_space<vmem>>, vector<16x16xf32>
    %dot_general3A = arith.constant dense<0.000000e+00> : vector<2560x16xf32>
    %dot_general3A_5 = tpu.matmul %get3A_1, %get3A_4, %dot_general3A {dimension_numbers = #tpu.dot_dimension_numbers<[1], [0], [0], [1], [0, 0, 1, 1], [], []>, transpose_lhs_hint = false} : vector<2560x16xf32>, vector<16x16xf32>, vector<2560x16xf32> -> vector<2560x16xf32>
    %get3A_6 = arith.constant 0 : index
    %get3A_7 = arith.constant 0 : index
    %get3A_8 = vector.load %arg3[%get3A_6, %get3A_7] : memref<1x16xf32, #tpu.memory_space<vmem>>, vector<1x16xf32>
    %add3A = vector.broadcast %get3A_8 : vector<1x16xf32> to vector<2560x16xf32>
    %add3A_9 = arith.addf %dot_general3A_5, %add3A : vector<2560x16xf32>
    %get3A_10 = arith.constant 0 : index
    %get3A_11 = arith.constant 0 : index
    %get3A_12 = memref.load %arg4[%get3A_10, %get3A_11] : memref<1x1xf32, #tpu.memory_space<smem>>
    %max3A = arith.constant 0.000000e+00 : f32
    %max3A_13 = vector.broadcast %max3A : f32 to vector<2560x16xf32>
    %max3A_14 = arith.maximumf %add3A_9, %max3A_13 : vector<2560x16xf32>
    %min3A = arith.constant 0.000000e+00 : f32
    %min3A_15 = vector.broadcast %min3A : f32 to vector<2560x16xf32>
    %min3A_16 = arith.minimumf %add3A_9, %min3A_15 : vector<2560x16xf32>
    %mul3A = vector.broadcast %get3A_12 : f32 to vector<2560x16xf32>
    %mul3A_17 = arith.mulf %mul3A, %min3A_16 : vector<2560x16xf32>
    %add3A_18 = arith.addf %max3A_14, %mul3A_17 : vector<2560x16xf32>
    %get3A_19 = arith.constant 0 : index
    %get3A_20 = arith.constant 0 : index
    %get3A_21 = vector.load %arg5[%get3A_19, %get3A_20] : memref<16x128xf32, #tpu.memory_space<vmem>>, vector<16x128xf32>
    %dot_general3A_22 = arith.constant dense<0.000000e+00> : vector<2560x128xf32>
    %dot_general3A_23 = tpu.matmul %add3A_18, %get3A_21, %dot_general3A_22 {dimension_numbers = #tpu.dot_dimension_numbers<[1], [0], [0], [1], [0, 0, 1, 1], [], []>, transpose_lhs_hint = false} : vector<2560x16xf32>, vector<16x128xf32>, vector<2560x128xf32> -> vector<2560x128xf32>
    %swap3A = arith.constant 0 : index
    %swap3A_24 = arith.constant 0 : index
    %swap3A_25 = vector.load %arg6[%swap3A, %swap3A_24] : memref<2560x128xf32, #tpu.memory_space<vmem>>, vector<2560x128xf32>
    tpu.vector_store %arg6[%swap3A, %swap3A_24], %dot_general3A_23 {strides = array<i32>} : memref<2560x128xf32, #tpu.memory_space<vmem>>, vector<2560x128xf32>,
    return
  }
  func.func @transform_0(%arg0: i32) -> (i32, i32) {
    %c0_i32 = arith.constant 0 : i32
    %c0_i32_0 = arith.constant 0 : i32
    return %arg0, %c0_i32 : i32, i32
  }
  func.func @transform_1(%arg0: i32) -> (i32, i32) {
    %c0_i32 = arith.constant 0 : i32
    %c0_i32_0 = arith.constant 0 : i32
    %c0_i32_1 = arith.constant 0 : i32
    return %c0_i32, %c0_i32_0 : i32, i32
  }
  func.func @transform_2(%arg0: i32) -> (i32, i32) {
    %c0_i32 = arith.constant 0 : i32
    %c0_i32_0 = arith.constant 0 : i32
    %c0_i32_1 = arith.constant 0 : i32
    return %c0_i32, %c0_i32_0 : i32, i32
  }
  func.func @transform_3(%arg0: i32) -> (i32, i32) {
    %c0_i32 = arith.constant 0 : i32
    %c0_i32_0 = arith.constant 0 : i32
    %c0_i32_1 = arith.constant 0 : i32
    return %c0_i32, %c0_i32_0 : i32, i32
  }
  func.func @transform_4(%arg0: i32) -> (i32, i32) {
    %c0_i32 = arith.constant 0 : i32
    %c0_i32_0 = arith.constant 0 : i32
    %c0_i32_1 = arith.constant 0 : i32
    return %c0_i32, %c0_i32_0 : i32, i32
  }
  func.func @transform_5(%arg0: i32) -> (i32, i32) {
    %c0_i32 = arith.constant 0 : i32
    %c0_i32_0 = arith.constant 0 : i32
    return %arg0, %c0_i32 : i32, i32
  }
}

</mosaic_0001>

<sc_bundles>
// kernel: kernel.6.cloned.1.call-start
scs
__scs_entry_jumppad:
0x0: {  	(pc) =	sbr.rel $0x88, $3  }
0x1: {  	(tag) =	ssettag $0x0;
	lr =	simm.s32 $0x1  }
0x2: {  	[smem:$0x3F8C] =	sst lr;
	_ =	strace $0xD0000000  }
0x3: {  	_ = 	snop  }
0x4: {  	_ = 	snop  }
0x5: {  	_ = 	snop  }
0x6: {  	_ = 	snop  }
0x7: {  	_ = 	snop  }
__scs_overlays_trampoline_lowered:
0x8: {  	[smem:$0x3F9B] =	sst s0  }
0x9: {  	[smem:$0x3F9C] =	sst s1  }
0xa: {  	[smem:$0x3F9D] =	sst s2  }
0xb: {  	[smem:$0x3F9E] =	sst s3  }
0xc: {  	[smem:$0x3F9F] =	sst s4  }
0xd: {  	[smem:$0x3FA0] =	sst s5  }
0xe: {  	[smem:$0x3FA1] =	sst s6  }
0xf: {  	[smem:$0x3FA2] =	sst s7  }
0x10: {  	[smem:$0x3FA3] =	sst s8  }
0x11: {  	[smem:$0x3FA4] =	sst s9;
	s0 =	simm.s32 @!p0 $0x0  }
0x12: {  	s1 =	sld [smem:$0x3F8A];
	s0 =	simm.s32 @p0 $0x1  }
0x13: {  	[smem:$0x3FA5] =	sst s0;
	s0 =	simm.s32 @!p1 $0x0  }
0x14: {  	s2 =	sld [smem:$0x3F89];
	s0 =	simm.s32 @p1 $0x1  }
0x15: {  	[smem:$0x3FA6] =	sst s0;
	s0 =	simm.s32 @!p2 $0x0  }
0x16: {  	s3 =	sld [smem:$0x3FDB];
	s0 =	simm.s32 @p2 $0x1  }
0x17: {  	s4 =	simm.s32 $0x1BF5;
	[smem:$0x3FA8] =	sst s0  }
0x18: {  	s0 =	sld [smem:$0x3F8B];
	_ =	swait.ge [sflag:s4], $0x0  }
0x19: {  	s7 =	sld [smem:$0x3F8C]  }
0x1a: {  	s8 =	sadd.s32 $0xFFFFE003, lr  }
0x1b: {  	s9 =	sadd.s32 $0xFFFFFEF7, lr;
	s5 =	simm.s32 $0xFFFFFFFF;
	p2 =	slt.u32 s8, $0xFFFFF086  }
0x1c: {  	p1 =	slt.u32 s9, $0xF7A;
	s5 =	simm.s32 @!p2 $0x0  }
0x1d: {  	s5 =	simm.s32 @p1 $0x1;
	p0 =	seq.s32 s7, s2  }
0x1e: {  	s7 =	smul.u32 @!p0 $0xF7A, s2;
	p2 =	seq.s32 @!p0 s5, $0x0  }
0x1f: {  	s9 =	smul.u32 $0xF7A, s1;
	s8 =	simm.s32 @!p0 $0x1BF5;
	p2 =	por !p2, p0  }
0x20: {  	[sflag:s8] =	ssyncset.s32 @!p0 $0xFFFFF086;
	s6 =	sadd.s32 @!p0 s3, s7;
	s7 =	simm.s32 @!p0 $0x108  }
0x21: {  	s3 =	sadd.s32 s3, s9;
	s6 =	sadd.s32 @!p0 $0x88, s6;
	s7 =	simm.s32 @p2 $0x1082  }
0x22: {  	[simem:s7], [sflag:s8] =	dma.local @!p0 [hbm:s6], $0xF7A  }
0x23: {  	s9 =	sor.u32 $0xD0000000, s2;
	s6 =	simm.s32 $0x108;
	_ =	swait.ge @!p0 [sflag:s8], $0x0  }
0x24: {  	s3 =	sadd.s32 $0x88, s3;
	s6 =	simm.s32 @!p1 $0x1082;
	[sflag:s4] =	ssyncset.s32 $0xFFFFF086  }
0x25: {  	[simem:s6], [sflag:s4] =	dma.local [hbm:s3], $0xF7A  }
0x26: {  	[smem:$0x3F8C] =	sst s1;
	(tag) =	ssettag s2;
	_ =	strace s9  }
0x27: {  	s1 =	sld [smem:$0x3F9C]  }
0x28: {  	s2 =	sld [smem:$0x3F9D]  }
0x29: {  	s4 =	sld [smem:$0x3F9F]  }
0x2a: {  	p0 =	seq.s32 s5, $0x0;
	s5 =	sld [smem:$0x3FA0]  }
0x2b: {  	s6 =	sld [smem:$0x3FA1]  }
0x2c: {  	s7 =	sld [smem:$0x3FA2]  }
0x2d: {  	s3 =	simm.s32 $0x108;
	s8 =	sld [smem:$0x3FA3]  }
0x2e: {  	s3 =	simm.s32 @!p0 $0x1082;
	s9 =	sld [smem:$0x3FA4]  }
0x2f: {  	lr =	sadd.s32 s0, s3;
	s0 =	sld [smem:$0x3F9B]  }
0x30: {  	s3 =	sld [smem:$0x3F9E]  }
0x31: {  	[smem:$0x3FA7] =	sst s10  }
0x32: {  	s10 =	sld [smem:$0x3FA5];
	_ =	sdelay $0x3  }
0x33: {  	p0 =	seq.s32 s10, $0x1;
	s10 =	sld [smem:$0x3FA7];
	_ =	sdelay $0x3  }
0x34: {  	[smem:$0x3FA7] =	sst s10  }
0x35: {  	s10 =	sld [smem:$0x3FA6];
	_ =	sdelay $0x3  }
0x36: {  	p1 =	seq.s32 s10, $0x1;
	s10 =	sld [smem:$0x3FA7];
	_ =	sdelay $0x3  }
0x37: {  	[smem:$0x3FA7] =	sst s10  }
0x38: {  	s10 =	sld [smem:$0x3FA8]  }
0x39: {  	_ = 	snop;
	(pc) =	sbr.ind lr, $3  }
0x3a: {  	_ = 	snop  }
0x3b: {  	_ = 	snop  }
0x3c: {  	p2 =	seq.s32 s10, $0x1;
	s10 =	sld [smem:$0x3FA7]  }
0x3d: {  	_ =	shalt  }
0x3e: {  	_ =	shalt  }
0x3f: {  	_ =	shalt  }
0x40: {  	_ =	shalt  }
0x41: {  	_ =	shalt  }
0x42: {  	_ =	shalt  }
0x43: {  	_ =	shalt  }
0x44: {  	_ =	shalt  }
0x45: {  	_ =	shalt  }
0x46: {  	_ =	shalt  }
0x47: {  	_ =	shalt  }
0x48: {  	_ =	shalt  }
0x49: {  	_ =	shalt  }
0x4a: {  	_ =	shalt  }
0x4b: {  	_ =	shalt  }
0x4c: {  	_ =	shalt  }
0x4d: {  	_ =	shalt  }
0x4e: {  	_ =	shalt  }
0x4f: {  	_ =	shalt  }
0x50: {  	_ =	shalt  }
0x51: {  	_ =	shalt  }
0x52: {  	_ =	shalt  }
0x53: {  	_ =	shalt  }
0x54: {  	_ =	shalt  }
0x55: {  	_ =	shalt  }
0x56: {  	_ =	shalt  }
0x57: {  	_ =	shalt  }
0x58: {  	_ =	shalt  }
0x59: {  	_ =	shalt  }
0x5a: {  	_ =	shalt  }
0x5b: {  	_ =	shalt  }
0x5c: {  	_ =	shalt  }
0x5d: {  	_ =	shalt  }
0x5e: {  	_ =	shalt  }
0x5f: {  	_ =	shalt  }
0x60: {  	_ =	shalt  }
0x61: {  	_ =	shalt  }
0x62: {  	_ =	shalt  }
0x63: {  	_ =	shalt  }
0x64: {  	_ =	shalt  }
0x65: {  	_ =	shalt  }
0x66: {  	_ =	shalt  }
0x67: {  	_ =	shalt  }
0x68: {  	_ =	shalt  }
0x69: {  	_ =	shalt  }
0x6a: {  	_ =	shalt  }
0x6b: {  	_ =	shalt  }
0x6c: {  	_ =	shalt  }
0x6d: {  	_ =	shalt  }
0x6e: {  	_ =	shalt  }
0x6f: {  	_ =	shalt  }
0x70: {  	_ =	shalt  }
0x71: {  	_ =	shalt  }
0x72: {  	_ =	shalt  }
0x73: {  	_ =	shalt  }
0x74: {  	_ =	shalt  }
0x75: {  	_ =	shalt  }
0x76: {  	_ =	shalt  }
0x77: {  	_ =	shalt  }
0x78: {  	_ =	shalt  }
0x79: {  	_ =	shalt  }
0x7a: {  	_ =	shalt  }
0x7b: {  	_ =	shalt  }
0x7c: {  	_ =	shalt  }
0x7d: {  	_ =	shalt  }
0x7e: {  	_ =	shalt  }
0x7f: {  	_ =	shalt  }
0x80: {  	_ =	shalt  }
0x81: {  	_ =	shalt  }
0x82: {  	_ =	shalt  }
0x83: {  	_ =	shalt  }
0x84: {  	_ =	shalt  }
0x85: {  	_ =	shalt  }
0x86: {  	_ =	shalt  }
0x87: {  	_ =	shalt  }
.Lfunc_end0:
.L_simem_size_0:
called_computation_lowered:
.L_overlay_start_0:
0x88: {  	s2 =	sld [smem:$0x3FD9]  }
0x89: {  	s3 =	sld [smem:$0x3FFE];
	_ =	sdelay $0x1  }
0x8a: {  	s1 =	srdreg.scid  }
0x8b: {  	s0 =	sand.u32 $0x1, s1  }
0x8c: {  	s17 =	sshll.u32 s0, $0xA;
	s2 =	sadd.s32 s3, s2  }
0x8d: {  	s2 =	sadd.s32 s2, s17  }
0x8e: {  	[smem:$0x3FB3] =	sst s2  }
0x8f: {  	_ = 	snop  }
0x90: {  	s2 =	sld [smem:$0x3FD0];
	(tm) =	ssettm $0x1  }
0x91: {  	s18 =	sld [smem:$0x3FFB];
	_ =	sdelay $0x3  }
0x92: {  	_ =	strace s18  }
0x93: {  	s3 =	sld [smem:$0x3FFC];
	_ =	sdelay $0x3  }
0x94: {  	_ =	strace s3  }
0x95: {  	s3 =	sld [smem:$0x3FFD];
	_ =	sdelay $0x3  }
0x96: {  	_ =	strace s3  }
0x97: {  	_ =	strace $0x8FFFFFFF  }
0x98: {  	s19 =	sld [smem:$0x3FDB];
	_ =	sdelay $0x1  }
0x99: {  	s4 =	simm.s32 $_scs_section_size  }
0x9a: {  	s5 =	simm.s32 $_size__tile_overlayer_lowered;
	s6 =	simm.s32 $_tile_overlayer_lowered  }
0x9b: {  	s22 =	simm.s32 $0x1BFF;
	s21 =	sshll.u32 s6, $0x1;
	s3 =	sadd.s32 s4, s19  }
0x9c: {  	s7 =	simm.s32 $0x0;
	s20 =	sshll.u32 s5, $0x1;
	s5 =	sadd.s32 s21, s3  }
0x9d: {  	[timem:s7], [sflag:s22] =	dma.local [hbm:s5], s20  }
0x9e: {  	_ =	swait.ge [sflag:s22], s20  }
0x9f: {  	s4 =	ssub.s32 $0x0, s20;
	[sflag:s22] =	ssyncset.done $0x0  }
0xa0: {  	[sflag:s22] =	ssyncadd.s32 s4;
	_ =	sdelay $0x1  }
0xa1: {  	s23 =	simm.s32 $0x1B8B  }
0xa2: {  	_ =	swait.ge [sflag:s23], $0x1  }
0xa3: {  	[sflag:s23] =	ssyncset.done $0x0  }
0xa4: {  	s25 =	simm.s32 $0x1B8E;
	s24 =	sld [smem:$0x3FFE];
	[sflag:s23] =	ssyncadd.s32 $0xFFFFFFFF  }
0xa5: {  	s26 =	simm.s32 $execute0_lowered;
	[smem:$0x3FD2] =	sst s25  }
0xa6: {  	s5 =	sshll.u32 s26, $0x1;
	_ =	strace $0x80000046;
	[dreg:$0x1] =	wrdreg $0xFFFFFFFF  }
0xa7: {  	s28 =	simm.s32 $_size_execute0_lowered;
	s3 =	sadd.s32 s3, s5;
	[dreg:$0x0] =	wrdreg $0x0  }
0xa8: {  	s5 =	sshll.u32 s28, $0x1;
	[dreg:$0x2] =	wrdreg s3  }
0xa9: {  	[dreg:$0x3] =	wrdreg s5  }
0xaa: {  	[dreg:$0x4] =	wrdreg $0xC0  }
0xab: {  	_ =	task [dreg:s7], $0x5FFFF  }
0xac: {  	[dreg:$0x1] =	wrdreg $0xFFFFFFFF  }
0xad: {  	[dreg:$0x0] =	wrdreg $0x60  }
0xae: {  	[dreg:$0x2] =	wrdreg s24  }
0xaf: {  	[dreg:$0x3] =	wrdreg s2  }
0xb0: {  	[dreg:$0x4] =	wrdreg $0xA1000  }
0xb1: {  	[dreg:$0x5] =	wrdreg $0x1D9800  }
0xb2: {  	[dreg:$0x6] =	wrdreg $0x9  }
0xb3: {  	_ =	task.clear_ibuf [dreg:s7], $0x7FFFF;
	_ =	strace $0x90000046  }
0xb4: {  	s29 =	simm.s32 $0x9;
	_ =	strace $0x80000048  }
0xb5: {  	_ =	swait.ge [sflag:s29], $0x1  }
0xb6: {  	[sflag:s29] =	ssyncadd.s32 $0xFFFFFFFF  }
0xb7: {  	_ =	strace $0x90000048  }
0xb8: {  	_ =	sfence  }
0xb9: {  	s30 =	sld [smem:$0x0];
	_ =	sdelay $0x2  }
0xba: {  	s31 =	sshll.u32 s1, $0xD;
	s1 =	sshrl.u32 s1, $0x2  }
0xbb: {  	s3 =	sand.u32 $0x4000, s31;
	s1 =	sadd.s32 s1, s30  }
0xbc: {  	s0 =	sor.u32 s3, s0;
	s1 =	sshll.u32 s1, $0x11  }
0xbd: {  	s0 =	sor.u32 s1, s0  }
0xbe: {  	s0 =	sadd.s32 $0x8F2B, s0  }
0xbf: {  	[sflag:s0] =	ssyncadd.remote.s32 $0x1  }
0xc0: {  	_ =	sfence.sel $0xFFFF  }
0xc1: {  	[dreg:$0x0] =	wrdreg $0xFFFFFFFF;
	(pc) =	sbr.abs _section_cstart, $3  }
0xc2: {  	[dreg:$0x1] =	wrdreg $0xFFFFFFFF  }
0xc3: {  	_ =	task.clear_ibuf [dreg:s7], $0x2FFFF;
	_ =	strace $0x9FFFFFFF  }
0xc4: {  	(tm) =	ssettm $0x7FFFFFFF  }
0xc5: {  	_ =	shalt  }
tec
execute0_lowered:
.L_overlay_start_1:
0x0: {  	(tag) =	ssettag $0x1  }
0x1: {  	s0 =	rddreg [dreg:$0x0]  }
0x2: {  	s1 =	rddreg [dreg:$0x1]  }
0x3: {  	s2 =	rddreg [dreg:$0x2]  }
0x4: {  	s3 =	rddreg [dreg:$0x3];
	s21 =	stileid.u32  }
0x5: {  	s4 =	simm.s32 $0x0;
	s28 =	srdreg.scid;
	s5 =	smul.u32 $0x280, s21  }
0x6: {  	[smem:$0x7FF] =	sst s4;
	s18 =	smul.u32 $0x6400, s21  }
0x7: {  	s4 =	sand.u32 $0x1, s28;
	s7 =	sadd.s32 $0xCE00, s0;
	s22 =	smul.u32 $0x19000, s21  }
0x8: {  	s8 =	sadd.s32 $0x3000, s0;
	s13 =	sor.u32 $0x10, s21;
	s6 =	smul.u32 $0x2800, s4  }
0x9: {  	s10 =	ssub.s32 $0x2, s4;
	s11 =	sshll.u32 s4, $0x4;
	s4 =	smul.u32 $0x138800, s4  }
0xa: {  	s9 =	sadd.s32 $0x18A00, s0;
	s14 =	sor.u32 $0x20, s21;
	s20 =	smul.u32 $0x6400, s13  }
0xb: {  	s16 =	sor.u32 $0x30, s21;
	p0 =	sgt.u32 s21, $0x1;
	s25 =	smul.u32 $0x19000, s13  }
0xc: {  	_ =	strace $0x80000047;
	s28 =	smul.u32 $0x19000, s14;
	s13 =	simm.s32 $0x6400  }
0xd: {  	s29 =	sshrl.u32 s10, $0x1;
	s11 =	sor.u32 s21, s11;
	s26 =	sshrl.u32 s22, $0x2  }
0xe: {  	s21 =	simm.s32 $0x3;
	s12 =	sadd.s32 s5, s6;
	s10 =	ssub.s32 s10, s29  }
0xf: {  	s6 =	smul.u32 $0x2710, s11;
	s18 =	sadd.s32 s18, s4;
	s20 =	sadd.s32 s4, s20  }
0x10: {  	s29 =	smul.u32 $0x19000, s16;
	s22 =	sshrl.u32 s28, $0x2;
	s5 =	sadd.s32 s5, s3  }
0x11: {  	s23 =	sshrl.u32 s20, $0x3;
	s24 =	sshrl.u32 s12, $0x3;
	s15 =	sshrl.u32 s6, $0x3  }
0x12: {  	[dreg:$0x14] =	wrdreg s5;
	s17 =	sadd.s32 $0x13B0, s6;
	s19 =	sadd.s32 s7, s15  }
0x13: {  	s30 =	sshrl.u32 s17, $0x3;
	s15 =	sadd.s32 s8, s15;
	[dreg:$0x5] =	wrdreg s19  }
0x14: {  	s12 =	simm.s32 $0x1400;
	[dreg:$0x6] =	wrdreg s15;
	s7 =	sadd.s32 s7, s30  }
0x15: {  	s31 =	sadd.s32 $0x13D8, s6;
	s8 =	sadd.s32 s8, s30;
	[dreg:$0x7] =	wrdreg s7  }
0x16: {  	s15 =	smul.u32 $0x6400, s14;
	s30 =	sadd.s32 $0x16C00, s0;
	[dreg:$0x8] =	wrdreg s8  }
0x17: {  	s19 =	smul.u32 $0x6400, s16;
	s14 =	sadd.s32 $0x17E00, s0;
	[dreg:$0xd] =	wrdreg s30  }
0x18: {  	s16 =	sadd.s32 $0x520000, s0;
	s8 =	sshrl.u32 s18, $0x3;
	[dreg:$0xe] =	wrdreg s14  }
0x19: {  	s18 =	sadd.s32 s26, s2;
	s26 =	sshll.u32 s17, $0x4;
	s30 =	smax.u32 s10, $0x1  }
0x1a: {  	s10 =	simm.s32 $0x2800;
	s14 =	simm.s32 $0x7800;
	s17 =	simm.s32 $0x8C00  }
0x1b: {  	s7 =	sadd.s32 s4, s15;
	s4 =	sadd.s32 s4, s19;
	[dreg:$0x10] =	wrdreg s18  }
0x1c: {  	s8 =	sadd.s32 s9, s8;
	s15 =	sadd.s32 $0x4F8E00, s0;
	[dreg:$0x18] =	wrdreg s30  }
0x1d: {  	s19 =	sadd.s32 $0x16E00, s0;
	s18 =	simm.s32 $0x1;
	[dreg:$0x9] =	wrdreg s8  }
0x1e: {  	s7 =	sshrl.u32 s7, $0x3;
	s4 =	sshrl.u32 s4, $0x3;
	s8 =	sadd.s32 s9, s23  }
0x1f: {  	s23 =	sshrl.u32 s29, $0x2;
	[dreg:$0xa] =	wrdreg s8;
	s7 =	sadd.s32 s9, s7  }
0x20: {  	s4 =	sadd.s32 s9, s4;
	s9 =	simm.s32 $0x28;
	[dreg:$0xb] =	wrdreg s7  }
0x21: {  	[dreg:$0xc] =	wrdreg s4;
	s4 =	sadd.s32 s24, s0;
	s0 =	sadd.s32 $0x17C00, s0  }
0x22: {  	s7 =	sshrl.u32 s25, $0x2;
	s25 =	sadd.s32 s23, s2;
	[dreg:$0xf] =	wrdreg s0  }
0x23: {  	s24 =	smul.u32 $0x27100, s11;
	s20 =	sadd.s32 s7, s2;
	[dreg:$0x13] =	wrdreg s25  }
0x24: {  	s23 =	simm.s32 $0x0;
	s0 =	sadd.s32 s22, s2;
	[dreg:$0x11] =	wrdreg s20  }
0x25: {  	s29 =	sadd.s32 $0x18000, s4;
	s4 =	simm.s32 $0x5;
	[dreg:$0x12] =	wrdreg s0  }
0x26: {  	s7 =	simm.s32 $0xA000;
	s28 =	sadd.s32 s16, s24;
	[dreg:$0x17] =	wrdreg s29  }
0x27: {  	s22 =	simm.s32 $0x4;
	s0 =	sadd.s32 s16, s26;
	[dreg:$0x15] =	wrdreg s28  }
0x28: {  	s20 =	simm.s32 $0x2;
	[dreg:$0x16] =	wrdreg s0;
	s0 =	sadd.s32 $0x1400, s6  }
.LBB2_1:
0x29: {  	s8 =	simm.s32 $0x0;
	s5 =	rddreg [dreg:$0xd];
	s11 =	simm.s32 $0xA080  }
0x2a: {  	[tilespmem:s11], [sflag:$0x5] =	stream.linear.gather [hbm4b:s5+s8], $0x80, $0x38;
	[tilespmem:$0x1DC00] =	vst v63  }
0x2b: {  	_ =	swait.ge [sflag:s4], $0x80  }
0x2c: {  	[sflag:s4] =	ssyncset.done $0x0  }
0x2d: {  	s26 =	rddreg [dreg:$0xe];
	[sflag:s4] =	ssyncadd.s32 $0xFFFFFF80  }
0x2e: {  	[tilespmem:s7], [sflag:$0x5] =	stream.linear.gather [hbm4b:s26+s8], $0x80, $0x38;
	[tilespmem:$0x1DC00] =	vst v63  }
0x2f: {  	s30 =	stileid.u32;
	_ =	swait.ge [sflag:s4], $0x80  }
0x30: {  	s5 =	sshll.u32 s30, $0x6;
	s11 =	rddreg [dreg:$0x10]  }
0x31: {  	s24 =	sor.u32 $0x1C05, s5;
	[sflag:s4] =	ssyncset.done $0x0;
	s5 =	sshrl.u32 s11, $0x3  }
0x32: {  	[sflag:s4] =	ssyncadd.s32 $0xFFFFFF80;
	[dreg:$0x19] =	wrdreg s5  }
0x33: {  	[spmem:s5], [sflag:s24] =	dma.local [hbm:s19], $0xC80  }
0x34: {  	_ =	swait.ge [sflag:s4], $0xC80  }
0x35: {  	s25 =	rddreg [dreg:$0x11]  }
0x36: {  	[sflag:s4] =	ssyncset.done $0x0;
	s5 =	sshrl.u32 s25, $0x3  }
0x37: {  	[sflag:s4] =	ssyncadd.s32 $0xFFFFF380;
	[dreg:$0x1a] =	wrdreg s5  }
0x38: {  	[spmem:s5], [sflag:s24] =	dma.local [hbm:s19], $0xC80  }
0x39: {  	_ =	swait.ge [sflag:s4], $0xC80  }
0x3a: {  	s26 =	rddreg [dreg:$0x12]  }
0x3b: {  	[sflag:s4] =	ssyncset.done $0x0;
	s5 =	sshrl.u32 s26, $0x3  }
0x3c: {  	[sflag:s4] =	ssyncadd.s32 $0xFFFFF380;
	[dreg:$0x1b] =	wrdreg s5  }
0x3d: {  	[spmem:s5], [sflag:s24] =	dma.local [hbm:s19], $0xC80  }
0x3e: {  	_ =	swait.ge [sflag:s4], $0xC80  }
0x3f: {  	[sflag:s4] =	ssyncset.done $0x0;
	s5 =	rddreg [dreg:$0x13]  }
0x40: {  	[sflag:s4] =	ssyncadd.s32 $0xFFFFF380;
	s26 =	sshrl.u32 @!p0 s5, $0x3;
	s5 =	simm.s32 @!p0 $0x5  }
0x41: {  	[spmem:s26], [sflag:s24] =	dma.local @!p0 [hbm:s19], $0xC80  }
0x42: {  	_ =	swait.ge @!p0 [sflag:s5], $0xC80  }
0x43: {  	[sflag:s5] =	ssyncset.done @!p0 $0x0;
	s30 =	rddreg [dreg:$0x14]  }
0x44: {  	s11 =	rddreg [dreg:$0xf];
	[sflag:s5] =	ssyncadd.s32 @!p0 $0xFFFFF380;
	s28 =	sshrl.u32 s30, $0x3  }
0x45: {  	[spmem:s28], [sflag:s24] =	dma.local [hbm:s11], $0x50  }
0x46: {  	_ =	swait.ge [sflag:s4], $0x50  }
0x47: {  	[sflag:s4] =	ssyncset.done $0x0  }
0x48: {  	[sflag:s4] =	ssyncadd.s32 $0xFFFFFFB0  }
0x49: {  	[bflag:$0x0] =	sbarrier.arrive $0xFFFF  }
0x4a: {  	s25 =	rddreg [dreg:$0x5]  }
0x4b: {  	v0 =	vld [tilespmem:$0xA080];
	[tilespmem:s8], [sflag:$0x5] =	stream.linear.gather [hbm4b:s25+s8], $0x13B0, $0x38  }
0x4c: {  	_ =	swait.ge [sflag:s4], $0x13B0  }
0x4d: {  	[sflag:s4] =	ssyncset.done $0x0  }
0x4e: {  	s30 =	rddreg [dreg:$0x6];
	[sflag:s4] =	ssyncadd.s32 $0xFFFFEC50  }
0x4f: {  	[tilespmem:s12], [sflag:$0x5] =	stream.linear.gather [hbm4b:s30+s8], $0x13B0, $0x38;
	[tilespmem:$0x1DC00] =	vst v63  }
0x50: {  	_ =	swait.ge [sflag:s4], $0x13B0  }
0x51: {  	[sflag:s4] =	ssyncset.done $0x0  }
0x52: {  	[sflag:s4] =	ssyncadd.s32 $0xFFFFEC50  }
0x53: {  	[tilespmem:s10], [sflag:$0x1] =	stream.indirect.gather [hbm4b:s1+s9], $0x80, s8, s9, $0xb8;
	[tilespmem:$0x1DC00] =	vst v63  }
0x54: {  	s11 =	simm.s32 $0x3C00  }
0x55: {  	[tilespmem:s11], [sflag:$0x1] =	stream.indirect.gather [hbm4b:s15+s9], $0x80, s12, s9, $0xb8;
	[tilespmem:$0x1DC00] =	vst v63  }
0x56: {  	s29 =	simm.s32 $0x0;
	s30 =	simm.s32 $0x5000;
	s25 =	rddreg [dreg:$0x15]  }
0x57: {  	[tilespmem:s30], [sflag:$0x1] =	stream.linear.gather [hbm4b:s25+s8], $0x1400, $0x38;
	[tilespmem:$0x1DC00] =	vst v63  }
.LBB2_2:
0x58: {  	p1 =	seq.s32 s29, $0x0  }
0x59: {  	s5 =	simm.s32 @!p1 $0x4  }
0x5a: {  	_ =	swait.ge @!p1 [sflag:s5], $0x1400  }
0x5b: {  	[sflag:s5] =	ssyncset.done @!p1 $0x0  }
0x5c: {  	s30 =	sshllo.u32 s29, $0x1;
	[sflag:s5] =	ssyncadd.s32 @!p1 $0xFFFFEC00  }
0x5d: {  	s8 =	smul.u32 $0x28, s30;
	_ =	swait.ge @!p1 [sflag:s5], $0x28  }
0x5e: {  	[sflag:s5] =	ssyncset.done @!p1 $0x0  }
0x5f: {  	s11 =	sadd.s32 s6, s8;
	[sflag:s5] =	ssyncadd.s32 @!p1 $0xFFFFFFD8  }
0x60: {  	[tilespmem:s13], [sflag:$0x2] =	stream.indirect.gather [hbm4b:s1+s9], $0x80, s8, s9, $0xb8;
	[tilespmem:$0x1DC00] =	vst v63  }
0x61: {  	s25 =	sadd.s32 $0x1400, s8;
	s5 =	sshll.u32 s11, $0x4  }
0x62: {  	[tilespmem:s14], [sflag:$0x2] =	stream.indirect.gather [hbm4b:s15+s9], $0x80, s25, s9, $0xb8;
	[tilespmem:$0x1DC00] =	vst v63  }
0x63: {  	s5 =	sadd.s32 s16, s5;
	s25 =	simm.s32 $0x0  }
0x64: {  	[tilespmem:s17], [sflag:$0x2] =	stream.linear.gather [hbm4b:s5+s25], $0x1400, $0x38;
	[tilespmem:$0x1DC00] =	vst v63  }
0x65: {  	_ =	swait.ge [sflag:s18], $0x1400  }
0x66: {  	[sflag:s18] =	ssyncset.done $0x0  }
0x67: {  	[sflag:s18] =	ssyncadd.s32 $0xFFFFEC00  }
0x68: {  	_ =	swait.ge [sflag:s18], $0x1400  }
0x69: {  	[sflag:s18] =	ssyncset.done $0x0  }
0x6a: {  	[sflag:s18] =	ssyncadd.s32 $0xFFFFEC00  }
0x6b: {  	_ =	swait.ge [sflag:s18], $0x1400  }
0x6c: {  	[sflag:s18] =	ssyncset.done $0x0  }
0x6d: {  	s5 =	simm.s32 $0x0;
	[sflag:s18] =	ssyncadd.s32 $0xFFFFEC00  }
0x6e: {  	v11 =	vld [tilespmem:s5+$0x5000]  }
0x6f: {  	v14 =	vld [tilespmem:s5+$0x5010]  }
0x70: {  	v4 =	vld [tilespmem:s5+$0x5020]  }
0x71: {  	v3 =	vld [tilespmem:s5+$0x5030]  }
0x72: {  	v2 =	vld [tilespmem:s5+$0x5040]  }
0x73: {  	v1 =	vld [tilespmem:s5+$0x5050]  }
0x74: {  	v12 =	vld [tilespmem:s5+$0x3C00]  }
0x75: {  	v13 =	vld [tilespmem:s5+$0x3C10]  }
0x76: {  	v10 =	vld [tilespmem:s5+$0x3C20]  }
0x77: {  	v9 =	vld [tilespmem:s5+$0x3C30]  }
0x78: {  	v8 =	vld [tilespmem:s5+$0x3C40]  }
0x79: {  	v6 =	vld [tilespmem:s5+$0x3C50]  }
0x7a: {  	v17 =	vld [tilespmem:s5+$0x2800]  }
0x7b: {  	v18 =	vld [tilespmem:s5+$0x2810]  }
0x7c: {  	v7 =	vld [tilespmem:s5+$0x3C60]  }
0x7d: {  	v5 =	vld [tilespmem:s5+$0x3C70]  }
0x7e: {  	v16 =	vld [tilespmem:s5+$0x2820]  }
0x7f: {  	v15 =	vld [tilespmem:s5+$0x2830];
	v17 =	vadd.f32 v12, v17  }
0x80: {  	v18 =	vadd.f32 v13, v18;
	v13 =	vld [tilespmem:s5+$0x2840]  }
0x81: {  	v12 =	vld [tilespmem:s5+$0x2850];
	v17 =	vadd.f32 v11, v17  }
0x82: {  	s8 =	simm.s32 $0x200;
	v14 =	vadd.f32 v14, v18;
	v11 =	vld [tilespmem:s5+$0x2860]  }
.LBB2_3:
0x83: {  	p1 =	sne.s32 s8, $0x4E00;
	v18 =	vmul.f32 v17, v0;
	v10 =	vadd.f32 v10, v16;
	v16 =	vld [tilespmem:s5+$0x2870]  }
0x84: {  	v19 =	vmul.f32 v14, v0;
	v9 =	vadd.f32 v9, v15;
	v15 =	vld [tilespmem:s5+$0x5060]  }
0x85: {  	s11 =	sshra.s32 s8, $0x2;
	v17 =	vmax.f32 v17, v18;
	v10 =	vadd.f32 v4, v10;
	v4 =	vadd.f32 v8, v13;
	v8 =	vld [tilespmem:s5+$0x5070]  }
0x86: {  	v18 =	vld [tilespmem:s11+$0x5000];
	v13 =	vmax.f32 v14, v19;
	v9 =	vadd.f32 v3, v9;
	v3 =	vadd.f32 v6, v12  }
0x87: {  	v14 =	vld [tilespmem:s11+$0x5010];
	v6 =	vmul.f32 v10, v0;
	v12 =	vadd.f32 v2, v4;
	v2 =	vadd.f32 v7, v11  }
0x88: {  	v4 =	vld [tilespmem:s11+$0x5020];
	[tilespmem:s5+$0x2800] =	vst v17;
	v7 =	vmul.f32 v9, v0;
	v11 =	vadd.f32 v1, v3;
	v1 =	vadd.f32 v5, v16  }
0x89: {  	v3 =	vld [tilespmem:s11+$0x5030];
	[tilespmem:s5+$0x2810] =	vst v13;
	v5 =	vmax.f32 v10, v6;
	v6 =	vmul.f32 v12, v0;
	v10 =	vadd.f32 v15, v2  }
0x8a: {  	v2 =	vld [tilespmem:s11+$0x5040];
	[tilespmem:s5+$0x2820] =	vst v5;
	v5 =	vmax.f32 v9, v7;
	v7 =	vmul.f32 v11, v0;
	v8 =	vadd.f32 v8, v1  }
0x8b: {  	v1 =	vld [tilespmem:s11+$0x5050];
	[tilespmem:s5+$0x2830] =	vst v5;
	v5 =	vmax.f32 v12, v6;
	v6 =	vmul.f32 v10, v0  }
0x8c: {  	v12 =	vld [tilespmem:s11+$0x3C00];
	[tilespmem:s5+$0x2840] =	vst v5;
	v5 =	vmax.f32 v11, v7;
	v7 =	vmul.f32 v8, v0  }
0x8d: {  	v11 =	vld [tilespmem:s11+$0x3C10];
	[tilespmem:s5+$0x2850] =	vst v5;
	v5 =	vmax.f32 v10, v6  }
0x8e: {  	v10 =	vld [tilespmem:s11+$0x3C20];
	[tilespmem:s5+$0x2860] =	vst v5;
	v5 =	vmax.f32 v8, v7  }
0x8f: {  	v9 =	vld [tilespmem:s11+$0x3C30];
	[tilespmem:s5+$0x2870] =	vst v5;
	s5 =	smov.u32 s11  }
0x90: {  	v8 =	vld [tilespmem:s5+$0x3C40]  }
0x91: {  	v6 =	vld [tilespmem:s5+$0x3C50]  }
0x92: {  	v13 =	vld [tilespmem:s5+$0x2800]  }
0x93: {  	v17 =	vld [tilespmem:s5+$0x2810]  }
0x94: {  	v7 =	vld [tilespmem:s5+$0x3C60]  }
0x95: {  	v5 =	vld [tilespmem:s5+$0x3C70]  }
.Ltmp0:
0x96: {  	v16 =	vld [tilespmem:s5+$0x2820];
	(pc) =	sbr.rel @p1 .LBB2_3-.Ltmp0, $4  }
0x97: {  	v12 =	vadd.f32 v12, v13;
	v15 =	vld [tilespmem:s5+$0x2830]  }
0x98: {  	v11 =	vadd.f32 v11, v17;
	v13 =	vld [tilespmem:s5+$0x2840]  }
0x99: {  	v17 =	vadd.f32 v18, v12;
	v12 =	vld [tilespmem:s5+$0x2850]  }
0x9a: {  	s8 =	sadd.s32 $0x200, s8;
	v14 =	vadd.f32 v14, v11;
	v11 =	vld [tilespmem:s5+$0x2860]  }
0x9b: {  	v18 =	vmul.f32 v17, v0;
	v10 =	vadd.f32 v10, v16;
	v16 =	vld [tilespmem:s5+$0x2870]  }
0x9c: {  	v19 =	vmul.f32 v14, v0;
	v9 =	vadd.f32 v9, v15;
	v15 =	vld [tilespmem:s5+$0x5060]  }
0x9d: {  	v17 =	vmax.f32 v17, v18;
	v4 =	vadd.f32 v4, v10;
	v8 =	vadd.f32 v8, v13;
	v10 =	vld [tilespmem:s5+$0x5070]  }
0x9e: {  	v13 =	vmax.f32 v14, v19;
	v3 =	vadd.f32 v3, v9;
	v6 =	vadd.f32 v6, v12  }
0x9f: {  	v9 =	vmul.f32 v4, v0;
	v2 =	vadd.f32 v2, v8;
	v7 =	vadd.f32 v7, v11  }
0xa0: {  	[tilespmem:s5+$0x2800] =	vst v17;
	v8 =	vmul.f32 v3, v0;
	v1 =	vadd.f32 v1, v6;
	v5 =	vadd.f32 v5, v16  }
0xa1: {  	[tilespmem:s5+$0x2810] =	vst v13;
	v4 =	vmax.f32 v4, v9;
	v6 =	vmul.f32 v2, v0;
	v7 =	vadd.f32 v15, v7  }
0xa2: {  	[tilespmem:s5+$0x2820] =	vst v4;
	v3 =	vmax.f32 v3, v8;
	v4 =	vmul.f32 v1, v0;
	v5 =	vadd.f32 v10, v5  }
0xa3: {  	[tilespmem:s5+$0x2830] =	vst v3;
	v2 =	vmax.f32 v2, v6;
	v3 =	vmul.f32 v7, v0  }
0xa4: {  	[tilespmem:s5+$0x2840] =	vst v2;
	v1 =	vmax.f32 v1, v4;
	v2 =	vmul.f32 v5, v0  }
0xa5: {  	s8 =	smul.u32 $0x140, s29;
	[tilespmem:s5+$0x2850] =	vst v1;
	v1 =	vmax.f32 v7, v3  }
0xa6: {  	[tilespmem:s5+$0x2860] =	vst v1;
	v1 =	vmax.f32 v5, v2  }
0xa7: {  	p1 =	seq.s32 s29, $0x3E;
	s25 =	sshra.s32 s8, $0x2;
	[tilespmem:s5+$0x2870] =	vst v1  }
0xa8: {  	[spmem:s2] =	stream.indirect.scatter.add.f32 [tilespmem:s10], [sflag:$0x3], $0x80, s25, s9, $0xb8;
	[tilespmem:$0x1DC00] =	vst v63  }
0xa9: {  	s5 =	simm.s32 @!p1 $0x3  }
0xaa: {  	[spmem:s3] =	stream.indirect.scatter.add.f32 [tilespmem:s7], [sflag:$0x3], $0x1, s25, s9, $0xb8;
	[tilespmem:$0x1DC00] =	vst v63  }
0xab: {  	_ =	swait.ge @!p1 [sflag:s5], $0x1400  }
0xac: {  	[sflag:s5] =	ssyncset.done @!p1 $0x0  }
0xad: {  	[sflag:s5] =	ssyncadd.s32 @!p1 $0xFFFFEC00  }
0xae: {  	s8 =	smul.u32 @!p1 $0x50, s29;
	_ =	swait.ge @!p1 [sflag:s5], $0x28  }
0xaf: {  	s11 =	simm.s32 @!p1 $0x28;
	[sflag:s5] =	ssyncset.done @!p1 $0x0  }
0xb0: {  	s25 =	simm.s32 @!p1 $0x2800;
	[sflag:s5] =	ssyncadd.s32 @!p1 $0xFFFFFFD8;
	s5 =	sadd.s32 @!p1 $0x50, s8  }
0xb1: {  	[tilespmem:s25], [sflag:$0x1] =	stream.indirect.gather @!p1 [hbm4b:s1+s11], $0x80, s5, s11, $0xb8;
	[tilespmem:$0x1DC00] =	vst v63  }
0xb2: {  	s5 =	sadd.s32 @!p1 s6, s5  }
0xb3: {  	s8 =	sadd.s32 @!p1 $0x1450, s8;
	s25 =	simm.s32 @!p1 $0x3C00;
	s5 =	sshll.u32 @!p1 s5, $0x4  }
0xb4: {  	[tilespmem:s25], [sflag:$0x1] =	stream.indirect.gather @!p1 [hbm4b:s15+s11], $0x80, s8, s11, $0xb8;
	[tilespmem:$0x1DC00] =	vst v63  }
0xb5: {  	s5 =	sadd.s32 @!p1 s16, s5;
	s8 =	simm.s32 @!p1 $0x0;
	s11 =	simm.s32 @!p1 $0x5000  }
0xb6: {  	[tilespmem:s11], [sflag:$0x1] =	stream.linear.gather @!p1 [hbm4b:s5+s8], $0x1400, $0x38;
	[tilespmem:$0x1DC00] =	vst v63  }
0xb7: {  	_ =	swait.ge [sflag:s20], $0x1400  }
0xb8: {  	[sflag:s20] =	ssyncset.done $0x0  }
0xb9: {  	[sflag:s20] =	ssyncadd.s32 $0xFFFFEC00  }
0xba: {  	_ =	swait.ge [sflag:s20], $0x1400  }
0xbb: {  	[sflag:s20] =	ssyncset.done $0x0  }
0xbc: {  	[sflag:s20] =	ssyncadd.s32 $0xFFFFEC00  }
0xbd: {  	_ =	swait.ge [sflag:s20], $0x1400  }
0xbe: {  	[sflag:s20] =	ssyncset.done $0x0  }
0xbf: {  	s5 =	simm.s32 $0x0;
	[sflag:s20] =	ssyncadd.s32 $0xFFFFEC00  }
0xc0: {  	v11 =	vld [tilespmem:s5+$0x8C00]  }
0xc1: {  	v14 =	vld [tilespmem:s5+$0x8C10]  }
0xc2: {  	v4 =	vld [tilespmem:s5+$0x8C20]  }
0xc3: {  	v3 =	vld [tilespmem:s5+$0x8C30]  }
0xc4: {  	v2 =	vld [tilespmem:s5+$0x8C40]  }
0xc5: {  	v1 =	vld [tilespmem:s5+$0x8C50]  }
0xc6: {  	v12 =	vld [tilespmem:s5+$0x7800]  }
0xc7: {  	v13 =	vld [tilespmem:s5+$0x7810]  }
0xc8: {  	v10 =	vld [tilespmem:s5+$0x7820]  }
0xc9: {  	v9 =	vld [tilespmem:s5+$0x7830]  }
0xca: {  	v8 =	vld [tilespmem:s5+$0x7840]  }
0xcb: {  	v6 =	vld [tilespmem:s5+$0x7850]  }
0xcc: {  	v17 =	vld [tilespmem:s5+$0x6400]  }
0xcd: {  	v18 =	vld [tilespmem:s5+$0x6410]  }
0xce: {  	v7 =	vld [tilespmem:s5+$0x7860]  }
0xcf: {  	v5 =	vld [tilespmem:s5+$0x7870]  }
0xd0: {  	v16 =	vld [tilespmem:s5+$0x6420]  }
0xd1: {  	v15 =	vld [tilespmem:s5+$0x6430];
	v17 =	vadd.f32 v12, v17  }
0xd2: {  	v18 =	vadd.f32 v13, v18;
	v13 =	vld [tilespmem:s5+$0x6440]  }
0xd3: {  	v12 =	vld [tilespmem:s5+$0x6450];
	v17 =	vadd.f32 v11, v17  }
0xd4: {  	s8 =	simm.s32 $0x200;
	v14 =	vadd.f32 v14, v18;
	v11 =	vld [tilespmem:s5+$0x6460]  }
.LBB2_5:
0xd5: {  	p1 =	sne.s32 s8, $0x4E00;
	v18 =	vmul.f32 v17, v0;
	v10 =	vadd.f32 v10, v16;
	v16 =	vld [tilespmem:s5+$0x6470]  }
0xd6: {  	v19 =	vmul.f32 v14, v0;
	v9 =	vadd.f32 v9, v15;
	v15 =	vld [tilespmem:s5+$0x8C60]  }
0xd7: {  	s11 =	sshra.s32 s8, $0x2;
	v17 =	vmax.f32 v17, v18;
	v10 =	vadd.f32 v4, v10;
	v4 =	vadd.f32 v8, v13;
	v8 =	vld [tilespmem:s5+$0x8C70]  }
0xd8: {  	v18 =	vld [tilespmem:s11+$0x8C00];
	v13 =	vmax.f32 v14, v19;
	v9 =	vadd.f32 v3, v9;
	v3 =	vadd.f32 v6, v12  }
0xd9: {  	v14 =	vld [tilespmem:s11+$0x8C10];
	v6 =	vmul.f32 v10, v0;
	v12 =	vadd.f32 v2, v4;
	v2 =	vadd.f32 v7, v11  }
0xda: {  	v4 =	vld [tilespmem:s11+$0x8C20];
	[tilespmem:s5+$0x6400] =	vst v17;
	v7 =	vmul.f32 v9, v0;
	v11 =	vadd.f32 v1, v3;
	v1 =	vadd.f32 v5, v16  }
0xdb: {  	v3 =	vld [tilespmem:s11+$0x8C30];
	[tilespmem:s5+$0x6410] =	vst v13;
	v5 =	vmax.f32 v10, v6;
	v6 =	vmul.f32 v12, v0;
	v10 =	vadd.f32 v15, v2  }
0xdc: {  	v2 =	vld [tilespmem:s11+$0x8C40];
	[tilespmem:s5+$0x6420] =	vst v5;
	v5 =	vmax.f32 v9, v7;
	v7 =	vmul.f32 v11, v0;
	v8 =	vadd.f32 v8, v1  }
0xdd: {  	v1 =	vld [tilespmem:s11+$0x8C50];
	[tilespmem:s5+$0x6430] =	vst v5;
	v5 =	vmax.f32 v12, v6;
	v6 =	vmul.f32 v10, v0  }
0xde: {  	v12 =	vld [tilespmem:s11+$0x7800];
	[tilespmem:s5+$0x6440] =	vst v5;
	v5 =	vmax.f32 v11, v7;
	v7 =	vmul.f32 v8, v0  }
0xdf: {  	v11 =	vld [tilespmem:s11+$0x7810];
	[tilespmem:s5+$0x6450] =	vst v5;
	v5 =	vmax.f32 v10, v6  }
0xe0: {  	v10 =	vld [tilespmem:s11+$0x7820];
	[tilespmem:s5+$0x6460] =	vst v5;
	v5 =	vmax.f32 v8, v7  }
0xe1: {  	v9 =	vld [tilespmem:s11+$0x7830];
	[tilespmem:s5+$0x6470] =	vst v5;
	s5 =	smov.u32 s11  }
0xe2: {  	v8 =	vld [tilespmem:s5+$0x7840]  }
0xe3: {  	v6 =	vld [tilespmem:s5+$0x7850]  }
0xe4: {  	v13 =	vld [tilespmem:s5+$0x6400]  }
0xe5: {  	v17 =	vld [tilespmem:s5+$0x6410]  }
0xe6: {  	v7 =	vld [tilespmem:s5+$0x7860]  }
0xe7: {  	v5 =	vld [tilespmem:s5+$0x7870]  }
.Ltmp1:
0xe8: {  	v16 =	vld [tilespmem:s5+$0x6420];
	(pc) =	sbr.rel @p1 .LBB2_5-.Ltmp1, $4  }
0xe9: {  	v12 =	vadd.f32 v12, v13;
	v15 =	vld [tilespmem:s5+$0x6430]  }
0xea: {  	v11 =	vadd.f32 v11, v17;
	v13 =	vld [tilespmem:s5+$0x6440]  }
0xeb: {  	v17 =	vadd.f32 v18, v12;
	v12 =	vld [tilespmem:s5+$0x6450]  }
0xec: {  	s8 =	sadd.s32 $0x200, s8;
	v14 =	vadd.f32 v14, v11;
	v11 =	vld [tilespmem:s5+$0x6460]  }
0xed: {  	v18 =	vmul.f32 v17, v0;
	v10 =	vadd.f32 v10, v16;
	v56 =	vld [tilespmem:s5+$0x6470]  }
0xee: {  	v57 =	vld [tilespmem:s5+$0x8C60];
	v19 =	vmul.f32 v14, v0;
	v9 =	vadd.f32 v9, v15  }
0xef: {  	v58 =	vld [tilespmem:s5+$0x8C70];
	v17 =	vmax.f32 v17, v18;
	v4 =	vadd.f32 v4, v10;
	v8 =	vadd.f32 v8, v13  }
0xf0: {  	v59 =	vmax.f32 v14, v19;
	v3 =	vadd.f32 v3, v9;
	v6 =	vadd.f32 v6, v12  }
0xf1: {  	v60 =	vmul.f32 v4, v0;
	v2 =	vadd.f32 v2, v8;
	v7 =	vadd.f32 v7, v11  }
0xf2: {  	[tilespmem:s5+$0x6400] =	vst v17;
	v61 =	vmul.f32 v3, v0;
	v1 =	vadd.f32 v1, v6;
	v5 =	vadd.f32 v5, v56  }
0xf3: {  	[tilespmem:s5+$0x6410] =	vst v59;
	v4 =	vmax.f32 v4, v60;
	v62 =	vmul.f32 v2, v0;
	v7 =	vadd.f32 v57, v7  }
0xf4: {  	[tilespmem:s5+$0x6420] =	vst v4;
	v3 =	vmax.f32 v3, v61;
	v63 =	vmul.f32 v1, v0;
	v5 =	vadd.f32 v58, v5  }
0xf5: {  	[tilespmem:s5+$0x6430] =	vst v3;
	v2 =	vmax.f32 v2, v62;
	v3 =	vmul.f32 v7, v0  }
0xf6: {  	s29 =	sadd.s32 $0x1, s29;
	[tilespmem:s5+$0x6440] =	vst v2;
	v1 =	vmax.f32 v1, v63;
	v2 =	vmul.f32 v5, v0  }
0xf7: {  	s8 =	smul.u32 $0xA0, s30;
	p1 =	sne.s32 s29, $0x3F;
	[tilespmem:s5+$0x6450] =	vst v1;
	v1 =	vmax.f32 v7, v3  }
.Ltmp2:
0xf8: {  	[tilespmem:s5+$0x6460] =	vst v1;
	v1 =	vmax.f32 v5, v2;
	(pc) =	sbr.rel @p1 .LBB2_2-.Ltmp2, $4  }
0xf9: {  	s30 =	sshra.s32 s8, $0x2;
	[tilespmem:s5+$0x6470] =	vst v1  }
0xfa: {  	[spmem:s2] =	stream.indirect.scatter.add.f32 [tilespmem:s13], [sflag:$0x4], $0x80, s30, s9, $0xb8;
	[tilespmem:$0x1DC00] =	vst v63  }
0xfb: {  	_ = 	snop  }
0xfc: {  	[spmem:s3] =	stream.indirect.scatter.add.f32 [tilespmem:s7], [sflag:$0x4], $0x1, s30, s9, $0xb8;
	[tilespmem:$0x1DC00] =	vst v63  }
0xfd: {  	_ =	swait.ge [sflag:s21], $0x1400  }
0xfe: {  	[sflag:s21] =	ssyncset.done $0x0  }
0xff: {  	[sflag:s21] =	ssyncadd.s32 $0xFFFFEC00  }
0x100: {  	_ =	swait.ge [sflag:s21], $0x28  }
0x101: {  	[sflag:s21] =	ssyncset.done $0x0  }
0x102: {  	[sflag:s21] =	ssyncadd.s32 $0xFFFFFFD8  }
0x103: {  	_ =	swait.ge [sflag:s22], $0x1400  }
0x104: {  	[sflag:s22] =	ssyncset.done $0x0  }
0x105: {  	[sflag:s22] =	ssyncadd.s32 $0xFFFFEC00  }
0x106: {  	_ =	swait.ge [sflag:s22], $0x28  }
0x107: {  	[sflag:s22] =	ssyncset.done $0x0  }
0x108: {  	s29 =	simm.s32 $0x0;
	s5 =	rddreg [dreg:$0x7];
	[sflag:s22] =	ssyncadd.s32 $0xFFFFFFD8  }
0x109: {  	[tilespmem:s29], [sflag:$0x5] =	stream.linear.gather [hbm4b:s5+s29], $0x1360, $0x38;
	[tilespmem:$0x1DC00] =	vst v63  }
0x10a: {  	_ =	swait.ge [sflag:s4], $0x1360  }
0x10b: {  	[sflag:s4] =	ssyncset.done $0x0  }
0x10c: {  	s8 =	rddreg [dreg:$0x8];
	[sflag:s4] =	ssyncadd.s32 $0xFFFFECA0  }
0x10d: {  	[tilespmem:s12], [sflag:$0x5] =	stream.linear.gather [hbm4b:s8+s29], $0x1360, $0x38;
	[tilespmem:$0x1DC00] =	vst v63  }
0x10e: {  	_ =	swait.ge [sflag:s4], $0x1360  }
0x10f: {  	[sflag:s4] =	ssyncset.done $0x0  }
0x110: {  	[sflag:s4] =	ssyncadd.s32 $0xFFFFECA0  }
0x111: {  	[tilespmem:s10], [sflag:$0x1] =	stream.indirect.gather [hbm4b:s1+s9], $0x80, s29, s9, $0xb8;
	[tilespmem:$0x1DC00] =	vst v63  }
0x112: {  	s11 =	simm.s32 $0x3C00  }
0x113: {  	[tilespmem:s11], [sflag:$0x1] =	stream.indirect.gather [hbm4b:s15+s9], $0x80, s12, s9, $0xb8;
	[tilespmem:$0x1DC00] =	vst v63  }
0x114: {  	s30 =	simm.s32 $0x0;
	s8 =	simm.s32 $0x5000;
	s25 =	rddreg [dreg:$0x16]  }
0x115: {  	[tilespmem:s8], [sflag:$0x1] =	stream.linear.gather [hbm4b:s25+s29], $0x1400, $0x38;
	[tilespmem:$0x1DC00] =	vst v63  }
.LBB2_8:
0x116: {  	p1 =	seq.s32 s30, $0x0  }
0x117: {  	s5 =	simm.s32 @!p1 $0x4  }
0x118: {  	_ =	swait.ge @!p1 [sflag:s5], $0x1400  }
0x119: {  	[sflag:s5] =	ssyncset.done @!p1 $0x0  }
0x11a: {  	[sflag:s5] =	ssyncadd.s32 @!p1 $0xFFFFEC00  }
0x11b: {  	s8 =	smul.u32 $0x50, s30;
	_ =	swait.ge @!p1 [sflag:s5], $0x28  }
0x11c: {  	[sflag:s5] =	ssyncset.done @!p1 $0x0  }
0x11d: {  	s11 =	sadd.s32 $0x28, s8;
	s25 =	sadd.s32 s8, s31;
	[sflag:s5] =	ssyncadd.s32 @!p1 $0xFFFFFFD8  }
0x11e: {  	[tilespmem:s13], [sflag:$0x2] =	stream.indirect.gather [hbm4b:s1+s9], $0x80, s11, s9, $0xb8;
	[tilespmem:$0x1DC00] =	vst v63  }
0x11f: {  	s12 =	sadd.s32 $0x1428, s8;
	s5 =	sshll.u32 s25, $0x4  }
0x120: {  	[tilespmem:s14], [sflag:$0x2] =	stream.indirect.gather [hbm4b:s15+s9], $0x80, s12, s9, $0xb8;
	[tilespmem:$0x1DC00] =	vst v63  }
0x121: {  	s5 =	sadd.s32 s16, s5  }
0x122: {  	[tilespmem:s17], [sflag:$0x2] =	stream.linear.gather [hbm4b:s5+s29], $0x1400, $0x38;
	[tilespmem:$0x1DC00] =	vst v63  }
0x123: {  	_ =	swait.ge [sflag:s18], $0x1400  }
0x124: {  	[sflag:s18] =	ssyncset.done $0x0  }
0x125: {  	[sflag:s18] =	ssyncadd.s32 $0xFFFFEC00  }
0x126: {  	_ =	swait.ge [sflag:s18], $0x1400  }
0x127: {  	[sflag:s18] =	ssyncset.done $0x0  }
0x128: {  	[sflag:s18] =	ssyncadd.s32 $0xFFFFEC00  }
0x129: {  	_ =	swait.ge [sflag:s18], $0x1400  }
0x12a: {  	[sflag:s18] =	ssyncset.done $0x0  }
0x12b: {  	s5 =	simm.s32 $0x0;
	[sflag:s18] =	ssyncadd.s32 $0xFFFFEC00  }
0x12c: {  	v11 =	vld [tilespmem:s5+$0x5000]  }
0x12d: {  	v14 =	vld [tilespmem:s5+$0x5010]  }
0x12e: {  	v4 =	vld [tilespmem:s5+$0x5020]  }
0x12f: {  	v3 =	vld [tilespmem:s5+$0x5030]  }
0x130: {  	v2 =	vld [tilespmem:s5+$0x5040]  }
0x131: {  	v1 =	vld [tilespmem:s5+$0x5050]  }
0x132: {  	v12 =	vld [tilespmem:s5+$0x3C00]  }
0x133: {  	v13 =	vld [tilespmem:s5+$0x3C10]  }
0x134: {  	v10 =	vld [tilespmem:s5+$0x3C20]  }
0x135: {  	v9 =	vld [tilespmem:s5+$0x3C30]  }
0x136: {  	v8 =	vld [tilespmem:s5+$0x3C40]  }
0x137: {  	v6 =	vld [tilespmem:s5+$0x3C50]  }
0x138: {  	v17 =	vld [tilespmem:s5+$0x2800]  }
0x139: {  	v18 =	vld [tilespmem:s5+$0x2810]  }
0x13a: {  	v7 =	vld [tilespmem:s5+$0x3C60]  }
0x13b: {  	v5 =	vld [tilespmem:s5+$0x3C70]  }
0x13c: {  	v16 =	vld [tilespmem:s5+$0x2820]  }
0x13d: {  	v15 =	vld [tilespmem:s5+$0x2830];
	v17 =	vadd.f32 v12, v17  }
0x13e: {  	v18 =	vadd.f32 v13, v18;
	v13 =	vld [tilespmem:s5+$0x2840]  }
0x13f: {  	v12 =	vld [tilespmem:s5+$0x2850];
	v17 =	vadd.f32 v11, v17  }
0x140: {  	s11 =	simm.s32 $0x200;
	v14 =	vadd.f32 v14, v18;
	v11 =	vld [tilespmem:s5+$0x2860]  }
.LBB2_9:
0x141: {  	p1 =	sne.s32 s11, $0x4E00;
	v18 =	vmul.f32 v17, v0;
	v10 =	vadd.f32 v10, v16;
	v16 =	vld [tilespmem:s5+$0x2870]  }
0x142: {  	v19 =	vmul.f32 v14, v0;
	v9 =	vadd.f32 v9, v15;
	v15 =	vld [tilespmem:s5+$0x5060]  }
0x143: {  	s25 =	sshra.s32 s11, $0x2;
	v17 =	vmax.f32 v17, v18;
	v10 =	vadd.f32 v4, v10;
	v4 =	vadd.f32 v8, v13;
	v8 =	vld [tilespmem:s5+$0x5070]  }
0x144: {  	v18 =	vld [tilespmem:s25+$0x5000];
	v13 =	vmax.f32 v14, v19;
	v9 =	vadd.f32 v3, v9;
	v3 =	vadd.f32 v6, v12  }
0x145: {  	v14 =	vld [tilespmem:s25+$0x5010];
	v6 =	vmul.f32 v10, v0;
	v12 =	vadd.f32 v2, v4;
	v2 =	vadd.f32 v7, v11  }
0x146: {  	v4 =	vld [tilespmem:s25+$0x5020];
	[tilespmem:s5+$0x2800] =	vst v17;
	v7 =	vmul.f32 v9, v0;
	v11 =	vadd.f32 v1, v3;
	v1 =	vadd.f32 v5, v16  }
0x147: {  	v3 =	vld [tilespmem:s25+$0x5030];
	[tilespmem:s5+$0x2810] =	vst v13;
	v5 =	vmax.f32 v10, v6;
	v6 =	vmul.f32 v12, v0;
	v10 =	vadd.f32 v15, v2  }
0x148: {  	v2 =	vld [tilespmem:s25+$0x5040];
	[tilespmem:s5+$0x2820] =	vst v5;
	v5 =	vmax.f32 v9, v7;
	v7 =	vmul.f32 v11, v0;
	v8 =	vadd.f32 v8, v1  }
0x149: {  	v1 =	vld [tilespmem:s25+$0x5050];
	[tilespmem:s5+$0x2830] =	vst v5;
	v5 =	vmax.f32 v12, v6;
	v6 =	vmul.f32 v10, v0  }
0x14a: {  	v12 =	vld [tilespmem:s25+$0x3C00];
	[tilespmem:s5+$0x2840] =	vst v5;
	v5 =	vmax.f32 v11, v7;
	v7 =	vmul.f32 v8, v0  }
0x14b: {  	v11 =	vld [tilespmem:s25+$0x3C10];
	[tilespmem:s5+$0x2850] =	vst v5;
	v5 =	vmax.f32 v10, v6  }
0x14c: {  	v10 =	vld [tilespmem:s25+$0x3C20];
	[tilespmem:s5+$0x2860] =	vst v5;
	v5 =	vmax.f32 v8, v7  }
0x14d: {  	v9 =	vld [tilespmem:s25+$0x3C30];
	[tilespmem:s5+$0x2870] =	vst v5;
	s5 =	smov.u32 s25  }
0x14e: {  	v8 =	vld [tilespmem:s5+$0x3C40]  }
0x14f: {  	v6 =	vld [tilespmem:s5+$0x3C50]  }
0x150: {  	v13 =	vld [tilespmem:s5+$0x2800]  }
0x151: {  	v17 =	vld [tilespmem:s5+$0x2810]  }
0x152: {  	v7 =	vld [tilespmem:s5+$0x3C60]  }
0x153: {  	v5 =	vld [tilespmem:s5+$0x3C70]  }
.Ltmp3:
0x154: {  	v16 =	vld [tilespmem:s5+$0x2820];
	(pc) =	sbr.rel @p1 .LBB2_9-.Ltmp3, $4  }
0x155: {  	v12 =	vadd.f32 v12, v13;
	v15 =	vld [tilespmem:s5+$0x2830]  }
0x156: {  	v11 =	vadd.f32 v11, v17;
	v13 =	vld [tilespmem:s5+$0x2840]  }
0x157: {  	v17 =	vadd.f32 v18, v12;
	v12 =	vld [tilespmem:s5+$0x2850]  }
0x158: {  	s11 =	sadd.s32 $0x200, s11;
	v14 =	vadd.f32 v14, v11;
	v11 =	vld [tilespmem:s5+$0x2860]  }
0x159: {  	v18 =	vmul.f32 v17, v0;
	v10 =	vadd.f32 v10, v16;
	v16 =	vld [tilespmem:s5+$0x2870]  }
0x15a: {  	v19 =	vmul.f32 v14, v0;
	v9 =	vadd.f32 v9, v15;
	v15 =	vld [tilespmem:s5+$0x5060]  }
0x15b: {  	v17 =	vmax.f32 v17, v18;
	v4 =	vadd.f32 v4, v10;
	v8 =	vadd.f32 v8, v13;
	v10 =	vld [tilespmem:s5+$0x5070]  }
0x15c: {  	v13 =	vmax.f32 v14, v19;
	v3 =	vadd.f32 v3, v9;
	v6 =	vadd.f32 v6, v12  }
0x15d: {  	v9 =	vmul.f32 v4, v0;
	v2 =	vadd.f32 v2, v8;
	v7 =	vadd.f32 v7, v11  }
0x15e: {  	[tilespmem:s5+$0x2800] =	vst v17;
	v8 =	vmul.f32 v3, v0;
	v1 =	vadd.f32 v1, v6;
	v5 =	vadd.f32 v5, v16  }
0x15f: {  	[tilespmem:s5+$0x2810] =	vst v13;
	v4 =	vmax.f32 v4, v9;
	v6 =	vmul.f32 v2, v0;
	v7 =	vadd.f32 v15, v7  }
0x160: {  	[tilespmem:s5+$0x2820] =	vst v4;
	v3 =	vmax.f32 v3, v8;
	v4 =	vmul.f32 v1, v0;
	v5 =	vadd.f32 v10, v5  }
0x161: {  	[tilespmem:s5+$0x2830] =	vst v3;
	v2 =	vmax.f32 v2, v6;
	v3 =	vmul.f32 v7, v0  }
0x162: {  	[tilespmem:s5+$0x2840] =	vst v2;
	v1 =	vmax.f32 v1, v4;
	v2 =	vmul.f32 v5, v0  }
0x163: {  	s11 =	smul.u32 $0x140, s30;
	[tilespmem:s5+$0x2850] =	vst v1;
	v1 =	vmax.f32 v7, v3  }
0x164: {  	[tilespmem:s5+$0x2860] =	vst v1;
	v1 =	vmax.f32 v5, v2  }
0x165: {  	p1 =	sgt.u32 s30, $0x3C;
	[tilespmem:s5+$0x2870] =	vst v1;
	s5 =	sshra.s32 s11, $0x2  }
0x166: {  	[spmem:s2] =	stream.indirect.scatter.add.f32 [tilespmem:s10], [sflag:$0x3], $0x80, s5, s9, $0xb8;
	[tilespmem:$0x1DC00] =	vst v63  }
0x167: {  	s11 =	simm.s32 @!p1 $0x3  }
0x168: {  	[spmem:s3] =	stream.indirect.scatter.add.f32 [tilespmem:s7], [sflag:$0x3], $0x1, s5, s9, $0xb8;
	[tilespmem:$0x1DC00] =	vst v63  }
0x169: {  	_ =	swait.ge @!p1 [sflag:s11], $0x1400  }
0x16a: {  	[sflag:s11] =	ssyncset.done @!p1 $0x0  }
0x16b: {  	[sflag:s11] =	ssyncadd.s32 @!p1 $0xFFFFEC00  }
0x16c: {  	_ =	swait.ge @!p1 [sflag:s11], $0x28  }
0x16d: {  	s25 =	simm.s32 @!p1 $0x28;
	[sflag:s11] =	ssyncset.done @!p1 $0x0  }
0x16e: {  	s12 =	simm.s32 @!p1 $0x2800;
	[sflag:s11] =	ssyncadd.s32 @!p1 $0xFFFFFFD8;
	s11 =	sadd.s32 @!p1 $0x50, s8  }
0x16f: {  	[tilespmem:s12], [sflag:$0x1] =	stream.indirect.gather @!p1 [hbm4b:s1+s25], $0x80, s11, s25, $0xb8;
	[tilespmem:$0x1DC00] =	vst v63  }
0x170: {  	s11 =	sadd.s32 @!p1 $0x1450, s8;
	s8 =	sadd.s32 @!p1 s0, s8  }
0x171: {  	s12 =	simm.s32 @!p1 $0x3C00;
	s8 =	sshll.u32 @!p1 s8, $0x4  }
0x172: {  	[tilespmem:s12], [sflag:$0x1] =	stream.indirect.gather @!p1 [hbm4b:s15+s25], $0x80, s11, s25, $0xb8;
	[tilespmem:$0x1DC00] =	vst v63  }
0x173: {  	s8 =	sadd.s32 @!p1 s16, s8;
	s11 =	simm.s32 @!p1 $0x0;
	s12 =	simm.s32 @!p1 $0x5000  }
0x174: {  	[tilespmem:s12], [sflag:$0x1] =	stream.linear.gather @!p1 [hbm4b:s8+s11], $0x1400, $0x38;
	[tilespmem:$0x1DC00] =	vst v63  }
0x175: {  	_ =	swait.ge [sflag:s20], $0x1400  }
0x176: {  	[sflag:s20] =	ssyncset.done $0x0  }
0x177: {  	[sflag:s20] =	ssyncadd.s32 $0xFFFFEC00  }
0x178: {  	_ =	swait.ge [sflag:s20], $0x1400  }
0x179: {  	[sflag:s20] =	ssyncset.done $0x0  }
0x17a: {  	[sflag:s20] =	ssyncadd.s32 $0xFFFFEC00  }
0x17b: {  	_ =	swait.ge [sflag:s20], $0x1400  }
0x17c: {  	[sflag:s20] =	ssyncset.done $0x0  }
0x17d: {  	s8 =	simm.s32 $0x0;
	[sflag:s20] =	ssyncadd.s32 $0xFFFFEC00  }
0x17e: {  	v11 =	vld [tilespmem:s8+$0x8C00]  }
0x17f: {  	v14 =	vld [tilespmem:s8+$0x8C10]  }
0x180: {  	v4 =	vld [tilespmem:s8+$0x8C20]  }
0x181: {  	v3 =	vld [tilespmem:s8+$0x8C30]  }
0x182: {  	v2 =	vld [tilespmem:s8+$0x8C40]  }
0x183: {  	v1 =	vld [tilespmem:s8+$0x8C50]  }
0x184: {  	v12 =	vld [tilespmem:s8+$0x7800]  }
0x185: {  	v13 =	vld [tilespmem:s8+$0x7810]  }
0x186: {  	v10 =	vld [tilespmem:s8+$0x7820]  }
0x187: {  	v9 =	vld [tilespmem:s8+$0x7830]  }
0x188: {  	v8 =	vld [tilespmem:s8+$0x7840]  }
0x189: {  	v6 =	vld [tilespmem:s8+$0x7850]  }
0x18a: {  	v17 =	vld [tilespmem:s8+$0x6400]  }
0x18b: {  	v18 =	vld [tilespmem:s8+$0x6410]  }
0x18c: {  	v7 =	vld [tilespmem:s8+$0x7860]  }
0x18d: {  	v5 =	vld [tilespmem:s8+$0x7870]  }
0x18e: {  	v16 =	vld [tilespmem:s8+$0x6420]  }
0x18f: {  	v15 =	vld [tilespmem:s8+$0x6430];
	v17 =	vadd.f32 v12, v17  }
0x190: {  	v18 =	vadd.f32 v13, v18;
	v13 =	vld [tilespmem:s8+$0x6440]  }
0x191: {  	v12 =	vld [tilespmem:s8+$0x6450];
	v17 =	vadd.f32 v11, v17  }
0x192: {  	s11 =	simm.s32 $0x200;
	v14 =	vadd.f32 v14, v18;
	v11 =	vld [tilespmem:s8+$0x6460]  }
.LBB2_11:
0x193: {  	p1 =	sne.s32 s11, $0x4E00;
	v18 =	vmul.f32 v17, v0;
	v10 =	vadd.f32 v10, v16;
	v16 =	vld [tilespmem:s8+$0x6470]  }
0x194: {  	v19 =	vmul.f32 v14, v0;
	v9 =	vadd.f32 v9, v15;
	v15 =	vld [tilespmem:s8+$0x8C60]  }
0x195: {  	s12 =	sshra.s32 s11, $0x2;
	v17 =	vmax.f32 v17, v18;
	v10 =	vadd.f32 v4, v10;
	v4 =	vadd.f32 v8, v13;
	v8 =	vld [tilespmem:s8+$0x8C70]  }
0x196: {  	v18 =	vld [tilespmem:s12+$0x8C00];
	v13 =	vmax.f32 v14, v19;
	v9 =	vadd.f32 v3, v9;
	v3 =	vadd.f32 v6, v12  }
0x197: {  	v14 =	vld [tilespmem:s12+$0x8C10];
	v6 =	vmul.f32 v10, v0;
	v12 =	vadd.f32 v2, v4;
	v2 =	vadd.f32 v7, v11  }
0x198: {  	v4 =	vld [tilespmem:s12+$0x8C20];
	[tilespmem:s8+$0x6400] =	vst v17;
	v7 =	vmul.f32 v9, v0;
	v11 =	vadd.f32 v1, v3;
	v1 =	vadd.f32 v5, v16  }
0x199: {  	v3 =	vld [tilespmem:s12+$0x8C30];
	[tilespmem:s8+$0x6410] =	vst v13;
	v5 =	vmax.f32 v10, v6;
	v6 =	vmul.f32 v12, v0;
	v10 =	vadd.f32 v15, v2  }
0x19a: {  	v2 =	vld [tilespmem:s12+$0x8C40];
	[tilespmem:s8+$0x6420] =	vst v5;
	v5 =	vmax.f32 v9, v7;
	v7 =	vmul.f32 v11, v0;
	v8 =	vadd.f32 v8, v1  }
0x19b: {  	v1 =	vld [tilespmem:s12+$0x8C50];
	[tilespmem:s8+$0x6430] =	vst v5;
	v5 =	vmax.f32 v12, v6;
	v6 =	vmul.f32 v10, v0  }
0x19c: {  	v12 =	vld [tilespmem:s12+$0x7800];
	[tilespmem:s8+$0x6440] =	vst v5;
	v5 =	vmax.f32 v11, v7;
	v7 =	vmul.f32 v8, v0  }
0x19d: {  	v11 =	vld [tilespmem:s12+$0x7810];
	[tilespmem:s8+$0x6450] =	vst v5;
	v5 =	vmax.f32 v10, v6  }
0x19e: {  	v10 =	vld [tilespmem:s12+$0x7820];
	[tilespmem:s8+$0x6460] =	vst v5;
	v5 =	vmax.f32 v8, v7  }
0x19f: {  	v9 =	vld [tilespmem:s12+$0x7830];
	[tilespmem:s8+$0x6470] =	vst v5;
	s8 =	smov.u32 s12  }
0x1a0: {  	v8 =	vld [tilespmem:s8+$0x7840]  }
0x1a1: {  	v6 =	vld [tilespmem:s8+$0x7850]  }
0x1a2: {  	v13 =	vld [tilespmem:s8+$0x6400]  }
0x1a3: {  	v17 =	vld [tilespmem:s8+$0x6410]  }
0x1a4: {  	v7 =	vld [tilespmem:s8+$0x7860]  }
0x1a5: {  	v5 =	vld [tilespmem:s8+$0x7870]  }
.Ltmp4:
0x1a6: {  	v16 =	vld [tilespmem:s8+$0x6420];
	(pc) =	sbr.rel @p1 .LBB2_11-.Ltmp4, $4  }
0x1a7: {  	v12 =	vadd.f32 v12, v13;
	v15 =	vld [tilespmem:s8+$0x6430]  }
0x1a8: {  	v11 =	vadd.f32 v11, v17;
	v13 =	vld [tilespmem:s8+$0x6440]  }
0x1a9: {  	v17 =	vadd.f32 v18, v12;
	v12 =	vld [tilespmem:s8+$0x6450]  }
0x1aa: {  	s11 =	sadd.s32 $0x200, s11;
	v14 =	vadd.f32 v14, v11;
	v11 =	vld [tilespmem:s8+$0x6460]  }
0x1ab: {  	v18 =	vmul.f32 v17, v0;
	v10 =	vadd.f32 v10, v16;
	v56 =	vld [tilespmem:s8+$0x6470]  }
0x1ac: {  	v57 =	vld [tilespmem:s8+$0x8C60];
	v19 =	vmul.f32 v14, v0;
	v9 =	vadd.f32 v9, v15  }
0x1ad: {  	v58 =	vld [tilespmem:s8+$0x8C70];
	v17 =	vmax.f32 v17, v18;
	v4 =	vadd.f32 v4, v10;
	v8 =	vadd.f32 v8, v13  }
0x1ae: {  	v59 =	vmax.f32 v14, v19;
	v3 =	vadd.f32 v3, v9;
	v6 =	vadd.f32 v6, v12  }
0x1af: {  	v60 =	vmul.f32 v4, v0;
	v2 =	vadd.f32 v2, v8;
	v7 =	vadd.f32 v7, v11  }
0x1b0: {  	[tilespmem:s8+$0x6400] =	vst v17;
	v61 =	vmul.f32 v3, v0;
	v1 =	vadd.f32 v1, v6;
	v5 =	vadd.f32 v5, v56  }
0x1b1: {  	[tilespmem:s8+$0x6410] =	vst v59;
	v4 =	vmax.f32 v4, v60;
	v62 =	vmul.f32 v2, v0;
	v7 =	vadd.f32 v57, v7  }
0x1b2: {  	[tilespmem:s8+$0x6420] =	vst v4;
	v3 =	vmax.f32 v3, v61;
	v63 =	vmul.f32 v1, v0;
	v5 =	vadd.f32 v58, v5  }
0x1b3: {  	[tilespmem:s8+$0x6430] =	vst v3;
	v2 =	vmax.f32 v2, v62;
	v3 =	vmul.f32 v7, v0  }
0x1b4: {  	s30 =	sadd.s32 $0x1, s30;
	[tilespmem:s8+$0x6440] =	vst v2;
	v1 =	vmax.f32 v1, v63;
	v2 =	vmul.f32 v5, v0  }
0x1b5: {  	p1 =	sne.s32 s30, $0x3E;
	[tilespmem:s8+$0x6450] =	vst v1;
	v1 =	vmax.f32 v7, v3  }
.Ltmp5:
0x1b6: {  	[tilespmem:s8+$0x6460] =	vst v1;
	v1 =	vmax.f32 v5, v2;
	(pc) =	sbr.rel @p1 .LBB2_8-.Ltmp5, $4  }
0x1b7: {  	s5 =	sadd.s32 $0x28, s5;
	[tilespmem:s8+$0x6470] =	vst v1  }
0x1b8: {  	[spmem:s2] =	stream.indirect.scatter.add.f32 [tilespmem:s13], [sflag:$0x4], $0x80, s5, s9, $0xb8;
	[tilespmem:$0x1DC00] =	vst v63  }
0x1b9: {  	_ = 	snop  }
0x1ba: {  	[spmem:s3] =	stream.indirect.scatter.add.f32 [tilespmem:s7], [sflag:$0x4], $0x1, s5, s9, $0xb8;
	[tilespmem:$0x1DC00] =	vst v63  }
0x1bb: {  	_ =	swait.ge [sflag:s21], $0x1400  }
0x1bc: {  	[sflag:s21] =	ssyncset.done $0x0  }
0x1bd: {  	[sflag:s21] =	ssyncadd.s32 $0xFFFFEC00  }
0x1be: {  	_ =	swait.ge [sflag:s21], $0x28  }
0x1bf: {  	[sflag:s21] =	ssyncset.done $0x0  }
0x1c0: {  	[sflag:s21] =	ssyncadd.s32 $0xFFFFFFD8  }
0x1c1: {  	_ =	swait.ge [sflag:s22], $0x1400  }
0x1c2: {  	[sflag:s22] =	ssyncset.done $0x0  }
0x1c3: {  	[sflag:s22] =	ssyncadd.s32 $0xFFFFEC00  }
0x1c4: {  	_ =	swait.ge [sflag:s22], $0x28  }
0x1c5: {  	[sflag:s22] =	ssyncset.done $0x0  }
0x1c6: {  	[sflag:s22] =	ssyncadd.s32 $0xFFFFFFD8  }
0x1c7: {  	[bflag:$0x0] =	sbarrier.arrive $0xFFFF  }
0x1c8: {  	s5 =	rddreg [dreg:$0x9]  }
0x1c9: {  	s8 =	rddreg [dreg:$0x19]  }
0x1ca: {  	[hbm:s5], [sflag:s24] =	dma.local [spmem:s8], $0xC80  }
0x1cb: {  	_ =	swait.ge [sflag:s4], $0xC80  }
0x1cc: {  	[sflag:s4] =	ssyncset.done $0x0;
	s8 =	rddreg [dreg:$0xa]  }
0x1cd: {  	s11 =	rddreg [dreg:$0x1a];
	[sflag:s4] =	ssyncadd.s32 $0xFFFFF380  }
0x1ce: {  	[hbm:s8], [sflag:s24] =	dma.local [spmem:s11], $0xC80  }
0x1cf: {  	_ =	swait.ge [sflag:s4], $0xC80  }
0x1d0: {  	[sflag:s4] =	ssyncset.done $0x0;
	s12 =	rddreg [dreg:$0xb]  }
0x1d1: {  	s25 =	rddreg [dreg:$0x1b];
	[sflag:s4] =	ssyncadd.s32 $0xFFFFF380  }
0x1d2: {  	[hbm:s12], [sflag:s24] =	dma.local [spmem:s25], $0xC80  }
0x1d3: {  	_ =	swait.ge [sflag:s4], $0xC80  }
0x1d4: {  	[sflag:s4] =	ssyncset.done $0x0  }
0x1d5: {  	s5 =	rddreg [dreg:$0xc];
	[sflag:s4] =	ssyncadd.s32 $0xFFFFF380  }
0x1d6: {  	[hbm:s5], [sflag:s24] =	dma.local @!p0 [spmem:s26], $0xC80  }
0x1d7: {  	s5 =	simm.s32 @!p0 $0x5  }
0x1d8: {  	_ =	swait.ge @!p0 [sflag:s5], $0xC80  }
0x1d9: {  	[sflag:s5] =	ssyncset.done @!p0 $0x0  }
0x1da: {  	s29 =	rddreg [dreg:$0x17];
	[sflag:s5] =	ssyncadd.s32 @!p0 $0xFFFFF380  }
0x1db: {  	[hbm:s29], [sflag:s24] =	dma.local [spmem:s28], $0x50  }
0x1dc: {  	_ =	swait.ge [sflag:s4], $0x50  }
0x1dd: {  	s23 =	sadd.s32 $0x1, s23;
	s30 =	rddreg [dreg:$0x18]  }
0x1de: {  	p1 =	sne.s32 s23, s30  }
.Ltmp6:
0x1df: {  	_ = 	snop;
	(pc) =	sbr.rel @p1 .LBB2_1-.Ltmp6, $3  }
0x1e0: {  	_ =	sdelay $0x1  }
0x1e1: {  	[sflag:s4] =	ssyncset.done $0x0  }
0x1e2: {  	s12 =	simm.s32 $0x1400;
	[sflag:s4] =	ssyncadd.s32 $0xFFFFFFB0  }
0x1e3: {  	_ =	sfence.sel $0x180000  }
0x1e4: {  	[bflag:$0x0] =	sbarrier.arrive $0xFFFF  }
0x1e5: {  	_ =	strace $0x90000047  }
0x1e6: {  	s0 =	stileid.u32;
	[bflag:$0x2] =	sbarrier.arrive $0xFFFF  }
0x1e7: {  	p0 =	sne.s32 s0, $0x0;
	s0 =	rddreg [dreg:$0x4]  }
0x1e8: {  	s0 =	sadd.s32 @!p0 $0x100000, s0  }
0x1e9: {  	[sflag:s0] =	ssyncadd.tile.s32 @!p0 $0x1;
	_ =	shalt  }
.Lfunc_end2:
_tile_overlayer_lowered:
.L_overlay_start_2:
0x1ea: {  	(tag) =	ssettag $0x2  }
0x1eb: {  	s0 =	rddreg [dreg:$0x0];
	s2 =	stileid.u32  }
0x1ec: {  	s1 =	rddreg [dreg:$0x1];
	p0 =	sne.s32 s2, $0x0  }
0x1ed: {  	s3 =	rddreg [dreg:$0x2];
	[bflag:$0x3] =	sbarrier.arrive $0xFFFF;
	s2 =	simm.s32 @!p0 $0x1C05  }
0x1ee: {  	[timem:s3], [sflag:s2] =	dma.local @!p0 [hbm:s0], s1  }
0x1ef: {  	s0 =	simm.s32 @!p0 $0x5  }
0x1f0: {  	_ =	swait.ge @!p0 [sflag:s0], s1  }
0x1f1: {  	s1 =	ssub.s32 @!p0 $0x0, s1;
	[sflag:s0] =	ssyncset.done @!p0 $0x0  }
0x1f2: {  	[sflag:s0] =	ssyncadd.s32 @!p0 s1  }
0x1f3: {  	[bflag:$0x3] =	sbarrier.arrive $0xFFFF  }
0x1f4: {  	_ =	shalt  }

</sc_bundles>
